<compile_context>
chip_gen: v7x
topology: tpu7x:2x2x1
jax: 0.10.2.dev20260603
libtpu: 0.0.44.dev20260713+nightly
codegen_flags: <defaults>
</compile_context>

<pallas_src>
import functools

import jax
import jax.numpy as jnp
from jax import lax
from jax.experimental import pallas as pl
from jax.experimental.pallas import tpu as pltpu
from jax.experimental.pallas import tpu_sc as plsc

N = 10000
E = 160000
D_IN = 128
H = 64
W80 = 80
N_PAD = 10112
NC, NS = 2, 16
TILES = NC * NS
CHUNK = 128
E_PER_TILE = 5120
NCHUNK = E_PER_TILE // CHUNK
E_PAD = E_PER_TILE * TILES
ROWS_PER_TILE = N_PAD // NS
BLK = 200
NBLK = N // BLK
ECLAMP = 60.0

def _dot_t(a, b):
    return lax.dot_general(a.astype(jnp.bfloat16), b.astype(jnp.bfloat16),
                           (((1,), (1,)), ((), ())),
                           preferred_element_type=jnp.float32)




def _stage1_body(x_ref, win_ref, bin_ref, wl_ref, bl_ref, wr_ref, br_ref,
                 att_ref, hl_ref, hr_ref, selfc_ref):
    h = jnp.maximum(_dot_t(x_ref[...], win_ref[...]) + bin_ref[...], 0.0)
    hl = _dot_t(h, wl_ref[...]) + bl_ref[...]
    hr = _dot_t(h, wr_ref[...]) + br_ref[...]
    hl_ref[...] = hl
    hr_ref[...] = hr
    t = hl + hr
    t = jnp.maximum(t, 0.2 * t)
    e = lax.dot_general(t, att_ref[...], (((1,), (0,)), ((), ())),
                        precision=jax.lax.Precision.HIGHEST,
                        preferred_element_type=jnp.float32)
    ex = jnp.exp(jnp.minimum(e, ECLAMP))
    selfc_ref[...] = jnp.concatenate(
        [ex * hl, jnp.broadcast_to(ex, (BLK, 16))], axis=1)


def _stage1(x, W_in, b_in, Wl, bl, Wr, br, att):
    return pl.pallas_call(
        _stage1_body,
        grid=(NBLK,),
        in_specs=[
            pl.BlockSpec((BLK, D_IN), lambda i: (i, 0)),
            pl.BlockSpec((H, D_IN), lambda i: (0, 0)),
            pl.BlockSpec((1, H), lambda i: (0, 0)),
            pl.BlockSpec((H, H), lambda i: (0, 0)),
            pl.BlockSpec((1, H), lambda i: (0, 0)),
            pl.BlockSpec((H, H), lambda i: (0, 0)),
            pl.BlockSpec((1, H), lambda i: (0, 0)),
            pl.BlockSpec((H, 1), lambda i: (0, 0)),
        ],
        out_specs=[
            pl.BlockSpec((BLK, H), lambda i: (i, 0)),
            pl.BlockSpec((BLK, H), lambda i: (i, 0)),
            pl.BlockSpec((BLK, W80), lambda i: (i, 0)),
        ],
        out_shape=[
            jax.ShapeDtypeStruct((N, H), jnp.float32),
            jax.ShapeDtypeStruct((N, H), jnp.float32),
            jax.ShapeDtypeStruct((N, W80), jnp.float32),
        ],
    )(x, W_in, b_in.reshape(1, H), Wl, bl.reshape(1, H), Wr, br.reshape(1, H),
      att.reshape(H, 1))




def _lane_sum(v):
    lanes = lax.iota(jnp.int32, 16)
    for m in (8, 4, 2, 1):
        v = v + v.at[lanes ^ m].get(mode="promise_in_bounds")
    return v


def _bf16_round(v):
    t = v * jnp.float32(65537.0)
    return t - (t - v)


NPAIR = NCHUNK // 2


def _sc_edges_body(hl_hbm, hr_hbm, att_hbm, src_hbm, dst_hbm, zeros_hbm,
                   out_hbm, src_a, dst_a, src_b, dst_b, sdst_a, sdst_b, hl_a,
                   hr_a, hl_b, hr_b, staged_a, staged_b, att_v, accum,
                   sem_ia, sem_ib, sem_al, sem_ar, sem_bl, sem_br, sem_sa,
                   sem_sb):
    c = lax.axis_index("c")
    s = lax.axis_index("s")
    wid = s * NC + c
    row0 = s * ROWS_PER_TILE
    pltpu.sync_copy(att_hbm, att_v)
    pltpu.sync_copy(zeros_hbm.at[pl.ds(row0, ROWS_PER_TILE)],
                    accum.at[pl.ds(row0, ROWS_PER_TILE)])
    plsc.subcore_barrier()

    ebase = wid * E_PER_TILE

    def fire_idx(g, sv, dv, sem):
        off = ebase + g * CHUNK
        pltpu.async_copy(src_hbm.at[pl.ds(off, CHUNK)], sv, sem)
        pltpu.async_copy(dst_hbm.at[pl.ds(off, CHUNK)], dv, sem)

    def wait_idx(sv, dv, sem):
        pltpu.make_async_copy(src_hbm.at[pl.ds(0, CHUNK)], sv, sem).wait()
        pltpu.make_async_copy(dst_hbm.at[pl.ds(0, CHUNK)], dv, sem).wait()

    def fire_rows(sv, dv, hlv, hrv, sl, sr):
        pltpu.async_copy(hl_hbm.at[sv], hlv, sl)
        pltpu.async_copy(hr_hbm.at[dv], hrv, sr)

    def wait_rows(sv, dv, hlv, hrv, sl, sr):
        pltpu.make_async_copy(hl_hbm.at[sv], hlv, sl).wait()
        pltpu.make_async_copy(hr_hbm.at[dv], hrv, sr).wait()

    def wait_scatter(stg, sdv, sem):
        pass

    def compute_chunk(hlv, hrv, dv, stg, sdv, sem):
        for k in range(CHUNK // 16):
            sdv[pl.ds(k * 16, 16)] = dv[pl.ds(k * 16, 16)]

        def edge_body(j, carry2):
            at0, at1, at2, at3 = carry2
            acc = jnp.zeros((16,), jnp.float32)
            for d, at in ((0, at0), (1, at1), (2, at2), (3, at3)):
                a = hlv[j, pl.ds(d * 16, 16)]
                b = hrv[j, pl.ds(d * 16, 16)]
                t = a + b
                t = jnp.maximum(t, 0.2 * t)
                acc = acc + t * at
            e = jnp.minimum(_lane_sum(acc), ECLAMP)
            ex = jnp.exp(e)
            for d in range(4):
                stg[j, pl.ds(d * 16, 16)] = ex * hlv[j, pl.ds(d * 16, 16)]
            stg[j, pl.ds(H, 16)] = ex
            return carry2

        atts0 = tuple(att_v[pl.ds(d * 16, 16)] for d in range(4))
        lax.fori_loop(0, CHUNK, edge_body, atts0, unroll=4)
        pltpu.sync_copy(stg, accum.at[sdv], add=True)

    fire_idx(0, src_a, dst_a, sem_ia)
    fire_idx(1, src_b, dst_b, sem_ib)
    wait_idx(src_a, dst_a, sem_ia)
    fire_rows(src_a, dst_a, hl_a, hr_a, sem_al, sem_ar)

    def pair_body(i, carry):
        g = 2 * i
        wait_idx(src_b, dst_b, sem_ib)
        fire_rows(src_b, dst_b, hl_b, hr_b, sem_bl, sem_br)
        wait_rows(src_a, dst_a, hl_a, hr_a, sem_al, sem_ar)

        @pl.when(i > 0)
        def _drain_sa():
            wait_scatter(staged_a, sdst_a, sem_sa)

        compute_chunk(hl_a, hr_a, dst_a, staged_a, sdst_a, sem_sa)

        @pl.when(i < NPAIR - 1)
        def _prefetch_a():
            fire_idx(g + 2, src_a, dst_a, sem_ia)

        @pl.when(i < NPAIR - 1)
        def _rows_a():
            wait_idx(src_a, dst_a, sem_ia)
            fire_rows(src_a, dst_a, hl_a, hr_a, sem_al, sem_ar)

        wait_rows(src_b, dst_b, hl_b, hr_b, sem_bl, sem_br)

        @pl.when(i > 0)
        def _drain_sb():
            wait_scatter(staged_b, sdst_b, sem_sb)

        compute_chunk(hl_b, hr_b, dst_b, staged_b, sdst_b, sem_sb)

        @pl.when(i < NPAIR - 1)
        def _prefetch_b():
            fire_idx(g + 3, src_b, dst_b, sem_ib)

        return carry

    lax.fori_loop(0, NPAIR, pair_body, 0)
    wait_scatter(staged_a, sdst_a, sem_sa)
    wait_scatter(staged_b, sdst_b, sem_sb)
    plsc.subcore_barrier()
    pltpu.sync_copy(accum.at[pl.ds(row0, ROWS_PER_TILE)],
                    out_hbm.at[c, pl.ds(row0, ROWS_PER_TILE)])


@functools.partial(
    pl.kernel,
    out_type=jax.ShapeDtypeStruct((NC, N_PAD, W80), jnp.float32),
    mesh=plsc.VectorSubcoreMesh(core_axis_name="c", subcore_axis_name="s"),
    scratch_types=[
        pltpu.VMEM((CHUNK,), jnp.int32),
        pltpu.VMEM((CHUNK,), jnp.int32),
        pltpu.VMEM((CHUNK,), jnp.int32),
        pltpu.VMEM((CHUNK,), jnp.int32),
        pltpu.VMEM((CHUNK,), jnp.int32),
        pltpu.VMEM((CHUNK,), jnp.int32),
        pltpu.VMEM((CHUNK, H), jnp.float32),
        pltpu.VMEM((CHUNK, H), jnp.float32),
        pltpu.VMEM((CHUNK, H), jnp.float32),
        pltpu.VMEM((CHUNK, H), jnp.float32),
        pltpu.VMEM((CHUNK, W80), jnp.float32),
        pltpu.VMEM((CHUNK, W80), jnp.float32),
        pltpu.VMEM((H,), jnp.float32),
        pltpu.VMEM_SHARED((N_PAD, W80), jnp.float32),
        pltpu.SemaphoreType.DMA,
        pltpu.SemaphoreType.DMA,
        pltpu.SemaphoreType.DMA,
        pltpu.SemaphoreType.DMA,
        pltpu.SemaphoreType.DMA,
        pltpu.SemaphoreType.DMA,
        pltpu.SemaphoreType.DMA,
        pltpu.SemaphoreType.DMA,
    ],
    compiler_params=pltpu.CompilerParams(use_tc_tiling_on_sc=False),
)
def _sc_edges(hl_hbm, hr_hbm, att_hbm, src_hbm, dst_hbm, zeros_hbm, out_hbm,
              src_a, dst_a, src_b, dst_b, sdst_a, sdst_b, hl_a, hr_a, hl_b,
              hr_b, staged_a, staged_b, att_v, accum, sem_ia, sem_ib, sem_al,
              sem_ar, sem_bl, sem_br, sem_sa, sem_sb):
    _sc_edges_body(hl_hbm, hr_hbm, att_hbm, src_hbm, dst_hbm, zeros_hbm,
                   out_hbm, src_a, dst_a, src_b, dst_b, sdst_a, sdst_b, hl_a,
                   hr_a, hl_b, hr_b, staged_a, staged_b, att_v, accum,
                   sem_ia, sem_ib, sem_al, sem_ar, sem_bl, sem_br, sem_sa,
                   sem_sb)




def _stage3a_body(part_ref, selfc_ref, gbias_ref, z_ref):
    tot = part_ref[0] + part_ref[1] + selfc_ref[...]
    num = tot[:, :H]
    den = tot[:, H:H + 1]
    gat = num / (den + 1e-16) + gbias_ref[...]
    z_ref[...] = jnp.maximum(gat, 0.2 * gat)


def _stage3a(partials, selfc, gat_bias):
    return pl.pallas_call(
        _stage3a_body,
        grid=(NBLK,),
        in_specs=[
            pl.BlockSpec((NC, BLK, W80), lambda i: (0, i, 0)),
            pl.BlockSpec((BLK, W80), lambda i: (i, 0)),
            pl.BlockSpec((1, H), lambda i: (0, 0)),
        ],
        out_specs=pl.BlockSpec((BLK, H), lambda i: (i, 0)),
        out_shape=jax.ShapeDtypeStruct((N, H), jnp.float32),
    )(partials, selfc, gat_bias.reshape(1, H))




def _stage3b_body(w1_ref, zf_ref, bo1_ref, wo_ref, bo_ref, y_ref, acc):
    i = pl.program_id(0)

    @pl.when(i == 0)
    def _init():
        acc[...] = jnp.zeros_like(acc)

    z = zf_ref[...]
    w = w1_ref[...]
    zh = z.astype(jnp.bfloat16)
    zl = (z - zh.astype(jnp.float32)).astype(jnp.bfloat16)
    wh = w.astype(jnp.bfloat16)
    wl = (w - wh.astype(jnp.float32)).astype(jnp.bfloat16)

    def _dot(a, b):
        return lax.dot_general(a, b, (((1,), (1,)), ((), ())),
                               preferred_element_type=jnp.float32)

    acc[...] += (_dot(zh, wh) + _dot(zh, wl)) + _dot(zl, wh)

    @pl.when(i == NBLK - 1)
    def _fin():
        zo = jnp.maximum(acc[...] + bo1_ref[...], 0.0)
        y_ref[0, 0] = jnp.sum(zo * wo_ref[...]) + bo_ref[0]


def _stage3b(W_o1, z_flat, b_o1, W_o, b_o):
    kblk = BLK * H
    return pl.pallas_call(
        _stage3b_body,
        grid=(NBLK,),
        in_specs=[
            pl.BlockSpec((H, kblk), lambda i: (0, i)),
            pl.BlockSpec((1, kblk), lambda i: (0, i)),
            pl.BlockSpec((1, H), lambda i: (0, 0)),
            pl.BlockSpec((1, H), lambda i: (0, 0)),
            pl.BlockSpec(memory_space=pltpu.MemorySpace.SMEM),
        ],
        out_specs=pl.BlockSpec(memory_space=pltpu.MemorySpace.SMEM),
        out_shape=jax.ShapeDtypeStruct((1, 1), jnp.float32),
        scratch_shapes=[pltpu.VMEM((1, H), jnp.float32)],
    )(W_o1, z_flat, b_o1.reshape(1, H), W_o, b_o)




def kernel(x, edge_index, W_in, b_in, Wl, bl, Wr, br, att, gat_bias, W_o1,
           b_o1, W_o, b_o):
    hl, hr, selfc = _stage1(x, W_in, b_in, Wl, bl, Wr, br, att)

    hl_t = jnp.pad(hl, ((0, N_PAD - N), (0, 0)))
    hr_t = jnp.pad(hr, ((0, N_PAD - N), (0, 0)))
    pad = jnp.full((E_PAD - E,), N, dtype=jnp.int32)
    src_p = jnp.concatenate([edge_index[0], pad])
    dst_p = jnp.concatenate([edge_index[1], pad])
    zeros = jnp.zeros((N_PAD, W80), jnp.float32)

    partials = _sc_edges(hl_t, hr_t, att, src_p, dst_p, zeros)

    z = _stage3a(partials, selfc, gat_bias)
    y = _stage3b(W_o1, z.reshape(1, N * H), b_o1, W_o, b_o)
    return y.reshape(1)

# --- scband reference (transcript-rebuilt; emitter-appended) ---
"""Pipeline reference for scband-gat-protein-60395830116947 (READ-ONLY COPY).

The authoritative reference and input builder live on the scoring server;
editing this copy changes nothing except your own understanding.
"""

import jax, jax.numpy as jnp
import numpy as np

N = 10000
E = 160000
D_IN = 128
H = 64
ALPHA = 0.2


def setup_inputs(seed: int = 0) -> dict:
    key = jax.random.key(seed)
    ks = jax.random.split(key, 16)
    x = jax.random.normal(ks[0], (N, D_IN), dtype=jnp.float32)
    edge_index = jax.random.randint(ks[1], (2, E), 0, N, dtype=jnp.int32)
    W_in = jax.random.normal(ks[2], (H, D_IN), dtype=jnp.float32) * 0.05
    b_in = jnp.zeros((H,), dtype=jnp.float32)
    Wl = jax.random.normal(ks[3], (H, H), dtype=jnp.float32) * 0.05
    bl = jnp.zeros((H,), dtype=jnp.float32)
    Wr = jax.random.normal(ks[4], (H, H), dtype=jnp.float32) * 0.05
    br = jnp.zeros((H,), dtype=jnp.float32)
    att = jax.random.normal(ks[5], (H,), dtype=jnp.float32) * 0.05
    gat_bias = jnp.zeros((H,), dtype=jnp.float32)
    W_o1 = jax.random.normal(ks[6], (H, H * N), dtype=jnp.float32) * 0.002
    b_o1 = jnp.zeros((H,), dtype=jnp.float32)
    W_o = jax.random.normal(ks[7], (1, H), dtype=jnp.float32) * 0.05
    b_o = jnp.zeros((1,), dtype=jnp.float32)
    return {"x": x, "edge_index": edge_index, "W_in": W_in, "b_in": b_in,
            "Wl": Wl, "bl": bl, "Wr": Wr, "br": br, "att": att,
            "gat_bias": gat_bias, "W_o1": W_o1, "b_o1": b_o1,
            "W_o": W_o, "b_o": b_o}


def reference(x, edge_index, W_in, b_in, Wl, bl, Wr, br, att, gat_bias, W_o1, b_o1, W_o, b_o):
    # input_layer + relu
    h = jax.nn.relu(x @ W_in.T + b_in)
    # GATv2Conv (heads=1, concat=True, add_self_loops=True, negative_slope=0.2)
    loop = jnp.arange(N, dtype=edge_index.dtype)
    src = jnp.concatenate([edge_index[0], loop])
    dst = jnp.concatenate([edge_index[1], loop])
    hl = h @ Wl.T + bl  # source transform
    hr = h @ Wr.T + br  # target transform
    e = jax.nn.leaky_relu(hl[src] + hr[dst], 0.2) @ att  # [E+N]
    e_max = jax.ops.segment_max(e, dst, num_segments=N)
    e_max = jnp.where(jnp.isfinite(e_max), e_max, 0.0)
    ex = jnp.exp(e - e_max[dst])
    denom = jax.ops.segment_sum(ex, dst, num_segments=N)
    alpha_e = ex / (denom[dst] + 1e-16)
    gat_out = jax.ops.segment_sum(alpha_e[:, None] * hl[src], dst, num_segments=N) + gat_bias
    # leakyrelu(alpha=0.2) from the module
    z = jax.nn.leaky_relu(gat_out, ALPHA)
    # flatten -> output_layer1 -> relu -> output_layer
    z = z.reshape(-1)  # [N*H]
    z = jax.nn.relu(z @ W_o1.T + b_o1)  # [H]
    y = z @ W_o.T + b_o  # [1]
    return y

if __name__ == "__main__":
    import jax
    _d = setup_inputs()
    print(jax.jit(kernel)(*tuple(_d.values())))

</pallas_src>

<mosaic_0001>
#map = affine_map<(d0, d1) -> (0, 0)>
#map1 = affine_map<(d0, d1) -> (0)>
#map2 = affine_map<(d0, d1) -> (0, 0, 0)>
module attributes {stable_mosaic.version = 14 : i64} {
  func.func @_sc_edges(%arg0: i32, %arg1: i32, %arg2: memref<10112x64xf32, #tpu.memory_space<hbm>>, %arg3: memref<10112x64xf32, #tpu.memory_space<hbm>>, %arg4: memref<64xf32, #tpu.memory_space<hbm>>, %arg5: memref<163840xi32, #tpu.memory_space<hbm>>, %arg6: memref<163840xi32, #tpu.memory_space<hbm>>, %arg7: memref<10112x80xf32, #tpu.memory_space<hbm>>, %arg8: memref<2x10112x80xf32, #tpu.memory_space<hbm>>, %arg9: memref<128xi32, #tpu.memory_space<vmem>>, %arg10: memref<128xi32, #tpu.memory_space<vmem>>, %arg11: memref<128xi32, #tpu.memory_space<vmem>>, %arg12: memref<128xi32, #tpu.memory_space<vmem>>, %arg13: memref<128xi32, #tpu.memory_space<vmem>>, %arg14: memref<128xi32, #tpu.memory_space<vmem>>, %arg15: memref<128x64xf32, #tpu.memory_space<vmem>>, %arg16: memref<128x64xf32, #tpu.memory_space<vmem>>, %arg17: memref<128x64xf32, #tpu.memory_space<vmem>>, %arg18: memref<128x64xf32, #tpu.memory_space<vmem>>, %arg19: memref<128x80xf32, #tpu.memory_space<vmem>>, %arg20: memref<128x80xf32, #tpu.memory_space<vmem>>, %arg21: memref<64xf32, #tpu.memory_space<vmem>>, %arg22: memref<10112x80xf32, #tpu.memory_space<vmem_shared>>, %arg23: memref<!tpu.dma_semaphore, #tpu.memory_space<semaphore_mem>>, %arg24: memref<!tpu.dma_semaphore, #tpu.memory_space<semaphore_mem>>, %arg25: memref<!tpu.dma_semaphore, #tpu.memory_space<semaphore_mem>>, %arg26: memref<!tpu.dma_semaphore, #tpu.memory_space<semaphore_mem>>, %arg27: memref<!tpu.dma_semaphore, #tpu.memory_space<semaphore_mem>>, %arg28: memref<!tpu.dma_semaphore, #tpu.memory_space<semaphore_mem>>, %arg29: memref<!tpu.dma_semaphore, #tpu.memory_space<semaphore_mem>>, %arg30: memref<!tpu.dma_semaphore, #tpu.memory_space<semaphore_mem>>) attributes {dimension_semantics = [#tpu.dimension_semantics<core_parallel>, #tpu.dimension_semantics<subcore_parallel>], iteration_bounds = array<i64: 2, 16>, scalar_prefetch = 0 : i64, scratch_operands = 22 : i64, tpu.core_type = #tpu.core_type<sc_vector_subcore>, window_params = [{transform_indices = #map}, {transform_indices = #map}, {transform_indices = #map1}, {transform_indices = #map1}, {transform_indices = #map1}, {transform_indices = #map}, {transform_indices = #map2}]} {
    %mul3A = arith.constant 2 : i32
    %mul3A_0 = arith.muli %arg1, %mul3A : i32
    %add3A = arith.addi %mul3A_0, %arg0 : i32
    %mul3A_1 = arith.constant 632 : i32
    %mul3A_2 = arith.muli %arg1, %mul3A_1 : i32
    "tpu.region"() ({
      %run_scoped3A = tpu.sem_alloc : memref<!tpu.dma_semaphore, #tpu.memory_space<semaphore_mem>>
      tpu.enqueue_dma source(%arg4 : memref<64xf32, #tpu.memory_space<hbm>>) target(%arg21 : memref<64xf32, #tpu.memory_space<vmem>>) target_semaphore(%run_scoped3A : memref<!tpu.dma_semaphore, #tpu.memory_space<semaphore_mem>>)
      tpu.wait_dma2 semaphore(%run_scoped3A : memref<!tpu.dma_semaphore, #tpu.memory_space<semaphore_mem>>) src(%arg4 : memref<64xf32, #tpu.memory_space<hbm>>) dst(%arg21 : memref<64xf32, #tpu.memory_space<vmem>>)
      tpu.yield
    }) : () -> ()
    "tpu.region"() ({
      %run_scoped3A = tpu.sem_alloc : memref<!tpu.dma_semaphore, #tpu.memory_space<semaphore_mem>>
      %dma_start3A_35 = arith.constant 0 : i32
      %dma_start3A_36 = tpu.memref_slice %arg22[%mul3A_2, %dma_start3A_35] : memref<10112x80xf32, #tpu.memory_space<vmem_shared>> -> memref<632x80xf32, #tpu.memory_space<vmem_shared>>
      %dma_start3A_37 = arith.constant 0 : i32
      %dma_start3A_38 = tpu.memref_slice %arg7[%mul3A_2, %dma_start3A_37] : memref<10112x80xf32, #tpu.memory_space<hbm>> -> memref<632x80xf32, #tpu.memory_space<hbm>>
      tpu.enqueue_dma source(%dma_start3A_38 : memref<632x80xf32, #tpu.memory_space<hbm>>) target(%dma_start3A_36 : memref<632x80xf32, #tpu.memory_space<vmem_shared>>) target_semaphore(%run_scoped3A : memref<!tpu.dma_semaphore, #tpu.memory_space<semaphore_mem>>)
      %dma_wait3A_39 = arith.constant 0 : i32
      %dma_wait3A_40 = tpu.memref_slice %arg22[%mul3A_2, %dma_wait3A_39] : memref<10112x80xf32, #tpu.memory_space<vmem_shared>> -> memref<632x80xf32, #tpu.memory_space<vmem_shared>>
      %dma_wait3A_41 = arith.constant 0 : i32
      %dma_wait3A_42 = tpu.memref_slice %arg7[%mul3A_2, %dma_wait3A_41] : memref<10112x80xf32, #tpu.memory_space<hbm>> -> memref<632x80xf32, #tpu.memory_space<hbm>>
      tpu.wait_dma2 semaphore(%run_scoped3A : memref<!tpu.dma_semaphore, #tpu.memory_space<semaphore_mem>>) src(%dma_wait3A_42 : memref<632x80xf32, #tpu.memory_space<hbm>>) dst(%dma_wait3A_40 : memref<632x80xf32, #tpu.memory_space<vmem_shared>>)
      tpu.yield
    }) : () -> ()
    %barrier3A = arith.constant 0 : index
    tpu.barrier barrier_id(%barrier3A)
    %mul3A_3 = arith.constant 5120 : i32
    %mul3A_4 = arith.muli %add3A, %mul3A_3 : i32
    %add3A_5 = arith.constant 0 : i32
    %add3A_6 = arith.addi %mul3A_4, %add3A_5 : i32
    %dma_start3A = tpu.memref_slice %arg5[%add3A_6] : memref<163840xi32, #tpu.memory_space<hbm>> -> memref<128xi32, #tpu.memory_space<hbm>>
    %dma_start3A_7 = tpu.memref_slice %arg5[%add3A_6] : memref<163840xi32, #tpu.memory_space<hbm>> -> memref<128xi32, #tpu.memory_space<hbm>>
    tpu.enqueue_dma source(%dma_start3A_7 : memref<128xi32, #tpu.memory_space<hbm>>) target(%arg9 : memref<128xi32, #tpu.memory_space<vmem>>) target_semaphore(%arg23 : memref<!tpu.dma_semaphore, #tpu.memory_space<semaphore_mem>>)
    %dma_start3A_8 = tpu.memref_slice %arg6[%add3A_6] : memref<163840xi32, #tpu.memory_space<hbm>> -> memref<128xi32, #tpu.memory_space<hbm>>
    %dma_start3A_9 = tpu.memref_slice %arg6[%add3A_6] : memref<163840xi32, #tpu.memory_space<hbm>> -> memref<128xi32, #tpu.memory_space<hbm>>
    tpu.enqueue_dma source(%dma_start3A_9 : memref<128xi32, #tpu.memory_space<hbm>>) target(%arg10 : memref<128xi32, #tpu.memory_space<vmem>>) target_semaphore(%arg23 : memref<!tpu.dma_semaphore, #tpu.memory_space<semaphore_mem>>)
    %add3A_10 = arith.constant 128 : i32
    %add3A_11 = arith.addi %mul3A_4, %add3A_10 : i32
    %dma_start3A_12 = tpu.memref_slice %arg5[%add3A_11] : memref<163840xi32, #tpu.memory_space<hbm>> -> memref<128xi32, #tpu.memory_space<hbm>>
    %dma_start3A_13 = tpu.memref_slice %arg5[%add3A_11] : memref<163840xi32, #tpu.memory_space<hbm>> -> memref<128xi32, #tpu.memory_space<hbm>>
    tpu.enqueue_dma source(%dma_start3A_13 : memref<128xi32, #tpu.memory_space<hbm>>) target(%arg11 : memref<128xi32, #tpu.memory_space<vmem>>) target_semaphore(%arg24 : memref<!tpu.dma_semaphore, #tpu.memory_space<semaphore_mem>>)
    %dma_start3A_14 = tpu.memref_slice %arg6[%add3A_11] : memref<163840xi32, #tpu.memory_space<hbm>> -> memref<128xi32, #tpu.memory_space<hbm>>
    %dma_start3A_15 = tpu.memref_slice %arg6[%add3A_11] : memref<163840xi32, #tpu.memory_space<hbm>> -> memref<128xi32, #tpu.memory_space<hbm>>
    tpu.enqueue_dma source(%dma_start3A_15 : memref<128xi32, #tpu.memory_space<hbm>>) target(%arg12 : memref<128xi32, #tpu.memory_space<vmem>>) target_semaphore(%arg24 : memref<!tpu.dma_semaphore, #tpu.memory_space<semaphore_mem>>)
    %dma_wait3A = arith.constant 0 : i32
    %dma_wait3A_16 = tpu.memref_slice %arg5[%dma_wait3A] : memref<163840xi32, #tpu.memory_space<hbm>> -> memref<128xi32, #tpu.memory_space<hbm>>
    %dma_wait3A_17 = arith.constant 0 : i32
    %dma_wait3A_18 = tpu.memref_slice %arg5[%dma_wait3A_17] : memref<163840xi32, #tpu.memory_space<hbm>> -> memref<128xi32, #tpu.memory_space<hbm>>
    tpu.wait_dma2 semaphore(%arg23 : memref<!tpu.dma_semaphore, #tpu.memory_space<semaphore_mem>>) src(%dma_wait3A_18 : memref<128xi32, #tpu.memory_space<hbm>>) dst(%arg9 : memref<128xi32, #tpu.memory_space<vmem>>)
    %dma_wait3A_19 = arith.constant 0 : i32
    %dma_wait3A_20 = tpu.memref_slice %arg6[%dma_wait3A_19] : memref<163840xi32, #tpu.memory_space<hbm>> -> memref<128xi32, #tpu.memory_space<hbm>>
    %dma_wait3A_21 = arith.constant 0 : i32
    %dma_wait3A_22 = tpu.memref_slice %arg6[%dma_wait3A_21] : memref<163840xi32, #tpu.memory_space<hbm>> -> memref<128xi32, #tpu.memory_space<hbm>>
    tpu.wait_dma2 semaphore(%arg23 : memref<!tpu.dma_semaphore, #tpu.memory_space<semaphore_mem>>) src(%dma_wait3A_22 : memref<128xi32, #tpu.memory_space<hbm>>) dst(%arg10 : memref<128xi32, #tpu.memory_space<vmem>>)
    %dma_start3A_23 = arith.constant 0 : i32
    %dma_start3A_24 = arith.constant 0 : i32
    %dma_start3A_25 = tpu.memref_slice %arg2[%dma_start3A_23, %dma_start3A_24] : memref<10112x64xf32, #tpu.memory_space<hbm>> -> memref<10112x64xf32, #tpu.memory_space<hbm>>
    tpu.enqueue_indirect_dma source(%dma_start3A_25 : memref<10112x64xf32, #tpu.memory_space<hbm>>) target(%arg15 : memref<128x64xf32, #tpu.memory_space<vmem>>) offsets(%arg9 : memref<128xi32, #tpu.memory_space<vmem>>) semaphore(%arg25 : memref<!tpu.dma_semaphore, #tpu.memory_space<semaphore_mem>>)
    %dma_start3A_26 = arith.constant 0 : i32
    %dma_start3A_27 = arith.constant 0 : i32
    %dma_start3A_28 = tpu.memref_slice %arg3[%dma_start3A_26, %dma_start3A_27] : memref<10112x64xf32, #tpu.memory_space<hbm>> -> memref<10112x64xf32, #tpu.memory_space<hbm>>
    tpu.enqueue_indirect_dma source(%dma_start3A_28 : memref<10112x64xf32, #tpu.memory_space<hbm>>) target(%arg16 : memref<128x64xf32, #tpu.memory_space<vmem>>) offsets(%arg10 : memref<128xi32, #tpu.memory_space<vmem>>) semaphore(%arg26 : memref<!tpu.dma_semaphore, #tpu.memory_space<semaphore_mem>>)
    %scan3A = arith.constant 0 : i32
    %scan3A_29 = arith.constant 0 : i32
    %scan3A_30 = arith.constant 20 : i32
    %scan3A_31 = arith.addi %scan3A_29, %scan3A_30 : i32
    %scan3A_32 = arith.constant 1 : i32
    scf.for %scan3A_35 = %scan3A_29 to %scan3A_31 step %scan3A_32  : i32 {
      %mul3A_36 = arith.constant 2 : i32
      %mul3A_37 = arith.muli %mul3A_36, %scan3A_35 : i32
      %dma_wait3A_38 = arith.constant 0 : i32
      %dma_wait3A_39 = tpu.memref_slice %arg5[%dma_wait3A_38] : memref<163840xi32, #tpu.memory_space<hbm>> -> memref<128xi32, #tpu.memory_space<hbm>>
      %dma_wait3A_40 = arith.constant 0 : i32
      %dma_wait3A_41 = tpu.memref_slice %arg5[%dma_wait3A_40] : memref<163840xi32, #tpu.memory_space<hbm>> -> memref<128xi32, #tpu.memory_space<hbm>>
      tpu.wait_dma2 semaphore(%arg24 : memref<!tpu.dma_semaphore, #tpu.memory_space<semaphore_mem>>) src(%dma_wait3A_41 : memref<128xi32, #tpu.memory_space<hbm>>) dst(%arg11 : memref<128xi32, #tpu.memory_space<vmem>>)
      %dma_wait3A_42 = arith.constant 0 : i32
      %dma_wait3A_43 = tpu.memref_slice %arg6[%dma_wait3A_42] : memref<163840xi32, #tpu.memory_space<hbm>> -> memref<128xi32, #tpu.memory_space<hbm>>
      %dma_wait3A_44 = arith.constant 0 : i32
      %dma_wait3A_45 = tpu.memref_slice %arg6[%dma_wait3A_44] : memref<163840xi32, #tpu.memory_space<hbm>> -> memref<128xi32, #tpu.memory_space<hbm>>
      tpu.wait_dma2 semaphore(%arg24 : memref<!tpu.dma_semaphore, #tpu.memory_space<semaphore_mem>>) src(%dma_wait3A_45 : memref<128xi32, #tpu.memory_space<hbm>>) dst(%arg12 : memref<128xi32, #tpu.memory_space<vmem>>)
      %dma_start3A_46 = arith.constant 0 : i32
      %dma_start3A_47 = arith.constant 0 : i32
      %dma_start3A_48 = tpu.memref_slice %arg2[%dma_start3A_46, %dma_start3A_47] : memref<10112x64xf32, #tpu.memory_space<hbm>> -> memref<10112x64xf32, #tpu.memory_space<hbm>>
      tpu.enqueue_indirect_dma source(%dma_start3A_48 : memref<10112x64xf32, #tpu.memory_space<hbm>>) target(%arg17 : memref<128x64xf32, #tpu.memory_space<vmem>>) offsets(%arg11 : memref<128xi32, #tpu.memory_space<vmem>>) semaphore(%arg27 : memref<!tpu.dma_semaphore, #tpu.memory_space<semaphore_mem>>)
      %dma_start3A_49 = arith.constant 0 : i32
      %dma_start3A_50 = arith.constant 0 : i32
      %dma_start3A_51 = tpu.memref_slice %arg3[%dma_start3A_49, %dma_start3A_50] : memref<10112x64xf32, #tpu.memory_space<hbm>> -> memref<10112x64xf32, #tpu.memory_space<hbm>>
      tpu.enqueue_indirect_dma source(%dma_start3A_51 : memref<10112x64xf32, #tpu.memory_space<hbm>>) target(%arg18 : memref<128x64xf32, #tpu.memory_space<vmem>>) offsets(%arg12 : memref<128xi32, #tpu.memory_space<vmem>>) semaphore(%arg28 : memref<!tpu.dma_semaphore, #tpu.memory_space<semaphore_mem>>)
      %dma_wait3A_52 = arith.constant 0 : i32
      %dma_wait3A_53 = arith.constant 0 : i32
      %dma_wait3A_54 = tpu.memref_slice %arg2[%dma_wait3A_52, %dma_wait3A_53] : memref<10112x64xf32, #tpu.memory_space<hbm>> -> memref<10112x64xf32, #tpu.memory_space<hbm>>
      tpu.wait_indirect_dma semaphore(%arg25 : memref<!tpu.dma_semaphore, #tpu.memory_space<semaphore_mem>>) src(%dma_wait3A_54 : memref<10112x64xf32, #tpu.memory_space<hbm>>) dst(%arg15 : memref<128x64xf32, #tpu.memory_space<vmem>>)
      %dma_wait3A_55 = arith.constant 0 : i32
      %dma_wait3A_56 = arith.constant 0 : i32
      %dma_wait3A_57 = tpu.memref_slice %arg3[%dma_wait3A_55, %dma_wait3A_56] : memref<10112x64xf32, #tpu.memory_space<hbm>> -> memref<10112x64xf32, #tpu.memory_space<hbm>>
      tpu.wait_indirect_dma semaphore(%arg26 : memref<!tpu.dma_semaphore, #tpu.memory_space<semaphore_mem>>) src(%dma_wait3A_57 : memref<10112x64xf32, #tpu.memory_space<hbm>>) dst(%arg16 : memref<128x64xf32, #tpu.memory_space<vmem>>)
      %gt3A = arith.constant 0 : i32
      %gt3A_58 = arith.cmpi sgt, %scan3A_35, %gt3A : i32
      %convert_element_type3A = arith.extui %gt3A_58 : i1 to i32
      %cond3A = arith.constant 0 : i32
      %cond3A_59 = arith.cmpi ne, %convert_element_type3A, %cond3A : i32
      scf.if %cond3A_59 {
      } else {
      }
      %get3A = arith.constant 0 : index
      %get3A_60 = tpu.vector_load %arg10[%get3A] {strides = array<i32>} : memref<128xi32, #tpu.memory_space<vmem>>, vector<16xi32>,
      %get3A_61 = vector.shape_cast %get3A_60 : vector<16xi32> to vector<16xi32>
      %swap3A = arith.constant 0 : index
      %swap3A_62 = tpu.vector_load %arg13[%swap3A] {strides = array<i32>} : memref<128xi32, #tpu.memory_space<vmem>>, vector<16xi32>,
      %swap3A_63 = vector.shape_cast %swap3A_62 : vector<16xi32> to vector<16xi32>
      %swap3A_64 = vector.shape_cast %get3A_61 : vector<16xi32> to vector<16xi32>
      tpu.vector_store %arg13[%swap3A], %swap3A_64 {strides = array<i32>} : memref<128xi32, #tpu.memory_space<vmem>>, vector<16xi32>,
      %get3A_65 = arith.constant 16 : index
      %get3A_66 = tpu.vector_load %arg10[%get3A_65] {strides = array<i32>} : memref<128xi32, #tpu.memory_space<vmem>>, vector<16xi32>,
      %get3A_67 = vector.shape_cast %get3A_66 : vector<16xi32> to vector<16xi32>
      %swap3A_68 = arith.constant 16 : index
      %swap3A_69 = tpu.vector_load %arg13[%swap3A_68] {strides = array<i32>} : memref<128xi32, #tpu.memory_space<vmem>>, vector<16xi32>,
      %swap3A_70 = vector.shape_cast %swap3A_69 : vector<16xi32> to vector<16xi32>
      %swap3A_71 = vector.shape_cast %get3A_67 : vector<16xi32> to vector<16xi32>
      tpu.vector_store %arg13[%swap3A_68], %swap3A_71 {strides = array<i32>} : memref<128xi32, #tpu.memory_space<vmem>>, vector<16xi32>,
      %get3A_72 = arith.constant 32 : index
      %get3A_73 = tpu.vector_load %arg10[%get3A_72] {strides = array<i32>} : memref<128xi32, #tpu.memory_space<vmem>>, vector<16xi32>,
      %get3A_74 = vector.shape_cast %get3A_73 : vector<16xi32> to vector<16xi32>
      %swap3A_75 = arith.constant 32 : index
      %swap3A_76 = tpu.vector_load %arg13[%swap3A_75] {strides = array<i32>} : memref<128xi32, #tpu.memory_space<vmem>>, vector<16xi32>,
      %swap3A_77 = vector.shape_cast %swap3A_76 : vector<16xi32> to vector<16xi32>
      %swap3A_78 = vector.shape_cast %get3A_74 : vector<16xi32> to vector<16xi32>
      tpu.vector_store %arg13[%swap3A_75], %swap3A_78 {strides = array<i32>} : memref<128xi32, #tpu.memory_space<vmem>>, vector<16xi32>,
      %get3A_79 = arith.constant 48 : index
      %get3A_80 = tpu.vector_load %arg10[%get3A_79] {strides = array<i32>} : memref<128xi32, #tpu.memory_space<vmem>>, vector<16xi32>,
      %get3A_81 = vector.shape_cast %get3A_80 : vector<16xi32> to vector<16xi32>
      %swap3A_82 = arith.constant 48 : index
      %swap3A_83 = tpu.vector_load %arg13[%swap3A_82] {strides = array<i32>} : memref<128xi32, #tpu.memory_space<vmem>>, vector<16xi32>,
      %swap3A_84 = vector.shape_cast %swap3A_83 : vector<16xi32> to vector<16xi32>
      %swap3A_85 = vector.shape_cast %get3A_81 : vector<16xi32> to vector<16xi32>
      tpu.vector_store %arg13[%swap3A_82], %swap3A_85 {strides = array<i32>} : memref<128xi32, #tpu.memory_space<vmem>>, vector<16xi32>,
      %get3A_86 = arith.constant 64 : index
      %get3A_87 = tpu.vector_load %arg10[%get3A_86] {strides = array<i32>} : memref<128xi32, #tpu.memory_space<vmem>>, vector<16xi32>,
      %get3A_88 = vector.shape_cast %get3A_87 : vector<16xi32> to vector<16xi32>
      %swap3A_89 = arith.constant 64 : index
      %swap3A_90 = tpu.vector_load %arg13[%swap3A_89] {strides = array<i32>} : memref<128xi32, #tpu.memory_space<vmem>>, vector<16xi32>,
      %swap3A_91 = vector.shape_cast %swap3A_90 : vector<16xi32> to vector<16xi32>
      %swap3A_92 = vector.shape_cast %get3A_88 : vector<16xi32> to vector<16xi32>
      tpu.vector_store %arg13[%swap3A_89], %swap3A_92 {strides = array<i32>} : memref<128xi32, #tpu.memory_space<vmem>>, vector<16xi32>,
      %get3A_93 = arith.constant 80 : index
      %get3A_94 = tpu.vector_load %arg10[%get3A_93] {strides = array<i32>} : memref<128xi32, #tpu.memory_space<vmem>>, vector<16xi32>,
      %get3A_95 = vector.shape_cast %get3A_94 : vector<16xi32> to vector<16xi32>
      %swap3A_96 = arith.constant 80 : index
      %swap3A_97 = tpu.vector_load %arg13[%swap3A_96] {strides = array<i32>} : memref<128xi32, #tpu.memory_space<vmem>>, vector<16xi32>,
      %swap3A_98 = vector.shape_cast %swap3A_97 : vector<16xi32> to vector<16xi32>
      %swap3A_99 = vector.shape_cast %get3A_95 : vector<16xi32> to vector<16xi32>
      tpu.vector_store %arg13[%swap3A_96], %swap3A_99 {strides = array<i32>} : memref<128xi32, #tpu.memory_space<vmem>>, vector<16xi32>,
      %get3A_100 = arith.constant 96 : index
      %get3A_101 = tpu.vector_load %arg10[%get3A_100] {strides = array<i32>} : memref<128xi32, #tpu.memory_space<vmem>>, vector<16xi32>,
      %get3A_102 = vector.shape_cast %get3A_101 : vector<16xi32> to vector<16xi32>
      %swap3A_103 = arith.constant 96 : index
      %swap3A_104 = tpu.vector_load %arg13[%swap3A_103] {strides = array<i32>} : memref<128xi32, #tpu.memory_space<vmem>>, vector<16xi32>,
      %swap3A_105 = vector.shape_cast %swap3A_104 : vector<16xi32> to vector<16xi32>
      %swap3A_106 = vector.shape_cast %get3A_102 : vector<16xi32> to vector<16xi32>
      tpu.vector_store %arg13[%swap3A_103], %swap3A_106 {strides = array<i32>} : memref<128xi32, #tpu.memory_space<vmem>>, vector<16xi32>,
      %get3A_107 = arith.constant 112 : index
      %get3A_108 = tpu.vector_load %arg10[%get3A_107] {strides = array<i32>} : memref<128xi32, #tpu.memory_space<vmem>>, vector<16xi32>,
      %get3A_109 = vector.shape_cast %get3A_108 : vector<16xi32> to vector<16xi32>
      %swap3A_110 = arith.constant 112 : index
      %swap3A_111 = tpu.vector_load %arg13[%swap3A_110] {strides = array<i32>} : memref<128xi32, #tpu.memory_space<vmem>>, vector<16xi32>,
      %swap3A_112 = vector.shape_cast %swap3A_111 : vector<16xi32> to vector<16xi32>
      %swap3A_113 = vector.shape_cast %get3A_109 : vector<16xi32> to vector<16xi32>
      tpu.vector_store %arg13[%swap3A_110], %swap3A_113 {strides = array<i32>} : memref<128xi32, #tpu.memory_space<vmem>>, vector<16xi32>,
      %get3A_114 = arith.constant 0 : index
      %get3A_115 = tpu.vector_load %arg21[%get3A_114] {strides = array<i32>} : memref<64xf32, #tpu.memory_space<vmem>>, vector<16xf32>,
      %get3A_116 = vector.shape_cast %get3A_115 : vector<16xf32> to vector<16xf32>
      %get3A_117 = arith.constant 16 : index
      %get3A_118 = tpu.vector_load %arg21[%get3A_117] {strides = array<i32>} : memref<64xf32, #tpu.memory_space<vmem>>, vector<16xf32>,
      %get3A_119 = vector.shape_cast %get3A_118 : vector<16xf32> to vector<16xf32>
      %get3A_120 = arith.constant 32 : index
      %get3A_121 = tpu.vector_load %arg21[%get3A_120] {strides = array<i32>} : memref<64xf32, #tpu.memory_space<vmem>>, vector<16xf32>,
      %get3A_122 = vector.shape_cast %get3A_121 : vector<16xf32> to vector<16xf32>
      %get3A_123 = arith.constant 48 : index
      %get3A_124 = tpu.vector_load %arg21[%get3A_123] {strides = array<i32>} : memref<64xf32, #tpu.memory_space<vmem>>, vector<16xf32>,
      %get3A_125 = vector.shape_cast %get3A_124 : vector<16xf32> to vector<16xf32>
      %scan3A_126 = arith.constant 0 : i32
      %scan3A_127 = arith.constant 128 : i32
      %scan3A_128 = arith.addi %scan3A_126, %scan3A_127 : i32
      %scan3A_129 = arith.constant 4 : i32
      scf.for %scan3A_229 = %scan3A_126 to %scan3A_128 step %scan3A_129  : i32 {
        %broadcast_in_dim3A = arith.constant 0.000000e+00 : f32
        %broadcast_in_dim3A_230 = vector.broadcast %broadcast_in_dim3A : f32 to vector<16xf32>
        %get3A_231 = arith.index_cast %scan3A_229 : i32 to index
        %get3A_232 = arith.constant 0 : index
        %get3A_233 = tpu.vector_load %arg15[%get3A_231, %get3A_232] {strides = array<i32>} : memref<128x64xf32, #tpu.memory_space<vmem>>, vector<1x16xf32>,
        %get3A_234 = vector.shape_cast %get3A_233 : vector<1x16xf32> to vector<16xf32>
        %get3A_235 = arith.index_cast %scan3A_229 : i32 to index
        %get3A_236 = arith.constant 0 : index
        %get3A_237 = tpu.vector_load %arg16[%get3A_235, %get3A_236] {strides = array<i32>} : memref<128x64xf32, #tpu.memory_space<vmem>>, vector<1x16xf32>,
        %get3A_238 = vector.shape_cast %get3A_237 : vector<1x16xf32> to vector<16xf32>
        %add3A_239 = arith.addf %get3A_234, %get3A_238 : vector<16xf32>
        %mul3A_240 = arith.constant 2.000000e-01 : f32
        %mul3A_241 = vector.broadcast %mul3A_240 : f32 to vector<16xf32>
        %mul3A_242 = arith.mulf %mul3A_241, %add3A_239 : vector<16xf32>
        %max3A = arith.maximumf %add3A_239, %mul3A_242 : vector<16xf32>
        %mul3A_243 = arith.mulf %max3A, %get3A_116 : vector<16xf32>
        %add3A_244 = arith.addf %broadcast_in_dim3A_230, %mul3A_243 : vector<16xf32>
        %get3A_245 = arith.index_cast %scan3A_229 : i32 to index
        %get3A_246 = arith.constant 16 : index
        %get3A_247 = tpu.vector_load %arg15[%get3A_245, %get3A_246] {strides = array<i32>} : memref<128x64xf32, #tpu.memory_space<vmem>>, vector<1x16xf32>,
        %get3A_248 = vector.shape_cast %get3A_247 : vector<1x16xf32> to vector<16xf32>
        %get3A_249 = arith.index_cast %scan3A_229 : i32 to index
        %get3A_250 = arith.constant 16 : index
        %get3A_251 = tpu.vector_load %arg16[%get3A_249, %get3A_250] {strides = array<i32>} : memref<128x64xf32, #tpu.memory_space<vmem>>, vector<1x16xf32>,
        %get3A_252 = vector.shape_cast %get3A_251 : vector<1x16xf32> to vector<16xf32>
        %add3A_253 = arith.addf %get3A_248, %get3A_252 : vector<16xf32>
        %mul3A_254 = arith.constant 2.000000e-01 : f32
        %mul3A_255 = vector.broadcast %mul3A_254 : f32 to vector<16xf32>
        %mul3A_256 = arith.mulf %mul3A_255, %add3A_253 : vector<16xf32>
        %max3A_257 = arith.maximumf %add3A_253, %mul3A_256 : vector<16xf32>
        %mul3A_258 = arith.mulf %max3A_257, %get3A_119 : vector<16xf32>
        %add3A_259 = arith.addf %add3A_244, %mul3A_258 : vector<16xf32>
        %get3A_260 = arith.index_cast %scan3A_229 : i32 to index
        %get3A_261 = arith.constant 32 : index
        %get3A_262 = tpu.vector_load %arg15[%get3A_260, %get3A_261] {strides = array<i32>} : memref<128x64xf32, #tpu.memory_space<vmem>>, vector<1x16xf32>,
        %get3A_263 = vector.shape_cast %get3A_262 : vector<1x16xf32> to vector<16xf32>
        %get3A_264 = arith.index_cast %scan3A_229 : i32 to index
        %get3A_265 = arith.constant 32 : index
        %get3A_266 = tpu.vector_load %arg16[%get3A_264, %get3A_265] {strides = array<i32>} : memref<128x64xf32, #tpu.memory_space<vmem>>, vector<1x16xf32>,
        %get3A_267 = vector.shape_cast %get3A_266 : vector<1x16xf32> to vector<16xf32>
        %add3A_268 = arith.addf %get3A_263, %get3A_267 : vector<16xf32>
        %mul3A_269 = arith.constant 2.000000e-01 : f32
        %mul3A_270 = vector.broadcast %mul3A_269 : f32 to vector<16xf32>
        %mul3A_271 = arith.mulf %mul3A_270, %add3A_268 : vector<16xf32>
        %max3A_272 = arith.maximumf %add3A_268, %mul3A_271 : vector<16xf32>
        %mul3A_273 = arith.mulf %max3A_272, %get3A_122 : vector<16xf32>
        %add3A_274 = arith.addf %add3A_259, %mul3A_273 : vector<16xf32>
        %get3A_275 = arith.index_cast %scan3A_229 : i32 to index
        %get3A_276 = arith.constant 48 : index
        %get3A_277 = tpu.vector_load %arg15[%get3A_275, %get3A_276] {strides = array<i32>} : memref<128x64xf32, #tpu.memory_space<vmem>>, vector<1x16xf32>,
        %get3A_278 = vector.shape_cast %get3A_277 : vector<1x16xf32> to vector<16xf32>
        %get3A_279 = arith.index_cast %scan3A_229 : i32 to index
        %get3A_280 = arith.constant 48 : index
        %get3A_281 = tpu.vector_load %arg16[%get3A_279, %get3A_280] {strides = array<i32>} : memref<128x64xf32, #tpu.memory_space<vmem>>, vector<1x16xf32>,
        %get3A_282 = vector.shape_cast %get3A_281 : vector<1x16xf32> to vector<16xf32>
        %add3A_283 = arith.addf %get3A_278, %get3A_282 : vector<16xf32>
        %mul3A_284 = arith.constant 2.000000e-01 : f32
        %mul3A_285 = vector.broadcast %mul3A_284 : f32 to vector<16xf32>
        %mul3A_286 = arith.mulf %mul3A_285, %add3A_283 : vector<16xf32>
        %max3A_287 = arith.maximumf %add3A_283, %mul3A_286 : vector<16xf32>
        %mul3A_288 = arith.mulf %max3A_287, %get3A_125 : vector<16xf32>
        %add3A_289 = arith.addf %add3A_274, %mul3A_288 : vector<16xf32>
        %iota3A = tpu.iota {dimensions = array<i32: 0>} : vector<16xi32>
        %xor3A = arith.constant 8 : i32
        %xor3A_290 = vector.broadcast %xor3A : i32 to vector<16xi32>
        %xor3A_291 = arith.xori %iota3A, %xor3A_290 : vector<16xi32>
        %lt3A_292 = arith.constant 0 : i32
        %lt3A_293 = vector.broadcast %lt3A_292 : i32 to vector<16xi32>
        %lt3A_294 = arith.cmpi slt, %xor3A_291, %lt3A_293 : vector<16xi32>
        %add3A_295 = arith.constant 16 : i32
        %add3A_296 = vector.broadcast %add3A_295 : i32 to vector<16xi32>
        %add3A_297 = arith.addi %xor3A_291, %add3A_296 : vector<16xi32>
        %select_n3A = arith.select %lt3A_294, %add3A_297, %xor3A_291 : vector<16xi1>, vector<16xi32>
        %broadcast_in_dim3A_298 = vector.shape_cast %select_n3A : vector<16xi32> to vector<16x1xi32>
        %gather3A = vector.shape_cast %broadcast_in_dim3A_298 : vector<16x1xi32> to vector<16xi32>
        %gather3A_299 = tpu.dynamic_gather %add3A_289[%gather3A] in [0] : vector<16xf32>, vector<16xi32> -> vector<16xf32>
        %add3A_300 = arith.addf %add3A_289, %gather3A_299 : vector<16xf32>
        %xor3A_301 = arith.constant 4 : i32
        %xor3A_302 = vector.broadcast %xor3A_301 : i32 to vector<16xi32>
        %xor3A_303 = arith.xori %iota3A, %xor3A_302 : vector<16xi32>
        %lt3A_304 = arith.constant 0 : i32
        %lt3A_305 = vector.broadcast %lt3A_304 : i32 to vector<16xi32>
        %lt3A_306 = arith.cmpi slt, %xor3A_303, %lt3A_305 : vector<16xi32>
        %add3A_307 = arith.constant 16 : i32
        %add3A_308 = vector.broadcast %add3A_307 : i32 to vector<16xi32>
        %add3A_309 = arith.addi %xor3A_303, %add3A_308 : vector<16xi32>
        %select_n3A_310 = arith.select %lt3A_306, %add3A_309, %xor3A_303 : vector<16xi1>, vector<16xi32>
        %broadcast_in_dim3A_311 = vector.shape_cast %select_n3A_310 : vector<16xi32> to vector<16x1xi32>
        %gather3A_312 = vector.shape_cast %broadcast_in_dim3A_311 : vector<16x1xi32> to vector<16xi32>
        %gather3A_313 = tpu.dynamic_gather %add3A_300[%gather3A_312] in [0] : vector<16xf32>, vector<16xi32> -> vector<16xf32>
        %add3A_314 = arith.addf %add3A_300, %gather3A_313 : vector<16xf32>
        %xor3A_315 = arith.constant 2 : i32
        %xor3A_316 = vector.broadcast %xor3A_315 : i32 to vector<16xi32>
        %xor3A_317 = arith.xori %iota3A, %xor3A_316 : vector<16xi32>
        %lt3A_318 = arith.constant 0 : i32
        %lt3A_319 = vector.broadcast %lt3A_318 : i32 to vector<16xi32>
        %lt3A_320 = arith.cmpi slt, %xor3A_317, %lt3A_319 : vector<16xi32>
        %add3A_321 = arith.constant 16 : i32
        %add3A_322 = vector.broadcast %add3A_321 : i32 to vector<16xi32>
        %add3A_323 = arith.addi %xor3A_317, %add3A_322 : vector<16xi32>
        %select_n3A_324 = arith.select %lt3A_320, %add3A_323, %xor3A_317 : vector<16xi1>, vector<16xi32>
        %broadcast_in_dim3A_325 = vector.shape_cast %select_n3A_324 : vector<16xi32> to vector<16x1xi32>
        %gather3A_326 = vector.shape_cast %broadcast_in_dim3A_325 : vector<16x1xi32> to vector<16xi32>
        %gather3A_327 = tpu.dynamic_gather %add3A_314[%gather3A_326] in [0] : vector<16xf32>, vector<16xi32> -> vector<16xf32>
        %add3A_328 = arith.addf %add3A_314, %gather3A_327 : vector<16xf32>
        %xor3A_329 = arith.constant 1 : i32
        %xor3A_330 = vector.broadcast %xor3A_329 : i32 to vector<16xi32>
        %xor3A_331 = arith.xori %iota3A, %xor3A_330 : vector<16xi32>
        %lt3A_332 = arith.constant 0 : i32
        %lt3A_333 = vector.broadcast %lt3A_332 : i32 to vector<16xi32>
        %lt3A_334 = arith.cmpi slt, %xor3A_331, %lt3A_333 : vector<16xi32>
        %add3A_335 = arith.constant 16 : i32
        %add3A_336 = vector.broadcast %add3A_335 : i32 to vector<16xi32>
        %add3A_337 = arith.addi %xor3A_331, %add3A_336 : vector<16xi32>
        %select_n3A_338 = arith.select %lt3A_334, %add3A_337, %xor3A_331 : vector<16xi1>, vector<16xi32>
        %broadcast_in_dim3A_339 = vector.shape_cast %select_n3A_338 : vector<16xi32> to vector<16x1xi32>
        %gather3A_340 = vector.shape_cast %broadcast_in_dim3A_339 : vector<16x1xi32> to vector<16xi32>
        %gather3A_341 = tpu.dynamic_gather %add3A_328[%gather3A_340] in [0] : vector<16xf32>, vector<16xi32> -> vector<16xf32>
        %add3A_342 = arith.addf %add3A_328, %gather3A_341 : vector<16xf32>
        %min3A = arith.constant 6.000000e+01 : f32
        %min3A_343 = vector.broadcast %min3A : f32 to vector<16xf32>
        %min3A_344 = arith.minimumf %add3A_342, %min3A_343 : vector<16xf32>
        %exp3A = math.exp %min3A_344 : vector<16xf32>
        %get3A_345 = arith.index_cast %scan3A_229 : i32 to index
        %get3A_346 = arith.constant 0 : index
        %get3A_347 = tpu.vector_load %arg15[%get3A_345, %get3A_346] {strides = array<i32>} : memref<128x64xf32, #tpu.memory_space<vmem>>, vector<1x16xf32>,
        %get3A_348 = vector.shape_cast %get3A_347 : vector<1x16xf32> to vector<16xf32>
        %mul3A_349 = arith.mulf %exp3A, %get3A_348 : vector<16xf32>
        %swap3A_350 = arith.index_cast %scan3A_229 : i32 to index
        %swap3A_351 = arith.constant 0 : index
        %swap3A_352 = tpu.vector_load %arg19[%swap3A_350, %swap3A_351] {strides = array<i32>} : memref<128x80xf32, #tpu.memory_space<vmem>>, vector<1x16xf32>,
        %swap3A_353 = vector.shape_cast %swap3A_352 : vector<1x16xf32> to vector<16xf32>
        %swap3A_354 = vector.shape_cast %mul3A_349 : vector<16xf32> to vector<1x16xf32>
        tpu.vector_store %arg19[%swap3A_350, %swap3A_351], %swap3A_354 {strides = array<i32>} : memref<128x80xf32, #tpu.memory_space<vmem>>, vector<1x16xf32>,
        %get3A_355 = arith.index_cast %scan3A_229 : i32 to index
        %get3A_356 = arith.constant 16 : index
        %get3A_357 = tpu.vector_load %arg15[%get3A_355, %get3A_356] {strides = array<i32>} : memref<128x64xf32, #tpu.memory_space<vmem>>, vector<1x16xf32>,
        %get3A_358 = vector.shape_cast %get3A_357 : vector<1x16xf32> to vector<16xf32>
        %mul3A_359 = arith.mulf %exp3A, %get3A_358 : vector<16xf32>
        %swap3A_360 = arith.index_cast %scan3A_229 : i32 to index
        %swap3A_361 = arith.constant 16 : index
        %swap3A_362 = tpu.vector_load %arg19[%swap3A_360, %swap3A_361] {strides = array<i32>} : memref<128x80xf32, #tpu.memory_space<vmem>>, vector<1x16xf32>,
        %swap3A_363 = vector.shape_cast %swap3A_362 : vector<1x16xf32> to vector<16xf32>
        %swap3A_364 = vector.shape_cast %mul3A_359 : vector<16xf32> to vector<1x16xf32>
        tpu.vector_store %arg19[%swap3A_360, %swap3A_361], %swap3A_364 {strides = array<i32>} : memref<128x80xf32, #tpu.memory_space<vmem>>, vector<1x16xf32>,
        %get3A_365 = arith.index_cast %scan3A_229 : i32 to index
        %get3A_366 = arith.constant 32 : index
        %get3A_367 = tpu.vector_load %arg15[%get3A_365, %get3A_366] {strides = array<i32>} : memref<128x64xf32, #tpu.memory_space<vmem>>, vector<1x16xf32>,
        %get3A_368 = vector.shape_cast %get3A_367 : vector<1x16xf32> to vector<16xf32>
        %mul3A_369 = arith.mulf %exp3A, %get3A_368 : vector<16xf32>
        %swap3A_370 = arith.index_cast %scan3A_229 : i32 to index
        %swap3A_371 = arith.constant 32 : index
        %swap3A_372 = tpu.vector_load %arg19[%swap3A_370, %swap3A_371] {strides = array<i32>} : memref<128x80xf32, #tpu.memory_space<vmem>>, vector<1x16xf32>,
        %swap3A_373 = vector.shape_cast %swap3A_372 : vector<1x16xf32> to vector<16xf32>
        %swap3A_374 = vector.shape_cast %mul3A_369 : vector<16xf32> to vector<1x16xf32>
        tpu.vector_store %arg19[%swap3A_370, %swap3A_371], %swap3A_374 {strides = array<i32>} : memref<128x80xf32, #tpu.memory_space<vmem>>, vector<1x16xf32>,
        %get3A_375 = arith.index_cast %scan3A_229 : i32 to index
        %get3A_376 = arith.constant 48 : index
        %get3A_377 = tpu.vector_load %arg15[%get3A_375, %get3A_376] {strides = array<i32>} : memref<128x64xf32, #tpu.memory_space<vmem>>, vector<1x16xf32>,
        %get3A_378 = vector.shape_cast %get3A_377 : vector<1x16xf32> to vector<16xf32>
        %mul3A_379 = arith.mulf %exp3A, %get3A_378 : vector<16xf32>
        %swap3A_380 = arith.index_cast %scan3A_229 : i32 to index
        %swap3A_381 = arith.constant 48 : index
        %swap3A_382 = tpu.vector_load %arg19[%swap3A_380, %swap3A_381] {strides = array<i32>} : memref<128x80xf32, #tpu.memory_space<vmem>>, vector<1x16xf32>,
        %swap3A_383 = vector.shape_cast %swap3A_382 : vector<1x16xf32> to vector<16xf32>
        %swap3A_384 = vector.shape_cast %mul3A_379 : vector<16xf32> to vector<1x16xf32>
        tpu.vector_store %arg19[%swap3A_380, %swap3A_381], %swap3A_384 {strides = array<i32>} : memref<128x80xf32, #tpu.memory_space<vmem>>, vector<1x16xf32>,
        %swap3A_385 = arith.index_cast %scan3A_229 : i32 to index
        %swap3A_386 = arith.constant 64 : index
        %swap3A_387 = tpu.vector_load %arg19[%swap3A_385, %swap3A_386] {strides = array<i32>} : memref<128x80xf32, #tpu.memory_space<vmem>>, vector<1x16xf32>,
        %swap3A_388 = vector.shape_cast %swap3A_387 : vector<1x16xf32> to vector<16xf32>
        %swap3A_389 = vector.shape_cast %exp3A : vector<16xf32> to vector<1x16xf32>
        tpu.vector_store %arg19[%swap3A_385, %swap3A_386], %swap3A_389 {strides = array<i32>} : memref<128x80xf32, #tpu.memory_space<vmem>>, vector<1x16xf32>,
        %scan3A_390 = arith.constant 1 : i32
        %scan3A_391 = arith.addi %scan3A_229, %scan3A_390 : i32
        %broadcast_in_dim3A_392 = arith.constant 0.000000e+00 : f32
        %broadcast_in_dim3A_393 = vector.broadcast %broadcast_in_dim3A_392 : f32 to vector<16xf32>
        %get3A_394 = arith.index_cast %scan3A_391 : i32 to index
        %get3A_395 = arith.constant 0 : index
        %get3A_396 = tpu.vector_load %arg15[%get3A_394, %get3A_395] {strides = array<i32>} : memref<128x64xf32, #tpu.memory_space<vmem>>, vector<1x16xf32>,
        %get3A_397 = vector.shape_cast %get3A_396 : vector<1x16xf32> to vector<16xf32>
        %get3A_398 = arith.index_cast %scan3A_391 : i32 to index
        %get3A_399 = arith.constant 0 : index
        %get3A_400 = tpu.vector_load %arg16[%get3A_398, %get3A_399] {strides = array<i32>} : memref<128x64xf32, #tpu.memory_space<vmem>>, vector<1x16xf32>,
        %get3A_401 = vector.shape_cast %get3A_400 : vector<1x16xf32> to vector<16xf32>
        %add3A_402 = arith.addf %get3A_397, %get3A_401 : vector<16xf32>
        %mul3A_403 = arith.constant 2.000000e-01 : f32
        %mul3A_404 = vector.broadcast %mul3A_403 : f32 to vector<16xf32>
        %mul3A_405 = arith.mulf %mul3A_404, %add3A_402 : vector<16xf32>
        %max3A_406 = arith.maximumf %add3A_402, %mul3A_405 : vector<16xf32>
        %mul3A_407 = arith.mulf %max3A_406, %get3A_116 : vector<16xf32>
        %add3A_408 = arith.addf %broadcast_in_dim3A_393, %mul3A_407 : vector<16xf32>
        %get3A_409 = arith.index_cast %scan3A_391 : i32 to index
        %get3A_410 = arith.constant 16 : index
        %get3A_411 = tpu.vector_load %arg15[%get3A_409, %get3A_410] {strides = array<i32>} : memref<128x64xf32, #tpu.memory_space<vmem>>, vector<1x16xf32>,
        %get3A_412 = vector.shape_cast %get3A_411 : vector<1x16xf32> to vector<16xf32>
        %get3A_413 = arith.index_cast %scan3A_391 : i32 to index
        %get3A_414 = arith.constant 16 : index
        %get3A_415 = tpu.vector_load %arg16[%get3A_413, %get3A_414] {strides = array<i32>} : memref<128x64xf32, #tpu.memory_space<vmem>>, vector<1x16xf32>,
        %get3A_416 = vector.shape_cast %get3A_415 : vector<1x16xf32> to vector<16xf32>
        %add3A_417 = arith.addf %get3A_412, %get3A_416 : vector<16xf32>
        %mul3A_418 = arith.constant 2.000000e-01 : f32
        %mul3A_419 = vector.broadcast %mul3A_418 : f32 to vector<16xf32>
        %mul3A_420 = arith.mulf %mul3A_419, %add3A_417 : vector<16xf32>
        %max3A_421 = arith.maximumf %add3A_417, %mul3A_420 : vector<16xf32>
        %mul3A_422 = arith.mulf %max3A_421, %get3A_119 : vector<16xf32>
        %add3A_423 = arith.addf %add3A_408, %mul3A_422 : vector<16xf32>
        %get3A_424 = arith.index_cast %scan3A_391 : i32 to index
        %get3A_425 = arith.constant 32 : index
        %get3A_426 = tpu.vector_load %arg15[%get3A_424, %get3A_425] {strides = array<i32>} : memref<128x64xf32, #tpu.memory_space<vmem>>, vector<1x16xf32>,
        %get3A_427 = vector.shape_cast %get3A_426 : vector<1x16xf32> to vector<16xf32>
        %get3A_428 = arith.index_cast %scan3A_391 : i32 to index
        %get3A_429 = arith.constant 32 : index
        %get3A_430 = tpu.vector_load %arg16[%get3A_428, %get3A_429] {strides = array<i32>} : memref<128x64xf32, #tpu.memory_space<vmem>>, vector<1x16xf32>,
        %get3A_431 = vector.shape_cast %get3A_430 : vector<1x16xf32> to vector<16xf32>
        %add3A_432 = arith.addf %get3A_427, %get3A_431 : vector<16xf32>
        %mul3A_433 = arith.constant 2.000000e-01 : f32
        %mul3A_434 = vector.broadcast %mul3A_433 : f32 to vector<16xf32>
        %mul3A_435 = arith.mulf %mul3A_434, %add3A_432 : vector<16xf32>
        %max3A_436 = arith.maximumf %add3A_432, %mul3A_435 : vector<16xf32>
        %mul3A_437 = arith.mulf %max3A_436, %get3A_122 : vector<16xf32>
        %add3A_438 = arith.addf %add3A_423, %mul3A_437 : vector<16xf32>
        %get3A_439 = arith.index_cast %scan3A_391 : i32 to index
        %get3A_440 = arith.constant 48 : index
        %get3A_441 = tpu.vector_load %arg15[%get3A_439, %get3A_440] {strides = array<i32>} : memref<128x64xf32, #tpu.memory_space<vmem>>, vector<1x16xf32>,
        %get3A_442 = vector.shape_cast %get3A_441 : vector<1x16xf32> to vector<16xf32>
        %get3A_443 = arith.index_cast %scan3A_391 : i32 to index
        %get3A_444 = arith.constant 48 : index
        %get3A_445 = tpu.vector_load %arg16[%get3A_443, %get3A_444] {strides = array<i32>} : memref<128x64xf32, #tpu.memory_space<vmem>>, vector<1x16xf32>,
        %get3A_446 = vector.shape_cast %get3A_445 : vector<1x16xf32> to vector<16xf32>
        %add3A_447 = arith.addf %get3A_442, %get3A_446 : vector<16xf32>
        %mul3A_448 = arith.constant 2.000000e-01 : f32
        %mul3A_449 = vector.broadcast %mul3A_448 : f32 to vector<16xf32>
        %mul3A_450 = arith.mulf %mul3A_449, %add3A_447 : vector<16xf32>
        %max3A_451 = arith.maximumf %add3A_447, %mul3A_450 : vector<16xf32>
        %mul3A_452 = arith.mulf %max3A_451, %get3A_125 : vector<16xf32>
        %add3A_453 = arith.addf %add3A_438, %mul3A_452 : vector<16xf32>
        %iota3A_454 = tpu.iota {dimensions = array<i32: 0>} : vector<16xi32>
        %xor3A_455 = arith.constant 8 : i32
        %xor3A_456 = vector.broadcast %xor3A_455 : i32 to vector<16xi32>
        %xor3A_457 = arith.xori %iota3A_454, %xor3A_456 : vector<16xi32>
        %lt3A_458 = arith.constant 0 : i32
        %lt3A_459 = vector.broadcast %lt3A_458 : i32 to vector<16xi32>
        %lt3A_460 = arith.cmpi slt, %xor3A_457, %lt3A_459 : vector<16xi32>
        %add3A_461 = arith.constant 16 : i32
        %add3A_462 = vector.broadcast %add3A_461 : i32 to vector<16xi32>
        %add3A_463 = arith.addi %xor3A_457, %add3A_462 : vector<16xi32>
        %select_n3A_464 = arith.select %lt3A_460, %add3A_463, %xor3A_457 : vector<16xi1>, vector<16xi32>
        %broadcast_in_dim3A_465 = vector.shape_cast %select_n3A_464 : vector<16xi32> to vector<16x1xi32>
        %gather3A_466 = vector.shape_cast %broadcast_in_dim3A_465 : vector<16x1xi32> to vector<16xi32>
        %gather3A_467 = tpu.dynamic_gather %add3A_453[%gather3A_466] in [0] : vector<16xf32>, vector<16xi32> -> vector<16xf32>
        %add3A_468 = arith.addf %add3A_453, %gather3A_467 : vector<16xf32>
        %xor3A_469 = arith.constant 4 : i32
        %xor3A_470 = vector.broadcast %xor3A_469 : i32 to vector<16xi32>
        %xor3A_471 = arith.xori %iota3A_454, %xor3A_470 : vector<16xi32>
        %lt3A_472 = arith.constant 0 : i32
        %lt3A_473 = vector.broadcast %lt3A_472 : i32 to vector<16xi32>
        %lt3A_474 = arith.cmpi slt, %xor3A_471, %lt3A_473 : vector<16xi32>
        %add3A_475 = arith.constant 16 : i32
        %add3A_476 = vector.broadcast %add3A_475 : i32 to vector<16xi32>
        %add3A_477 = arith.addi %xor3A_471, %add3A_476 : vector<16xi32>
        %select_n3A_478 = arith.select %lt3A_474, %add3A_477, %xor3A_471 : vector<16xi1>, vector<16xi32>
        %broadcast_in_dim3A_479 = vector.shape_cast %select_n3A_478 : vector<16xi32> to vector<16x1xi32>
        %gather3A_480 = vector.shape_cast %broadcast_in_dim3A_479 : vector<16x1xi32> to vector<16xi32>
        %gather3A_481 = tpu.dynamic_gather %add3A_468[%gather3A_480] in [0] : vector<16xf32>, vector<16xi32> -> vector<16xf32>
        %add3A_482 = arith.addf %add3A_468, %gather3A_481 : vector<16xf32>
        %xor3A_483 = arith.constant 2 : i32
        %xor3A_484 = vector.broadcast %xor3A_483 : i32 to vector<16xi32>
        %xor3A_485 = arith.xori %iota3A_454, %xor3A_484 : vector<16xi32>
        %lt3A_486 = arith.constant 0 : i32
        %lt3A_487 = vector.broadcast %lt3A_486 : i32 to vector<16xi32>
        %lt3A_488 = arith.cmpi slt, %xor3A_485, %lt3A_487 : vector<16xi32>
        %add3A_489 = arith.constant 16 : i32
        %add3A_490 = vector.broadcast %add3A_489 : i32 to vector<16xi32>
        %add3A_491 = arith.addi %xor3A_485, %add3A_490 : vector<16xi32>
        %select_n3A_492 = arith.select %lt3A_488, %add3A_491, %xor3A_485 : vector<16xi1>, vector<16xi32>
        %broadcast_in_dim3A_493 = vector.shape_cast %select_n3A_492 : vector<16xi32> to vector<16x1xi32>
        %gather3A_494 = vector.shape_cast %broadcast_in_dim3A_493 : vector<16x1xi32> to vector<16xi32>
        %gather3A_495 = tpu.dynamic_gather %add3A_482[%gather3A_494] in [0] : vector<16xf32>, vector<16xi32> -> vector<16xf32>
        %add3A_496 = arith.addf %add3A_482, %gather3A_495 : vector<16xf32>
        %xor3A_497 = arith.constant 1 : i32
        %xor3A_498 = vector.broadcast %xor3A_497 : i32 to vector<16xi32>
        %xor3A_499 = arith.xori %iota3A_454, %xor3A_498 : vector<16xi32>
        %lt3A_500 = arith.constant 0 : i32
        %lt3A_501 = vector.broadcast %lt3A_500 : i32 to vector<16xi32>
        %lt3A_502 = arith.cmpi slt, %xor3A_499, %lt3A_501 : vector<16xi32>
        %add3A_503 = arith.constant 16 : i32
        %add3A_504 = vector.broadcast %add3A_503 : i32 to vector<16xi32>
        %add3A_505 = arith.addi %xor3A_499, %add3A_504 : vector<16xi32>
        %select_n3A_506 = arith.select %lt3A_502, %add3A_505, %xor3A_499 : vector<16xi1>, vector<16xi32>
        %broadcast_in_dim3A_507 = vector.shape_cast %select_n3A_506 : vector<16xi32> to vector<16x1xi32>
        %gather3A_508 = vector.shape_cast %broadcast_in_dim3A_507 : vector<16x1xi32> to vector<16xi32>
        %gather3A_509 = tpu.dynamic_gather %add3A_496[%gather3A_508] in [0] : vector<16xf32>, vector<16xi32> -> vector<16xf32>
        %add3A_510 = arith.addf %add3A_496, %gather3A_509 : vector<16xf32>
        %min3A_511 = arith.constant 6.000000e+01 : f32
        %min3A_512 = vector.broadcast %min3A_511 : f32 to vector<16xf32>
        %min3A_513 = arith.minimumf %add3A_510, %min3A_512 : vector<16xf32>
        %exp3A_514 = math.exp %min3A_513 : vector<16xf32>
        %get3A_515 = arith.index_cast %scan3A_391 : i32 to index
        %get3A_516 = arith.constant 0 : index
        %get3A_517 = tpu.vector_load %arg15[%get3A_515, %get3A_516] {strides = array<i32>} : memref<128x64xf32, #tpu.memory_space<vmem>>, vector<1x16xf32>,
        %get3A_518 = vector.shape_cast %get3A_517 : vector<1x16xf32> to vector<16xf32>
        %mul3A_519 = arith.mulf %exp3A_514, %get3A_518 : vector<16xf32>
        %swap3A_520 = arith.index_cast %scan3A_391 : i32 to index
        %swap3A_521 = arith.constant 0 : index
        %swap3A_522 = tpu.vector_load %arg19[%swap3A_520, %swap3A_521] {strides = array<i32>} : memref<128x80xf32, #tpu.memory_space<vmem>>, vector<1x16xf32>,
        %swap3A_523 = vector.shape_cast %swap3A_522 : vector<1x16xf32> to vector<16xf32>
        %swap3A_524 = vector.shape_cast %mul3A_519 : vector<16xf32> to vector<1x16xf32>
        tpu.vector_store %arg19[%swap3A_520, %swap3A_521], %swap3A_524 {strides = array<i32>} : memref<128x80xf32, #tpu.memory_space<vmem>>, vector<1x16xf32>,
        %get3A_525 = arith.index_cast %scan3A_391 : i32 to index
        %get3A_526 = arith.constant 16 : index
        %get3A_527 = tpu.vector_load %arg15[%get3A_525, %get3A_526] {strides = array<i32>} : memref<128x64xf32, #tpu.memory_space<vmem>>, vector<1x16xf32>,
        %get3A_528 = vector.shape_cast %get3A_527 : vector<1x16xf32> to vector<16xf32>
        %mul3A_529 = arith.mulf %exp3A_514, %get3A_528 : vector<16xf32>
        %swap3A_530 = arith.index_cast %scan3A_391 : i32 to index
        %swap3A_531 = arith.constant 16 : index
        %swap3A_532 = tpu.vector_load %arg19[%swap3A_530, %swap3A_531] {strides = array<i32>} : memref<128x80xf32, #tpu.memory_space<vmem>>, vector<1x16xf32>,
        %swap3A_533 = vector.shape_cast %swap3A_532 : vector<1x16xf32> to vector<16xf32>
        %swap3A_534 = vector.shape_cast %mul3A_529 : vector<16xf32> to vector<1x16xf32>
        tpu.vector_store %arg19[%swap3A_530, %swap3A_531], %swap3A_534 {strides = array<i32>} : memref<128x80xf32, #tpu.memory_space<vmem>>, vector<1x16xf32>,
        %get3A_535 = arith.index_cast %scan3A_391 : i32 to index
        %get3A_536 = arith.constant 32 : index
        %get3A_537 = tpu.vector_load %arg15[%get3A_535, %get3A_536] {strides = array<i32>} : memref<128x64xf32, #tpu.memory_space<vmem>>, vector<1x16xf32>,
        %get3A_538 = vector.shape_cast %get3A_537 : vector<1x16xf32> to vector<16xf32>
        %mul3A_539 = arith.mulf %exp3A_514, %get3A_538 : vector<16xf32>
        %swap3A_540 = arith.index_cast %scan3A_391 : i32 to index
        %swap3A_541 = arith.constant 32 : index
        %swap3A_542 = tpu.vector_load %arg19[%swap3A_540, %swap3A_541] {strides = array<i32>} : memref<128x80xf32, #tpu.memory_space<vmem>>, vector<1x16xf32>,
        %swap3A_543 = vector.shape_cast %swap3A_542 : vector<1x16xf32> to vector<16xf32>
        %swap3A_544 = vector.shape_cast %mul3A_539 : vector<16xf32> to vector<1x16xf32>
        tpu.vector_store %arg19[%swap3A_540, %swap3A_541], %swap3A_544 {strides = array<i32>} : memref<128x80xf32, #tpu.memory_space<vmem>>, vector<1x16xf32>,
        %get3A_545 = arith.index_cast %scan3A_391 : i32 to index
        %get3A_546 = arith.constant 48 : index
        %get3A_547 = tpu.vector_load %arg15[%get3A_545, %get3A_546] {strides = array<i32>} : memref<128x64xf32, #tpu.memory_space<vmem>>, vector<1x16xf32>,
        %get3A_548 = vector.shape_cast %get3A_547 : vector<1x16xf32> to vector<16xf32>
        %mul3A_549 = arith.mulf %exp3A_514, %get3A_548 : vector<16xf32>
        %swap3A_550 = arith.index_cast %scan3A_391 : i32 to index
        %swap3A_551 = arith.constant 48 : index
        %swap3A_552 = tpu.vector_load %arg19[%swap3A_550, %swap3A_551] {strides = array<i32>} : memref<128x80xf32, #tpu.memory_space<vmem>>, vector<1x16xf32>,
        %swap3A_553 = vector.shape_cast %swap3A_552 : vector<1x16xf32> to vector<16xf32>
        %swap3A_554 = vector.shape_cast %mul3A_549 : vector<16xf32> to vector<1x16xf32>
        tpu.vector_store %arg19[%swap3A_550, %swap3A_551], %swap3A_554 {strides = array<i32>} : memref<128x80xf32, #tpu.memory_space<vmem>>, vector<1x16xf32>,
        %swap3A_555 = arith.index_cast %scan3A_391 : i32 to index
        %swap3A_556 = arith.constant 64 : index
        %swap3A_557 = tpu.vector_load %arg19[%swap3A_555, %swap3A_556] {strides = array<i32>} : memref<128x80xf32, #tpu.memory_space<vmem>>, vector<1x16xf32>,
        %swap3A_558 = vector.shape_cast %swap3A_557 : vector<1x16xf32> to vector<16xf32>
        %swap3A_559 = vector.shape_cast %exp3A_514 : vector<16xf32> to vector<1x16xf32>
        tpu.vector_store %arg19[%swap3A_555, %swap3A_556], %swap3A_559 {strides = array<i32>} : memref<128x80xf32, #tpu.memory_space<vmem>>, vector<1x16xf32>,
        %scan3A_560 = arith.constant 2 : i32
        %scan3A_561 = arith.addi %scan3A_229, %scan3A_560 : i32
        %broadcast_in_dim3A_562 = arith.constant 0.000000e+00 : f32
        %broadcast_in_dim3A_563 = vector.broadcast %broadcast_in_dim3A_562 : f32 to vector<16xf32>
        %get3A_564 = arith.index_cast %scan3A_561 : i32 to index
        %get3A_565 = arith.constant 0 : index
        %get3A_566 = tpu.vector_load %arg15[%get3A_564, %get3A_565] {strides = array<i32>} : memref<128x64xf32, #tpu.memory_space<vmem>>, vector<1x16xf32>,
        %get3A_567 = vector.shape_cast %get3A_566 : vector<1x16xf32> to vector<16xf32>
        %get3A_568 = arith.index_cast %scan3A_561 : i32 to index
        %get3A_569 = arith.constant 0 : index
        %get3A_570 = tpu.vector_load %arg16[%get3A_568, %get3A_569] {strides = array<i32>} : memref<128x64xf32, #tpu.memory_space<vmem>>, vector<1x16xf32>,
        %get3A_571 = vector.shape_cast %get3A_570 : vector<1x16xf32> to vector<16xf32>
        %add3A_572 = arith.addf %get3A_567, %get3A_571 : vector<16xf32>
        %mul3A_573 = arith.constant 2.000000e-01 : f32
        %mul3A_574 = vector.broadcast %mul3A_573 : f32 to vector<16xf32>
        %mul3A_575 = arith.mulf %mul3A_574, %add3A_572 : vector<16xf32>
        %max3A_576 = arith.maximumf %add3A_572, %mul3A_575 : vector<16xf32>
        %mul3A_577 = arith.mulf %max3A_576, %get3A_116 : vector<16xf32>
        %add3A_578 = arith.addf %broadcast_in_dim3A_563, %mul3A_577 : vector<16xf32>
        %get3A_579 = arith.index_cast %scan3A_561 : i32 to index
        %get3A_580 = arith.constant 16 : index
        %get3A_581 = tpu.vector_load %arg15[%get3A_579, %get3A_580] {strides = array<i32>} : memref<128x64xf32, #tpu.memory_space<vmem>>, vector<1x16xf32>,
        %get3A_582 = vector.shape_cast %get3A_581 : vector<1x16xf32> to vector<16xf32>
        %get3A_583 = arith.index_cast %scan3A_561 : i32 to index
        %get3A_584 = arith.constant 16 : index
        %get3A_585 = tpu.vector_load %arg16[%get3A_583, %get3A_584] {strides = array<i32>} : memref<128x64xf32, #tpu.memory_space<vmem>>, vector<1x16xf32>,
        %get3A_586 = vector.shape_cast %get3A_585 : vector<1x16xf32> to vector<16xf32>
        %add3A_587 = arith.addf %get3A_582, %get3A_586 : vector<16xf32>
        %mul3A_588 = arith.constant 2.000000e-01 : f32
        %mul3A_589 = vector.broadcast %mul3A_588 : f32 to vector<16xf32>
        %mul3A_590 = arith.mulf %mul3A_589, %add3A_587 : vector<16xf32>
        %max3A_591 = arith.maximumf %add3A_587, %mul3A_590 : vector<16xf32>
        %mul3A_592 = arith.mulf %max3A_591, %get3A_119 : vector<16xf32>
        %add3A_593 = arith.addf %add3A_578, %mul3A_592 : vector<16xf32>
        %get3A_594 = arith.index_cast %scan3A_561 : i32 to index
        %get3A_595 = arith.constant 32 : index
        %get3A_596 = tpu.vector_load %arg15[%get3A_594, %get3A_595] {strides = array<i32>} : memref<128x64xf32, #tpu.memory_space<vmem>>, vector<1x16xf32>,
        %get3A_597 = vector.shape_cast %get3A_596 : vector<1x16xf32> to vector<16xf32>
        %get3A_598 = arith.index_cast %scan3A_561 : i32 to index
        %get3A_599 = arith.constant 32 : index
        %get3A_600 = tpu.vector_load %arg16[%get3A_598, %get3A_599] {strides = array<i32>} : memref<128x64xf32, #tpu.memory_space<vmem>>, vector<1x16xf32>,
        %get3A_601 = vector.shape_cast %get3A_600 : vector<1x16xf32> to vector<16xf32>
        %add3A_602 = arith.addf %get3A_597, %get3A_601 : vector<16xf32>
        %mul3A_603 = arith.constant 2.000000e-01 : f32
        %mul3A_604 = vector.broadcast %mul3A_603 : f32 to vector<16xf32>
        %mul3A_605 = arith.mulf %mul3A_604, %add3A_602 : vector<16xf32>
        %max3A_606 = arith.maximumf %add3A_602, %mul3A_605 : vector<16xf32>
        %mul3A_607 = arith.mulf %max3A_606, %get3A_122 : vector<16xf32>
        %add3A_608 = arith.addf %add3A_593, %mul3A_607 : vector<16xf32>
        %get3A_609 = arith.index_cast %scan3A_561 : i32 to index
        %get3A_610 = arith.constant 48 : index
        %get3A_611 = tpu.vector_load %arg15[%get3A_609, %get3A_610] {strides = array<i32>} : memref<128x64xf32, #tpu.memory_space<vmem>>, vector<1x16xf32>,
        %get3A_612 = vector.shape_cast %get3A_611 : vector<1x16xf32> to vector<16xf32>
        %get3A_613 = arith.index_cast %scan3A_561 : i32 to index
        %get3A_614 = arith.constant 48 : index
        %get3A_615 = tpu.vector_load %arg16[%get3A_613, %get3A_614] {strides = array<i32>} : memref<128x64xf32, #tpu.memory_space<vmem>>, vector<1x16xf32>,
        %get3A_616 = vector.shape_cast %get3A_615 : vector<1x16xf32> to vector<16xf32>
        %add3A_617 = arith.addf %get3A_612, %get3A_616 : vector<16xf32>
        %mul3A_618 = arith.constant 2.000000e-01 : f32
        %mul3A_619 = vector.broadcast %mul3A_618 : f32 to vector<16xf32>
        %mul3A_620 = arith.mulf %mul3A_619, %add3A_617 : vector<16xf32>
        %max3A_621 = arith.maximumf %add3A_617, %mul3A_620 : vector<16xf32>
        %mul3A_622 = arith.mulf %max3A_621, %get3A_125 : vector<16xf32>
        %add3A_623 = arith.addf %add3A_608, %mul3A_622 : vector<16xf32>
        %iota3A_624 = tpu.iota {dimensions = array<i32: 0>} : vector<16xi32>
        %xor3A_625 = arith.constant 8 : i32
        %xor3A_626 = vector.broadcast %xor3A_625 : i32 to vector<16xi32>
        %xor3A_627 = arith.xori %iota3A_624, %xor3A_626 : vector<16xi32>
        %lt3A_628 = arith.constant 0 : i32
        %lt3A_629 = vector.broadcast %lt3A_628 : i32 to vector<16xi32>
        %lt3A_630 = arith.cmpi slt, %xor3A_627, %lt3A_629 : vector<16xi32>
        %add3A_631 = arith.constant 16 : i32
        %add3A_632 = vector.broadcast %add3A_631 : i32 to vector<16xi32>
        %add3A_633 = arith.addi %xor3A_627, %add3A_632 : vector<16xi32>
        %select_n3A_634 = arith.select %lt3A_630, %add3A_633, %xor3A_627 : vector<16xi1>, vector<16xi32>
        %broadcast_in_dim3A_635 = vector.shape_cast %select_n3A_634 : vector<16xi32> to vector<16x1xi32>
        %gather3A_636 = vector.shape_cast %broadcast_in_dim3A_635 : vector<16x1xi32> to vector<16xi32>
        %gather3A_637 = tpu.dynamic_gather %add3A_623[%gather3A_636] in [0] : vector<16xf32>, vector<16xi32> -> vector<16xf32>
        %add3A_638 = arith.addf %add3A_623, %gather3A_637 : vector<16xf32>
        %xor3A_639 = arith.constant 4 : i32
        %xor3A_640 = vector.broadcast %xor3A_639 : i32 to vector<16xi32>
        %xor3A_641 = arith.xori %iota3A_624, %xor3A_640 : vector<16xi32>
        %lt3A_642 = arith.constant 0 : i32
        %lt3A_643 = vector.broadcast %lt3A_642 : i32 to vector<16xi32>
        %lt3A_644 = arith.cmpi slt, %xor3A_641, %lt3A_643 : vector<16xi32>
        %add3A_645 = arith.constant 16 : i32
        %add3A_646 = vector.broadcast %add3A_645 : i32 to vector<16xi32>
        %add3A_647 = arith.addi %xor3A_641, %add3A_646 : vector<16xi32>
        %select_n3A_648 = arith.select %lt3A_644, %add3A_647, %xor3A_641 : vector<16xi1>, vector<16xi32>
        %broadcast_in_dim3A_649 = vector.shape_cast %select_n3A_648 : vector<16xi32> to vector<16x1xi32>
        %gather3A_650 = vector.shape_cast %broadcast_in_dim3A_649 : vector<16x1xi32> to vector<16xi32>
        %gather3A_651 = tpu.dynamic_gather %add3A_638[%gather3A_650] in [0] : vector<16xf32>, vector<16xi32> -> vector<16xf32>
        %add3A_652 = arith.addf %add3A_638, %gather3A_651 : vector<16xf32>
        %xor3A_653 = arith.constant 2 : i32
        %xor3A_654 = vector.broadcast %xor3A_653 : i32 to vector<16xi32>
        %xor3A_655 = arith.xori %iota3A_624, %xor3A_654 : vector<16xi32>
        %lt3A_656 = arith.constant 0 : i32
        %lt3A_657 = vector.broadcast %lt3A_656 : i32 to vector<16xi32>
        %lt3A_658 = arith.cmpi slt, %xor3A_655, %lt3A_657 : vector<16xi32>
        %add3A_659 = arith.constant 16 : i32
        %add3A_660 = vector.broadcast %add3A_659 : i32 to vector<16xi32>
        %add3A_661 = arith.addi %xor3A_655, %add3A_660 : vector<16xi32>
        %select_n3A_662 = arith.select %lt3A_658, %add3A_661, %xor3A_655 : vector<16xi1>, vector<16xi32>
        %broadcast_in_dim3A_663 = vector.shape_cast %select_n3A_662 : vector<16xi32> to vector<16x1xi32>
        %gather3A_664 = vector.shape_cast %broadcast_in_dim3A_663 : vector<16x1xi32> to vector<16xi32>
        %gather3A_665 = tpu.dynamic_gather %add3A_652[%gather3A_664] in [0] : vector<16xf32>, vector<16xi32> -> vector<16xf32>
        %add3A_666 = arith.addf %add3A_652, %gather3A_665 : vector<16xf32>
        %xor3A_667 = arith.constant 1 : i32
        %xor3A_668 = vector.broadcast %xor3A_667 : i32 to vector<16xi32>
        %xor3A_669 = arith.xori %iota3A_624, %xor3A_668 : vector<16xi32>
        %lt3A_670 = arith.constant 0 : i32
        %lt3A_671 = vector.broadcast %lt3A_670 : i32 to vector<16xi32>
        %lt3A_672 = arith.cmpi slt, %xor3A_669, %lt3A_671 : vector<16xi32>
        %add3A_673 = arith.constant 16 : i32
        %add3A_674 = vector.broadcast %add3A_673 : i32 to vector<16xi32>
        %add3A_675 = arith.addi %xor3A_669, %add3A_674 : vector<16xi32>
        %select_n3A_676 = arith.select %lt3A_672, %add3A_675, %xor3A_669 : vector<16xi1>, vector<16xi32>
        %broadcast_in_dim3A_677 = vector.shape_cast %select_n3A_676 : vector<16xi32> to vector<16x1xi32>
        %gather3A_678 = vector.shape_cast %broadcast_in_dim3A_677 : vector<16x1xi32> to vector<16xi32>
        %gather3A_679 = tpu.dynamic_gather %add3A_666[%gather3A_678] in [0] : vector<16xf32>, vector<16xi32> -> vector<16xf32>
        %add3A_680 = arith.addf %add3A_666, %gather3A_679 : vector<16xf32>
        %min3A_681 = arith.constant 6.000000e+01 : f32
        %min3A_682 = vector.broadcast %min3A_681 : f32 to vector<16xf32>
        %min3A_683 = arith.minimumf %add3A_680, %min3A_682 : vector<16xf32>
        %exp3A_684 = math.exp %min3A_683 : vector<16xf32>
        %get3A_685 = arith.index_cast %scan3A_561 : i32 to index
        %get3A_686 = arith.constant 0 : index
        %get3A_687 = tpu.vector_load %arg15[%get3A_685, %get3A_686] {strides = array<i32>} : memref<128x64xf32, #tpu.memory_space<vmem>>, vector<1x16xf32>,
        %get3A_688 = vector.shape_cast %get3A_687 : vector<1x16xf32> to vector<16xf32>
        %mul3A_689 = arith.mulf %exp3A_684, %get3A_688 : vector<16xf32>
        %swap3A_690 = arith.index_cast %scan3A_561 : i32 to index
        %swap3A_691 = arith.constant 0 : index
        %swap3A_692 = tpu.vector_load %arg19[%swap3A_690, %swap3A_691] {strides = array<i32>} : memref<128x80xf32, #tpu.memory_space<vmem>>, vector<1x16xf32>,
        %swap3A_693 = vector.shape_cast %swap3A_692 : vector<1x16xf32> to vector<16xf32>
        %swap3A_694 = vector.shape_cast %mul3A_689 : vector<16xf32> to vector<1x16xf32>
        tpu.vector_store %arg19[%swap3A_690, %swap3A_691], %swap3A_694 {strides = array<i32>} : memref<128x80xf32, #tpu.memory_space<vmem>>, vector<1x16xf32>,
        %get3A_695 = arith.index_cast %scan3A_561 : i32 to index
        %get3A_696 = arith.constant 16 : index
        %get3A_697 = tpu.vector_load %arg15[%get3A_695, %get3A_696] {strides = array<i32>} : memref<128x64xf32, #tpu.memory_space<vmem>>, vector<1x16xf32>,
        %get3A_698 = vector.shape_cast %get3A_697 : vector<1x16xf32> to vector<16xf32>
        %mul3A_699 = arith.mulf %exp3A_684, %get3A_698 : vector<16xf32>
        %swap3A_700 = arith.index_cast %scan3A_561 : i32 to index
        %swap3A_701 = arith.constant 16 : index
        %swap3A_702 = tpu.vector_load %arg19[%swap3A_700, %swap3A_701] {strides = array<i32>} : memref<128x80xf32, #tpu.memory_space<vmem>>, vector<1x16xf32>,
        %swap3A_703 = vector.shape_cast %swap3A_702 : vector<1x16xf32> to vector<16xf32>
        %swap3A_704 = vector.shape_cast %mul3A_699 : vector<16xf32> to vector<1x16xf32>
        tpu.vector_store %arg19[%swap3A_700, %swap3A_701], %swap3A_704 {strides = array<i32>} : memref<128x80xf32, #tpu.memory_space<vmem>>, vector<1x16xf32>,
        %get3A_705 = arith.index_cast %scan3A_561 : i32 to index
        %get3A_706 = arith.constant 32 : index
        %get3A_707 = tpu.vector_load %arg15[%get3A_705, %get3A_706] {strides = array<i32>} : memref<128x64xf32, #tpu.memory_space<vmem>>, vector<1x16xf32>,
        %get3A_708 = vector.shape_cast %get3A_707 : vector<1x16xf32> to vector<16xf32>
        %mul3A_709 = arith.mulf %exp3A_684, %get3A_708 : vector<16xf32>
        %swap3A_710 = arith.index_cast %scan3A_561 : i32 to index
        %swap3A_711 = arith.constant 32 : index
        %swap3A_712 = tpu.vector_load %arg19[%swap3A_710, %swap3A_711] {strides = array<i32>} : memref<128x80xf32, #tpu.memory_space<vmem>>, vector<1x16xf32>,
        %swap3A_713 = vector.shape_cast %swap3A_712 : vector<1x16xf32> to vector<16xf32>
        %swap3A_714 = vector.shape_cast %mul3A_709 : vector<16xf32> to vector<1x16xf32>
        tpu.vector_store %arg19[%swap3A_710, %swap3A_711], %swap3A_714 {strides = array<i32>} : memref<128x80xf32, #tpu.memory_space<vmem>>, vector<1x16xf32>,
        %get3A_715 = arith.index_cast %scan3A_561 : i32 to index
        %get3A_716 = arith.constant 48 : index
        %get3A_717 = tpu.vector_load %arg15[%get3A_715, %get3A_716] {strides = array<i32>} : memref<128x64xf32, #tpu.memory_space<vmem>>, vector<1x16xf32>,
        %get3A_718 = vector.shape_cast %get3A_717 : vector<1x16xf32> to vector<16xf32>
        %mul3A_719 = arith.mulf %exp3A_684, %get3A_718 : vector<16xf32>
        %swap3A_720 = arith.index_cast %scan3A_561 : i32 to index
        %swap3A_721 = arith.constant 48 : index
        %swap3A_722 = tpu.vector_load %arg19[%swap3A_720, %swap3A_721] {strides = array<i32>} : memref<128x80xf32, #tpu.memory_space<vmem>>, vector<1x16xf32>,
        %swap3A_723 = vector.shape_cast %swap3A_722 : vector<1x16xf32> to vector<16xf32>
        %swap3A_724 = vector.shape_cast %mul3A_719 : vector<16xf32> to vector<1x16xf32>
        tpu.vector_store %arg19[%swap3A_720, %swap3A_721], %swap3A_724 {strides = array<i32>} : memref<128x80xf32, #tpu.memory_space<vmem>>, vector<1x16xf32>,
        %swap3A_725 = arith.index_cast %scan3A_561 : i32 to index
        %swap3A_726 = arith.constant 64 : index
        %swap3A_727 = tpu.vector_load %arg19[%swap3A_725, %swap3A_726] {strides = array<i32>} : memref<128x80xf32, #tpu.memory_space<vmem>>, vector<1x16xf32>,
        %swap3A_728 = vector.shape_cast %swap3A_727 : vector<1x16xf32> to vector<16xf32>
        %swap3A_729 = vector.shape_cast %exp3A_684 : vector<16xf32> to vector<1x16xf32>
        tpu.vector_store %arg19[%swap3A_725, %swap3A_726], %swap3A_729 {strides = array<i32>} : memref<128x80xf32, #tpu.memory_space<vmem>>, vector<1x16xf32>,
        %scan3A_730 = arith.constant 3 : i32
        %scan3A_731 = arith.addi %scan3A_229, %scan3A_730 : i32
        %broadcast_in_dim3A_732 = arith.constant 0.000000e+00 : f32
        %broadcast_in_dim3A_733 = vector.broadcast %broadcast_in_dim3A_732 : f32 to vector<16xf32>
        %get3A_734 = arith.index_cast %scan3A_731 : i32 to index
        %get3A_735 = arith.constant 0 : index
        %get3A_736 = tpu.vector_load %arg15[%get3A_734, %get3A_735] {strides = array<i32>} : memref<128x64xf32, #tpu.memory_space<vmem>>, vector<1x16xf32>,
        %get3A_737 = vector.shape_cast %get3A_736 : vector<1x16xf32> to vector<16xf32>
        %get3A_738 = arith.index_cast %scan3A_731 : i32 to index
        %get3A_739 = arith.constant 0 : index
        %get3A_740 = tpu.vector_load %arg16[%get3A_738, %get3A_739] {strides = array<i32>} : memref<128x64xf32, #tpu.memory_space<vmem>>, vector<1x16xf32>,
        %get3A_741 = vector.shape_cast %get3A_740 : vector<1x16xf32> to vector<16xf32>
        %add3A_742 = arith.addf %get3A_737, %get3A_741 : vector<16xf32>
        %mul3A_743 = arith.constant 2.000000e-01 : f32
        %mul3A_744 = vector.broadcast %mul3A_743 : f32 to vector<16xf32>
        %mul3A_745 = arith.mulf %mul3A_744, %add3A_742 : vector<16xf32>
        %max3A_746 = arith.maximumf %add3A_742, %mul3A_745 : vector<16xf32>
        %mul3A_747 = arith.mulf %max3A_746, %get3A_116 : vector<16xf32>
        %add3A_748 = arith.addf %broadcast_in_dim3A_733, %mul3A_747 : vector<16xf32>
        %get3A_749 = arith.index_cast %scan3A_731 : i32 to index
        %get3A_750 = arith.constant 16 : index
        %get3A_751 = tpu.vector_load %arg15[%get3A_749, %get3A_750] {strides = array<i32>} : memref<128x64xf32, #tpu.memory_space<vmem>>, vector<1x16xf32>,
        %get3A_752 = vector.shape_cast %get3A_751 : vector<1x16xf32> to vector<16xf32>
        %get3A_753 = arith.index_cast %scan3A_731 : i32 to index
        %get3A_754 = arith.constant 16 : index
        %get3A_755 = tpu.vector_load %arg16[%get3A_753, %get3A_754] {strides = array<i32>} : memref<128x64xf32, #tpu.memory_space<vmem>>, vector<1x16xf32>,
        %get3A_756 = vector.shape_cast %get3A_755 : vector<1x16xf32> to vector<16xf32>
        %add3A_757 = arith.addf %get3A_752, %get3A_756 : vector<16xf32>
        %mul3A_758 = arith.constant 2.000000e-01 : f32
        %mul3A_759 = vector.broadcast %mul3A_758 : f32 to vector<16xf32>
        %mul3A_760 = arith.mulf %mul3A_759, %add3A_757 : vector<16xf32>
        %max3A_761 = arith.maximumf %add3A_757, %mul3A_760 : vector<16xf32>
        %mul3A_762 = arith.mulf %max3A_761, %get3A_119 : vector<16xf32>
        %add3A_763 = arith.addf %add3A_748, %mul3A_762 : vector<16xf32>
        %get3A_764 = arith.index_cast %scan3A_731 : i32 to index
        %get3A_765 = arith.constant 32 : index
        %get3A_766 = tpu.vector_load %arg15[%get3A_764, %get3A_765] {strides = array<i32>} : memref<128x64xf32, #tpu.memory_space<vmem>>, vector<1x16xf32>,
        %get3A_767 = vector.shape_cast %get3A_766 : vector<1x16xf32> to vector<16xf32>
        %get3A_768 = arith.index_cast %scan3A_731 : i32 to index
        %get3A_769 = arith.constant 32 : index
        %get3A_770 = tpu.vector_load %arg16[%get3A_768, %get3A_769] {strides = array<i32>} : memref<128x64xf32, #tpu.memory_space<vmem>>, vector<1x16xf32>,
        %get3A_771 = vector.shape_cast %get3A_770 : vector<1x16xf32> to vector<16xf32>
        %add3A_772 = arith.addf %get3A_767, %get3A_771 : vector<16xf32>
        %mul3A_773 = arith.constant 2.000000e-01 : f32
        %mul3A_774 = vector.broadcast %mul3A_773 : f32 to vector<16xf32>
        %mul3A_775 = arith.mulf %mul3A_774, %add3A_772 : vector<16xf32>
        %max3A_776 = arith.maximumf %add3A_772, %mul3A_775 : vector<16xf32>
        %mul3A_777 = arith.mulf %max3A_776, %get3A_122 : vector<16xf32>
        %add3A_778 = arith.addf %add3A_763, %mul3A_777 : vector<16xf32>
        %get3A_779 = arith.index_cast %scan3A_731 : i32 to index
        %get3A_780 = arith.constant 48 : index
        %get3A_781 = tpu.vector_load %arg15[%get3A_779, %get3A_780] {strides = array<i32>} : memref<128x64xf32, #tpu.memory_space<vmem>>, vector<1x16xf32>,
        %get3A_782 = vector.shape_cast %get3A_781 : vector<1x16xf32> to vector<16xf32>
        %get3A_783 = arith.index_cast %scan3A_731 : i32 to index
        %get3A_784 = arith.constant 48 : index
        %get3A_785 = tpu.vector_load %arg16[%get3A_783, %get3A_784] {strides = array<i32>} : memref<128x64xf32, #tpu.memory_space<vmem>>, vector<1x16xf32>,
        %get3A_786 = vector.shape_cast %get3A_785 : vector<1x16xf32> to vector<16xf32>
        %add3A_787 = arith.addf %get3A_782, %get3A_786 : vector<16xf32>
        %mul3A_788 = arith.constant 2.000000e-01 : f32
        %mul3A_789 = vector.broadcast %mul3A_788 : f32 to vector<16xf32>
        %mul3A_790 = arith.mulf %mul3A_789, %add3A_787 : vector<16xf32>
        %max3A_791 = arith.maximumf %add3A_787, %mul3A_790 : vector<16xf32>
        %mul3A_792 = arith.mulf %max3A_791, %get3A_125 : vector<16xf32>
        %add3A_793 = arith.addf %add3A_778, %mul3A_792 : vector<16xf32>
        %iota3A_794 = tpu.iota {dimensions = array<i32: 0>} : vector<16xi32>
        %xor3A_795 = arith.constant 8 : i32
        %xor3A_796 = vector.broadcast %xor3A_795 : i32 to vector<16xi32>
        %xor3A_797 = arith.xori %iota3A_794, %xor3A_796 : vector<16xi32>
        %lt3A_798 = arith.constant 0 : i32
        %lt3A_799 = vector.broadcast %lt3A_798 : i32 to vector<16xi32>
        %lt3A_800 = arith.cmpi slt, %xor3A_797, %lt3A_799 : vector<16xi32>
        %add3A_801 = arith.constant 16 : i32
        %add3A_802 = vector.broadcast %add3A_801 : i32 to vector<16xi32>
        %add3A_803 = arith.addi %xor3A_797, %add3A_802 : vector<16xi32>
        %select_n3A_804 = arith.select %lt3A_800, %add3A_803, %xor3A_797 : vector<16xi1>, vector<16xi32>
        %broadcast_in_dim3A_805 = vector.shape_cast %select_n3A_804 : vector<16xi32> to vector<16x1xi32>
        %gather3A_806 = vector.shape_cast %broadcast_in_dim3A_805 : vector<16x1xi32> to vector<16xi32>
        %gather3A_807 = tpu.dynamic_gather %add3A_793[%gather3A_806] in [0] : vector<16xf32>, vector<16xi32> -> vector<16xf32>
        %add3A_808 = arith.addf %add3A_793, %gather3A_807 : vector<16xf32>
        %xor3A_809 = arith.constant 4 : i32
        %xor3A_810 = vector.broadcast %xor3A_809 : i32 to vector<16xi32>
        %xor3A_811 = arith.xori %iota3A_794, %xor3A_810 : vector<16xi32>
        %lt3A_812 = arith.constant 0 : i32
        %lt3A_813 = vector.broadcast %lt3A_812 : i32 to vector<16xi32>
        %lt3A_814 = arith.cmpi slt, %xor3A_811, %lt3A_813 : vector<16xi32>
        %add3A_815 = arith.constant 16 : i32
        %add3A_816 = vector.broadcast %add3A_815 : i32 to vector<16xi32>
        %add3A_817 = arith.addi %xor3A_811, %add3A_816 : vector<16xi32>
        %select_n3A_818 = arith.select %lt3A_814, %add3A_817, %xor3A_811 : vector<16xi1>, vector<16xi32>
        %broadcast_in_dim3A_819 = vector.shape_cast %select_n3A_818 : vector<16xi32> to vector<16x1xi32>
        %gather3A_820 = vector.shape_cast %broadcast_in_dim3A_819 : vector<16x1xi32> to vector<16xi32>
        %gather3A_821 = tpu.dynamic_gather %add3A_808[%gather3A_820] in [0] : vector<16xf32>, vector<16xi32> -> vector<16xf32>
        %add3A_822 = arith.addf %add3A_808, %gather3A_821 : vector<16xf32>
        %xor3A_823 = arith.constant 2 : i32
        %xor3A_824 = vector.broadcast %xor3A_823 : i32 to vector<16xi32>
        %xor3A_825 = arith.xori %iota3A_794, %xor3A_824 : vector<16xi32>
        %lt3A_826 = arith.constant 0 : i32
        %lt3A_827 = vector.broadcast %lt3A_826 : i32 to vector<16xi32>
        %lt3A_828 = arith.cmpi slt, %xor3A_825, %lt3A_827 : vector<16xi32>
        %add3A_829 = arith.constant 16 : i32
        %add3A_830 = vector.broadcast %add3A_829 : i32 to vector<16xi32>
        %add3A_831 = arith.addi %xor3A_825, %add3A_830 : vector<16xi32>
        %select_n3A_832 = arith.select %lt3A_828, %add3A_831, %xor3A_825 : vector<16xi1>, vector<16xi32>
        %broadcast_in_dim3A_833 = vector.shape_cast %select_n3A_832 : vector<16xi32> to vector<16x1xi32>
        %gather3A_834 = vector.shape_cast %broadcast_in_dim3A_833 : vector<16x1xi32> to vector<16xi32>
        %gather3A_835 = tpu.dynamic_gather %add3A_822[%gather3A_834] in [0] : vector<16xf32>, vector<16xi32> -> vector<16xf32>
        %add3A_836 = arith.addf %add3A_822, %gather3A_835 : vector<16xf32>
        %xor3A_837 = arith.constant 1 : i32
        %xor3A_838 = vector.broadcast %xor3A_837 : i32 to vector<16xi32>
        %xor3A_839 = arith.xori %iota3A_794, %xor3A_838 : vector<16xi32>
        %lt3A_840 = arith.constant 0 : i32
        %lt3A_841 = vector.broadcast %lt3A_840 : i32 to vector<16xi32>
        %lt3A_842 = arith.cmpi slt, %xor3A_839, %lt3A_841 : vector<16xi32>
        %add3A_843 = arith.constant 16 : i32
        %add3A_844 = vector.broadcast %add3A_843 : i32 to vector<16xi32>
        %add3A_845 = arith.addi %xor3A_839, %add3A_844 : vector<16xi32>
        %select_n3A_846 = arith.select %lt3A_842, %add3A_845, %xor3A_839 : vector<16xi1>, vector<16xi32>
        %broadcast_in_dim3A_847 = vector.shape_cast %select_n3A_846 : vector<16xi32> to vector<16x1xi32>
        %gather3A_848 = vector.shape_cast %broadcast_in_dim3A_847 : vector<16x1xi32> to vector<16xi32>
        %gather3A_849 = tpu.dynamic_gather %add3A_836[%gather3A_848] in [0] : vector<16xf32>, vector<16xi32> -> vector<16xf32>
        %add3A_850 = arith.addf %add3A_836, %gather3A_849 : vector<16xf32>
        %min3A_851 = arith.constant 6.000000e+01 : f32
        %min3A_852 = vector.broadcast %min3A_851 : f32 to vector<16xf32>
        %min3A_853 = arith.minimumf %add3A_850, %min3A_852 : vector<16xf32>
        %exp3A_854 = math.exp %min3A_853 : vector<16xf32>
        %get3A_855 = arith.index_cast %scan3A_731 : i32 to index
        %get3A_856 = arith.constant 0 : index
        %get3A_857 = tpu.vector_load %arg15[%get3A_855, %get3A_856] {strides = array<i32>} : memref<128x64xf32, #tpu.memory_space<vmem>>, vector<1x16xf32>,
        %get3A_858 = vector.shape_cast %get3A_857 : vector<1x16xf32> to vector<16xf32>
        %mul3A_859 = arith.mulf %exp3A_854, %get3A_858 : vector<16xf32>
        %swap3A_860 = arith.index_cast %scan3A_731 : i32 to index
        %swap3A_861 = arith.constant 0 : index
        %swap3A_862 = tpu.vector_load %arg19[%swap3A_860, %swap3A_861] {strides = array<i32>} : memref<128x80xf32, #tpu.memory_space<vmem>>, vector<1x16xf32>,
        %swap3A_863 = vector.shape_cast %swap3A_862 : vector<1x16xf32> to vector<16xf32>
        %swap3A_864 = vector.shape_cast %mul3A_859 : vector<16xf32> to vector<1x16xf32>
        tpu.vector_store %arg19[%swap3A_860, %swap3A_861], %swap3A_864 {strides = array<i32>} : memref<128x80xf32, #tpu.memory_space<vmem>>, vector<1x16xf32>,
        %get3A_865 = arith.index_cast %scan3A_731 : i32 to index
        %get3A_866 = arith.constant 16 : index
        %get3A_867 = tpu.vector_load %arg15[%get3A_865, %get3A_866] {strides = array<i32>} : memref<128x64xf32, #tpu.memory_space<vmem>>, vector<1x16xf32>,
        %get3A_868 = vector.shape_cast %get3A_867 : vector<1x16xf32> to vector<16xf32>
        %mul3A_869 = arith.mulf %exp3A_854, %get3A_868 : vector<16xf32>
        %swap3A_870 = arith.index_cast %scan3A_731 : i32 to index
        %swap3A_871 = arith.constant 16 : index
        %swap3A_872 = tpu.vector_load %arg19[%swap3A_870, %swap3A_871] {strides = array<i32>} : memref<128x80xf32, #tpu.memory_space<vmem>>, vector<1x16xf32>,
        %swap3A_873 = vector.shape_cast %swap3A_872 : vector<1x16xf32> to vector<16xf32>
        %swap3A_874 = vector.shape_cast %mul3A_869 : vector<16xf32> to vector<1x16xf32>
        tpu.vector_store %arg19[%swap3A_870, %swap3A_871], %swap3A_874 {strides = array<i32>} : memref<128x80xf32, #tpu.memory_space<vmem>>, vector<1x16xf32>,
        %get3A_875 = arith.index_cast %scan3A_731 : i32 to index
        %get3A_876 = arith.constant 32 : index
        %get3A_877 = tpu.vector_load %arg15[%get3A_875, %get3A_876] {strides = array<i32>} : memref<128x64xf32, #tpu.memory_space<vmem>>, vector<1x16xf32>,
        %get3A_878 = vector.shape_cast %get3A_877 : vector<1x16xf32> to vector<16xf32>
        %mul3A_879 = arith.mulf %exp3A_854, %get3A_878 : vector<16xf32>
        %swap3A_880 = arith.index_cast %scan3A_731 : i32 to index
        %swap3A_881 = arith.constant 32 : index
        %swap3A_882 = tpu.vector_load %arg19[%swap3A_880, %swap3A_881] {strides = array<i32>} : memref<128x80xf32, #tpu.memory_space<vmem>>, vector<1x16xf32>,
        %swap3A_883 = vector.shape_cast %swap3A_882 : vector<1x16xf32> to vector<16xf32>
        %swap3A_884 = vector.shape_cast %mul3A_879 : vector<16xf32> to vector<1x16xf32>
        tpu.vector_store %arg19[%swap3A_880, %swap3A_881], %swap3A_884 {strides = array<i32>} : memref<128x80xf32, #tpu.memory_space<vmem>>, vector<1x16xf32>,
        %get3A_885 = arith.index_cast %scan3A_731 : i32 to index
        %get3A_886 = arith.constant 48 : index
        %get3A_887 = tpu.vector_load %arg15[%get3A_885, %get3A_886] {strides = array<i32>} : memref<128x64xf32, #tpu.memory_space<vmem>>, vector<1x16xf32>,
        %get3A_888 = vector.shape_cast %get3A_887 : vector<1x16xf32> to vector<16xf32>
        %mul3A_889 = arith.mulf %exp3A_854, %get3A_888 : vector<16xf32>
        %swap3A_890 = arith.index_cast %scan3A_731 : i32 to index
        %swap3A_891 = arith.constant 48 : index
        %swap3A_892 = tpu.vector_load %arg19[%swap3A_890, %swap3A_891] {strides = array<i32>} : memref<128x80xf32, #tpu.memory_space<vmem>>, vector<1x16xf32>,
        %swap3A_893 = vector.shape_cast %swap3A_892 : vector<1x16xf32> to vector<16xf32>
        %swap3A_894 = vector.shape_cast %mul3A_889 : vector<16xf32> to vector<1x16xf32>
        tpu.vector_store %arg19[%swap3A_890, %swap3A_891], %swap3A_894 {strides = array<i32>} : memref<128x80xf32, #tpu.memory_space<vmem>>, vector<1x16xf32>,
        %swap3A_895 = arith.index_cast %scan3A_731 : i32 to index
        %swap3A_896 = arith.constant 64 : index
        %swap3A_897 = tpu.vector_load %arg19[%swap3A_895, %swap3A_896] {strides = array<i32>} : memref<128x80xf32, #tpu.memory_space<vmem>>, vector<1x16xf32>,
        %swap3A_898 = vector.shape_cast %swap3A_897 : vector<1x16xf32> to vector<16xf32>
        %swap3A_899 = vector.shape_cast %exp3A_854 : vector<16xf32> to vector<1x16xf32>
        tpu.vector_store %arg19[%swap3A_895, %swap3A_896], %swap3A_899 {strides = array<i32>} : memref<128x80xf32, #tpu.memory_space<vmem>>, vector<1x16xf32>,
      }
      %scan3A_130 = arith.constant 128 : i32
      "tpu.region"() ({
        %run_scoped3A = tpu.sem_alloc : memref<!tpu.dma_semaphore, #tpu.memory_space<semaphore_mem>>
        %dma_start3A_229 = arith.constant 0 : i32
        %dma_start3A_230 = arith.constant 0 : i32
        %dma_start3A_231 = tpu.memref_slice %arg22[%dma_start3A_229, %dma_start3A_230] : memref<10112x80xf32, #tpu.memory_space<vmem_shared>> -> memref<10112x80xf32, #tpu.memory_space<vmem_shared>>
        tpu.enqueue_indirect_dma source(%arg19 : memref<128x80xf32, #tpu.memory_space<vmem>>) target(%dma_start3A_231 : memref<10112x80xf32, #tpu.memory_space<vmem_shared>>) offsets(%arg13 : memref<128xi32, #tpu.memory_space<vmem>>) semaphore(%run_scoped3A : memref<!tpu.dma_semaphore, #tpu.memory_space<semaphore_mem>>) {add = true}
        %dma_wait3A_232 = arith.constant 0 : i32
        %dma_wait3A_233 = arith.constant 0 : i32
        %dma_wait3A_234 = tpu.memref_slice %arg22[%dma_wait3A_232, %dma_wait3A_233] : memref<10112x80xf32, #tpu.memory_space<vmem_shared>> -> memref<10112x80xf32, #tpu.memory_space<vmem_shared>>
        tpu.wait_indirect_dma semaphore(%run_scoped3A : memref<!tpu.dma_semaphore, #tpu.memory_space<semaphore_mem>>) src(%arg19 : memref<128x80xf32, #tpu.memory_space<vmem>>) dst(%dma_wait3A_234 : memref<10112x80xf32, #tpu.memory_space<vmem_shared>>)
        tpu.yield
      }) : () -> ()
      %lt3A = arith.constant 19 : i32
      %lt3A_131 = arith.cmpi slt, %scan3A_35, %lt3A : i32
      %convert_element_type3A_132 = arith.extui %lt3A_131 : i1 to i32
      %cond3A_133 = arith.constant 0 : i32
      %cond3A_134 = arith.cmpi ne, %convert_element_type3A_132, %cond3A_133 : i32
      scf.if %cond3A_134 {
        %add3A_229 = arith.constant 2 : i32
        %add3A_230 = arith.addi %mul3A_37, %add3A_229 : i32
        %mul3A_231 = arith.constant 128 : i32
        %mul3A_232 = arith.muli %add3A_230, %mul3A_231 : i32
        %add3A_233 = arith.addi %mul3A_4, %mul3A_232 : i32
        %dma_start3A_234 = tpu.memref_slice %arg5[%add3A_233] : memref<163840xi32, #tpu.memory_space<hbm>> -> memref<128xi32, #tpu.memory_space<hbm>>
        %dma_start3A_235 = tpu.memref_slice %arg5[%add3A_233] : memref<163840xi32, #tpu.memory_space<hbm>> -> memref<128xi32, #tpu.memory_space<hbm>>
        tpu.enqueue_dma source(%dma_start3A_235 : memref<128xi32, #tpu.memory_space<hbm>>) target(%arg9 : memref<128xi32, #tpu.memory_space<vmem>>) target_semaphore(%arg23 : memref<!tpu.dma_semaphore, #tpu.memory_space<semaphore_mem>>)
        %dma_start3A_236 = tpu.memref_slice %arg6[%add3A_233] : memref<163840xi32, #tpu.memory_space<hbm>> -> memref<128xi32, #tpu.memory_space<hbm>>
        %dma_start3A_237 = tpu.memref_slice %arg6[%add3A_233] : memref<163840xi32, #tpu.memory_space<hbm>> -> memref<128xi32, #tpu.memory_space<hbm>>
        tpu.enqueue_dma source(%dma_start3A_237 : memref<128xi32, #tpu.memory_space<hbm>>) target(%arg10 : memref<128xi32, #tpu.memory_space<vmem>>) target_semaphore(%arg23 : memref<!tpu.dma_semaphore, #tpu.memory_space<semaphore_mem>>)
      } else {
      }
      %lt3A_135 = arith.constant 19 : i32
      %lt3A_136 = arith.cmpi slt, %scan3A_35, %lt3A_135 : i32
      %convert_element_type3A_137 = arith.extui %lt3A_136 : i1 to i32
      %cond3A_138 = arith.constant 0 : i32
      %cond3A_139 = arith.cmpi ne, %convert_element_type3A_137, %cond3A_138 : i32
      scf.if %cond3A_139 {
        %dma_wait3A_229 = arith.constant 0 : i32
        %dma_wait3A_230 = tpu.memref_slice %arg5[%dma_wait3A_229] : memref<163840xi32, #tpu.memory_space<hbm>> -> memref<128xi32, #tpu.memory_space<hbm>>
        %dma_wait3A_231 = arith.constant 0 : i32
        %dma_wait3A_232 = tpu.memref_slice %arg5[%dma_wait3A_231] : memref<163840xi32, #tpu.memory_space<hbm>> -> memref<128xi32, #tpu.memory_space<hbm>>
        tpu.wait_dma2 semaphore(%arg23 : memref<!tpu.dma_semaphore, #tpu.memory_space<semaphore_mem>>) src(%dma_wait3A_232 : memref<128xi32, #tpu.memory_space<hbm>>) dst(%arg9 : memref<128xi32, #tpu.memory_space<vmem>>)
        %dma_wait3A_233 = arith.constant 0 : i32
        %dma_wait3A_234 = tpu.memref_slice %arg6[%dma_wait3A_233] : memref<163840xi32, #tpu.memory_space<hbm>> -> memref<128xi32, #tpu.memory_space<hbm>>
        %dma_wait3A_235 = arith.constant 0 : i32
        %dma_wait3A_236 = tpu.memref_slice %arg6[%dma_wait3A_235] : memref<163840xi32, #tpu.memory_space<hbm>> -> memref<128xi32, #tpu.memory_space<hbm>>
        tpu.wait_dma2 semaphore(%arg23 : memref<!tpu.dma_semaphore, #tpu.memory_space<semaphore_mem>>) src(%dma_wait3A_236 : memref<128xi32, #tpu.memory_space<hbm>>) dst(%arg10 : memref<128xi32, #tpu.memory_space<vmem>>)
        %dma_start3A_237 = arith.constant 0 : i32
        %dma_start3A_238 = arith.constant 0 : i32
        %dma_start3A_239 = tpu.memref_slice %arg2[%dma_start3A_237, %dma_start3A_238] : memref<10112x64xf32, #tpu.memory_space<hbm>> -> memref<10112x64xf32, #tpu.memory_space<hbm>>
        tpu.enqueue_indirect_dma source(%dma_start3A_239 : memref<10112x64xf32, #tpu.memory_space<hbm>>) target(%arg15 : memref<128x64xf32, #tpu.memory_space<vmem>>) offsets(%arg9 : memref<128xi32, #tpu.memory_space<vmem>>) semaphore(%arg25 : memref<!tpu.dma_semaphore, #tpu.memory_space<semaphore_mem>>)
        %dma_start3A_240 = arith.constant 0 : i32
        %dma_start3A_241 = arith.constant 0 : i32
        %dma_start3A_242 = tpu.memref_slice %arg3[%dma_start3A_240, %dma_start3A_241] : memref<10112x64xf32, #tpu.memory_space<hbm>> -> memref<10112x64xf32, #tpu.memory_space<hbm>>
        tpu.enqueue_indirect_dma source(%dma_start3A_242 : memref<10112x64xf32, #tpu.memory_space<hbm>>) target(%arg16 : memref<128x64xf32, #tpu.memory_space<vmem>>) offsets(%arg10 : memref<128xi32, #tpu.memory_space<vmem>>) semaphore(%arg26 : memref<!tpu.dma_semaphore, #tpu.memory_space<semaphore_mem>>)
      } else {
      }
      %dma_wait3A_140 = arith.constant 0 : i32
      %dma_wait3A_141 = arith.constant 0 : i32
      %dma_wait3A_142 = tpu.memref_slice %arg2[%dma_wait3A_140, %dma_wait3A_141] : memref<10112x64xf32, #tpu.memory_space<hbm>> -> memref<10112x64xf32, #tpu.memory_space<hbm>>
      tpu.wait_indirect_dma semaphore(%arg27 : memref<!tpu.dma_semaphore, #tpu.memory_space<semaphore_mem>>) src(%dma_wait3A_142 : memref<10112x64xf32, #tpu.memory_space<hbm>>) dst(%arg17 : memref<128x64xf32, #tpu.memory_space<vmem>>)
      %dma_wait3A_143 = arith.constant 0 : i32
      %dma_wait3A_144 = arith.constant 0 : i32
      %dma_wait3A_145 = tpu.memref_slice %arg3[%dma_wait3A_143, %dma_wait3A_144] : memref<10112x64xf32, #tpu.memory_space<hbm>> -> memref<10112x64xf32, #tpu.memory_space<hbm>>
      tpu.wait_indirect_dma semaphore(%arg28 : memref<!tpu.dma_semaphore, #tpu.memory_space<semaphore_mem>>) src(%dma_wait3A_145 : memref<10112x64xf32, #tpu.memory_space<hbm>>) dst(%arg18 : memref<128x64xf32, #tpu.memory_space<vmem>>)
      %gt3A_146 = arith.constant 0 : i32
      %gt3A_147 = arith.cmpi sgt, %scan3A_35, %gt3A_146 : i32
      %convert_element_type3A_148 = arith.extui %gt3A_147 : i1 to i32
      %cond3A_149 = arith.constant 0 : i32
      %cond3A_150 = arith.cmpi ne, %convert_element_type3A_148, %cond3A_149 : i32
      scf.if %cond3A_150 {
      } else {
      }
      %get3A_151 = arith.constant 0 : index
      %get3A_152 = tpu.vector_load %arg12[%get3A_151] {strides = array<i32>} : memref<128xi32, #tpu.memory_space<vmem>>, vector<16xi32>,
      %get3A_153 = vector.shape_cast %get3A_152 : vector<16xi32> to vector<16xi32>
      %swap3A_154 = arith.constant 0 : index
      %swap3A_155 = tpu.vector_load %arg14[%swap3A_154] {strides = array<i32>} : memref<128xi32, #tpu.memory_space<vmem>>, vector<16xi32>,
      %swap3A_156 = vector.shape_cast %swap3A_155 : vector<16xi32> to vector<16xi32>
      %swap3A_157 = vector.shape_cast %get3A_153 : vector<16xi32> to vector<16xi32>
      tpu.vector_store %arg14[%swap3A_154], %swap3A_157 {strides = array<i32>} : memref<128xi32, #tpu.memory_space<vmem>>, vector<16xi32>,
      %get3A_158 = arith.constant 16 : index
      %get3A_159 = tpu.vector_load %arg12[%get3A_158] {strides = array<i32>} : memref<128xi32, #tpu.memory_space<vmem>>, vector<16xi32>,
      %get3A_160 = vector.shape_cast %get3A_159 : vector<16xi32> to vector<16xi32>
      %swap3A_161 = arith.constant 16 : index
      %swap3A_162 = tpu.vector_load %arg14[%swap3A_161] {strides = array<i32>} : memref<128xi32, #tpu.memory_space<vmem>>, vector<16xi32>,
      %swap3A_163 = vector.shape_cast %swap3A_162 : vector<16xi32> to vector<16xi32>
      %swap3A_164 = vector.shape_cast %get3A_160 : vector<16xi32> to vector<16xi32>
      tpu.vector_store %arg14[%swap3A_161], %swap3A_164 {strides = array<i32>} : memref<128xi32, #tpu.memory_space<vmem>>, vector<16xi32>,
      %get3A_165 = arith.constant 32 : index
      %get3A_166 = tpu.vector_load %arg12[%get3A_165] {strides = array<i32>} : memref<128xi32, #tpu.memory_space<vmem>>, vector<16xi32>,
      %get3A_167 = vector.shape_cast %get3A_166 : vector<16xi32> to vector<16xi32>
      %swap3A_168 = arith.constant 32 : index
      %swap3A_169 = tpu.vector_load %arg14[%swap3A_168] {strides = array<i32>} : memref<128xi32, #tpu.memory_space<vmem>>, vector<16xi32>,
      %swap3A_170 = vector.shape_cast %swap3A_169 : vector<16xi32> to vector<16xi32>
      %swap3A_171 = vector.shape_cast %get3A_167 : vector<16xi32> to vector<16xi32>
      tpu.vector_store %arg14[%swap3A_168], %swap3A_171 {strides = array<i32>} : memref<128xi32, #tpu.memory_space<vmem>>, vector<16xi32>,
      %get3A_172 = arith.constant 48 : index
      %get3A_173 = tpu.vector_load %arg12[%get3A_172] {strides = array<i32>} : memref<128xi32, #tpu.memory_space<vmem>>, vector<16xi32>,
      %get3A_174 = vector.shape_cast %get3A_173 : vector<16xi32> to vector<16xi32>
      %swap3A_175 = arith.constant 48 : index
      %swap3A_176 = tpu.vector_load %arg14[%swap3A_175] {strides = array<i32>} : memref<128xi32, #tpu.memory_space<vmem>>, vector<16xi32>,
      %swap3A_177 = vector.shape_cast %swap3A_176 : vector<16xi32> to vector<16xi32>
      %swap3A_178 = vector.shape_cast %get3A_174 : vector<16xi32> to vector<16xi32>
      tpu.vector_store %arg14[%swap3A_175], %swap3A_178 {strides = array<i32>} : memref<128xi32, #tpu.memory_space<vmem>>, vector<16xi32>,
      %get3A_179 = arith.constant 64 : index
      %get3A_180 = tpu.vector_load %arg12[%get3A_179] {strides = array<i32>} : memref<128xi32, #tpu.memory_space<vmem>>, vector<16xi32>,
      %get3A_181 = vector.shape_cast %get3A_180 : vector<16xi32> to vector<16xi32>
      %swap3A_182 = arith.constant 64 : index
      %swap3A_183 = tpu.vector_load %arg14[%swap3A_182] {strides = array<i32>} : memref<128xi32, #tpu.memory_space<vmem>>, vector<16xi32>,
      %swap3A_184 = vector.shape_cast %swap3A_183 : vector<16xi32> to vector<16xi32>
      %swap3A_185 = vector.shape_cast %get3A_181 : vector<16xi32> to vector<16xi32>
      tpu.vector_store %arg14[%swap3A_182], %swap3A_185 {strides = array<i32>} : memref<128xi32, #tpu.memory_space<vmem>>, vector<16xi32>,
      %get3A_186 = arith.constant 80 : index
      %get3A_187 = tpu.vector_load %arg12[%get3A_186] {strides = array<i32>} : memref<128xi32, #tpu.memory_space<vmem>>, vector<16xi32>,
      %get3A_188 = vector.shape_cast %get3A_187 : vector<16xi32> to vector<16xi32>
      %swap3A_189 = arith.constant 80 : index
      %swap3A_190 = tpu.vector_load %arg14[%swap3A_189] {strides = array<i32>} : memref<128xi32, #tpu.memory_space<vmem>>, vector<16xi32>,
      %swap3A_191 = vector.shape_cast %swap3A_190 : vector<16xi32> to vector<16xi32>
      %swap3A_192 = vector.shape_cast %get3A_188 : vector<16xi32> to vector<16xi32>
      tpu.vector_store %arg14[%swap3A_189], %swap3A_192 {strides = array<i32>} : memref<128xi32, #tpu.memory_space<vmem>>, vector<16xi32>,
      %get3A_193 = arith.constant 96 : index
      %get3A_194 = tpu.vector_load %arg12[%get3A_193] {strides = array<i32>} : memref<128xi32, #tpu.memory_space<vmem>>, vector<16xi32>,
      %get3A_195 = vector.shape_cast %get3A_194 : vector<16xi32> to vector<16xi32>
      %swap3A_196 = arith.constant 96 : index
      %swap3A_197 = tpu.vector_load %arg14[%swap3A_196] {strides = array<i32>} : memref<128xi32, #tpu.memory_space<vmem>>, vector<16xi32>,
      %swap3A_198 = vector.shape_cast %swap3A_197 : vector<16xi32> to vector<16xi32>
      %swap3A_199 = vector.shape_cast %get3A_195 : vector<16xi32> to vector<16xi32>
      tpu.vector_store %arg14[%swap3A_196], %swap3A_199 {strides = array<i32>} : memref<128xi32, #tpu.memory_space<vmem>>, vector<16xi32>,
      %get3A_200 = arith.constant 112 : index
      %get3A_201 = tpu.vector_load %arg12[%get3A_200] {strides = array<i32>} : memref<128xi32, #tpu.memory_space<vmem>>, vector<16xi32>,
      %get3A_202 = vector.shape_cast %get3A_201 : vector<16xi32> to vector<16xi32>
      %swap3A_203 = arith.constant 112 : index
      %swap3A_204 = tpu.vector_load %arg14[%swap3A_203] {strides = array<i32>} : memref<128xi32, #tpu.memory_space<vmem>>, vector<16xi32>,
      %swap3A_205 = vector.shape_cast %swap3A_204 : vector<16xi32> to vector<16xi32>
      %swap3A_206 = vector.shape_cast %get3A_202 : vector<16xi32> to vector<16xi32>
      tpu.vector_store %arg14[%swap3A_203], %swap3A_206 {strides = array<i32>} : memref<128xi32, #tpu.memory_space<vmem>>, vector<16xi32>,
      %get3A_207 = arith.constant 0 : index
      %get3A_208 = tpu.vector_load %arg21[%get3A_207] {strides = array<i32>} : memref<64xf32, #tpu.memory_space<vmem>>, vector<16xf32>,
      %get3A_209 = vector.shape_cast %get3A_208 : vector<16xf32> to vector<16xf32>
      %get3A_210 = arith.constant 16 : index
      %get3A_211 = tpu.vector_load %arg21[%get3A_210] {strides = array<i32>} : memref<64xf32, #tpu.memory_space<vmem>>, vector<16xf32>,
      %get3A_212 = vector.shape_cast %get3A_211 : vector<16xf32> to vector<16xf32>
      %get3A_213 = arith.constant 32 : index
      %get3A_214 = tpu.vector_load %arg21[%get3A_213] {strides = array<i32>} : memref<64xf32, #tpu.memory_space<vmem>>, vector<16xf32>,
      %get3A_215 = vector.shape_cast %get3A_214 : vector<16xf32> to vector<16xf32>
      %get3A_216 = arith.constant 48 : index
      %get3A_217 = tpu.vector_load %arg21[%get3A_216] {strides = array<i32>} : memref<64xf32, #tpu.memory_space<vmem>>, vector<16xf32>,
      %get3A_218 = vector.shape_cast %get3A_217 : vector<16xf32> to vector<16xf32>
      %scan3A_219 = arith.constant 0 : i32
      %scan3A_220 = arith.constant 128 : i32
      %scan3A_221 = arith.addi %scan3A_219, %scan3A_220 : i32
      %scan3A_222 = arith.constant 4 : i32
      scf.for %scan3A_229 = %scan3A_219 to %scan3A_221 step %scan3A_222  : i32 {
        %broadcast_in_dim3A = arith.constant 0.000000e+00 : f32
        %broadcast_in_dim3A_230 = vector.broadcast %broadcast_in_dim3A : f32 to vector<16xf32>
        %get3A_231 = arith.index_cast %scan3A_229 : i32 to index
        %get3A_232 = arith.constant 0 : index
        %get3A_233 = tpu.vector_load %arg17[%get3A_231, %get3A_232] {strides = array<i32>} : memref<128x64xf32, #tpu.memory_space<vmem>>, vector<1x16xf32>,
        %get3A_234 = vector.shape_cast %get3A_233 : vector<1x16xf32> to vector<16xf32>
        %get3A_235 = arith.index_cast %scan3A_229 : i32 to index
        %get3A_236 = arith.constant 0 : index
        %get3A_237 = tpu.vector_load %arg18[%get3A_235, %get3A_236] {strides = array<i32>} : memref<128x64xf32, #tpu.memory_space<vmem>>, vector<1x16xf32>,
        %get3A_238 = vector.shape_cast %get3A_237 : vector<1x16xf32> to vector<16xf32>
        %add3A_239 = arith.addf %get3A_234, %get3A_238 : vector<16xf32>
        %mul3A_240 = arith.constant 2.000000e-01 : f32
        %mul3A_241 = vector.broadcast %mul3A_240 : f32 to vector<16xf32>
        %mul3A_242 = arith.mulf %mul3A_241, %add3A_239 : vector<16xf32>
        %max3A = arith.maximumf %add3A_239, %mul3A_242 : vector<16xf32>
        %mul3A_243 = arith.mulf %max3A, %get3A_209 : vector<16xf32>
        %add3A_244 = arith.addf %broadcast_in_dim3A_230, %mul3A_243 : vector<16xf32>
        %get3A_245 = arith.index_cast %scan3A_229 : i32 to index
        %get3A_246 = arith.constant 16 : index
        %get3A_247 = tpu.vector_load %arg17[%get3A_245, %get3A_246] {strides = array<i32>} : memref<128x64xf32, #tpu.memory_space<vmem>>, vector<1x16xf32>,
        %get3A_248 = vector.shape_cast %get3A_247 : vector<1x16xf32> to vector<16xf32>
        %get3A_249 = arith.index_cast %scan3A_229 : i32 to index
        %get3A_250 = arith.constant 16 : index
        %get3A_251 = tpu.vector_load %arg18[%get3A_249, %get3A_250] {strides = array<i32>} : memref<128x64xf32, #tpu.memory_space<vmem>>, vector<1x16xf32>,
        %get3A_252 = vector.shape_cast %get3A_251 : vector<1x16xf32> to vector<16xf32>
        %add3A_253 = arith.addf %get3A_248, %get3A_252 : vector<16xf32>
        %mul3A_254 = arith.constant 2.000000e-01 : f32
        %mul3A_255 = vector.broadcast %mul3A_254 : f32 to vector<16xf32>
        %mul3A_256 = arith.mulf %mul3A_255, %add3A_253 : vector<16xf32>
        %max3A_257 = arith.maximumf %add3A_253, %mul3A_256 : vector<16xf32>
        %mul3A_258 = arith.mulf %max3A_257, %get3A_212 : vector<16xf32>
        %add3A_259 = arith.addf %add3A_244, %mul3A_258 : vector<16xf32>
        %get3A_260 = arith.index_cast %scan3A_229 : i32 to index
        %get3A_261 = arith.constant 32 : index
        %get3A_262 = tpu.vector_load %arg17[%get3A_260, %get3A_261] {strides = array<i32>} : memref<128x64xf32, #tpu.memory_space<vmem>>, vector<1x16xf32>,
        %get3A_263 = vector.shape_cast %get3A_262 : vector<1x16xf32> to vector<16xf32>
        %get3A_264 = arith.index_cast %scan3A_229 : i32 to index
        %get3A_265 = arith.constant 32 : index
        %get3A_266 = tpu.vector_load %arg18[%get3A_264, %get3A_265] {strides = array<i32>} : memref<128x64xf32, #tpu.memory_space<vmem>>, vector<1x16xf32>,
        %get3A_267 = vector.shape_cast %get3A_266 : vector<1x16xf32> to vector<16xf32>
        %add3A_268 = arith.addf %get3A_263, %get3A_267 : vector<16xf32>
        %mul3A_269 = arith.constant 2.000000e-01 : f32
        %mul3A_270 = vector.broadcast %mul3A_269 : f32 to vector<16xf32>
        %mul3A_271 = arith.mulf %mul3A_270, %add3A_268 : vector<16xf32>
        %max3A_272 = arith.maximumf %add3A_268, %mul3A_271 : vector<16xf32>
        %mul3A_273 = arith.mulf %max3A_272, %get3A_215 : vector<16xf32>
        %add3A_274 = arith.addf %add3A_259, %mul3A_273 : vector<16xf32>
        %get3A_275 = arith.index_cast %scan3A_229 : i32 to index
        %get3A_276 = arith.constant 48 : index
        %get3A_277 = tpu.vector_load %arg17[%get3A_275, %get3A_276] {strides = array<i32>} : memref<128x64xf32, #tpu.memory_space<vmem>>, vector<1x16xf32>,
        %get3A_278 = vector.shape_cast %get3A_277 : vector<1x16xf32> to vector<16xf32>
        %get3A_279 = arith.index_cast %scan3A_229 : i32 to index
        %get3A_280 = arith.constant 48 : index
        %get3A_281 = tpu.vector_load %arg18[%get3A_279, %get3A_280] {strides = array<i32>} : memref<128x64xf32, #tpu.memory_space<vmem>>, vector<1x16xf32>,
        %get3A_282 = vector.shape_cast %get3A_281 : vector<1x16xf32> to vector<16xf32>
        %add3A_283 = arith.addf %get3A_278, %get3A_282 : vector<16xf32>
        %mul3A_284 = arith.constant 2.000000e-01 : f32
        %mul3A_285 = vector.broadcast %mul3A_284 : f32 to vector<16xf32>
        %mul3A_286 = arith.mulf %mul3A_285, %add3A_283 : vector<16xf32>
        %max3A_287 = arith.maximumf %add3A_283, %mul3A_286 : vector<16xf32>
        %mul3A_288 = arith.mulf %max3A_287, %get3A_218 : vector<16xf32>
        %add3A_289 = arith.addf %add3A_274, %mul3A_288 : vector<16xf32>
        %iota3A = tpu.iota {dimensions = array<i32: 0>} : vector<16xi32>
        %xor3A = arith.constant 8 : i32
        %xor3A_290 = vector.broadcast %xor3A : i32 to vector<16xi32>
        %xor3A_291 = arith.xori %iota3A, %xor3A_290 : vector<16xi32>
        %lt3A_292 = arith.constant 0 : i32
        %lt3A_293 = vector.broadcast %lt3A_292 : i32 to vector<16xi32>
        %lt3A_294 = arith.cmpi slt, %xor3A_291, %lt3A_293 : vector<16xi32>
        %add3A_295 = arith.constant 16 : i32
        %add3A_296 = vector.broadcast %add3A_295 : i32 to vector<16xi32>
        %add3A_297 = arith.addi %xor3A_291, %add3A_296 : vector<16xi32>
        %select_n3A = arith.select %lt3A_294, %add3A_297, %xor3A_291 : vector<16xi1>, vector<16xi32>
        %broadcast_in_dim3A_298 = vector.shape_cast %select_n3A : vector<16xi32> to vector<16x1xi32>
        %gather3A = vector.shape_cast %broadcast_in_dim3A_298 : vector<16x1xi32> to vector<16xi32>
        %gather3A_299 = tpu.dynamic_gather %add3A_289[%gather3A] in [0] : vector<16xf32>, vector<16xi32> -> vector<16xf32>
        %add3A_300 = arith.addf %add3A_289, %gather3A_299 : vector<16xf32>
        %xor3A_301 = arith.constant 4 : i32
        %xor3A_302 = vector.broadcast %xor3A_301 : i32 to vector<16xi32>
        %xor3A_303 = arith.xori %iota3A, %xor3A_302 : vector<16xi32>
        %lt3A_304 = arith.constant 0 : i32
        %lt3A_305 = vector.broadcast %lt3A_304 : i32 to vector<16xi32>
        %lt3A_306 = arith.cmpi slt, %xor3A_303, %lt3A_305 : vector<16xi32>
        %add3A_307 = arith.constant 16 : i32
        %add3A_308 = vector.broadcast %add3A_307 : i32 to vector<16xi32>
        %add3A_309 = arith.addi %xor3A_303, %add3A_308 : vector<16xi32>
        %select_n3A_310 = arith.select %lt3A_306, %add3A_309, %xor3A_303 : vector<16xi1>, vector<16xi32>
        %broadcast_in_dim3A_311 = vector.shape_cast %select_n3A_310 : vector<16xi32> to vector<16x1xi32>
        %gather3A_312 = vector.shape_cast %broadcast_in_dim3A_311 : vector<16x1xi32> to vector<16xi32>
        %gather3A_313 = tpu.dynamic_gather %add3A_300[%gather3A_312] in [0] : vector<16xf32>, vector<16xi32> -> vector<16xf32>
        %add3A_314 = arith.addf %add3A_300, %gather3A_313 : vector<16xf32>
        %xor3A_315 = arith.constant 2 : i32
        %xor3A_316 = vector.broadcast %xor3A_315 : i32 to vector<16xi32>
        %xor3A_317 = arith.xori %iota3A, %xor3A_316 : vector<16xi32>
        %lt3A_318 = arith.constant 0 : i32
        %lt3A_319 = vector.broadcast %lt3A_318 : i32 to vector<16xi32>
        %lt3A_320 = arith.cmpi slt, %xor3A_317, %lt3A_319 : vector<16xi32>
        %add3A_321 = arith.constant 16 : i32
        %add3A_322 = vector.broadcast %add3A_321 : i32 to vector<16xi32>
        %add3A_323 = arith.addi %xor3A_317, %add3A_322 : vector<16xi32>
        %select_n3A_324 = arith.select %lt3A_320, %add3A_323, %xor3A_317 : vector<16xi1>, vector<16xi32>
        %broadcast_in_dim3A_325 = vector.shape_cast %select_n3A_324 : vector<16xi32> to vector<16x1xi32>
        %gather3A_326 = vector.shape_cast %broadcast_in_dim3A_325 : vector<16x1xi32> to vector<16xi32>
        %gather3A_327 = tpu.dynamic_gather %add3A_314[%gather3A_326] in [0] : vector<16xf32>, vector<16xi32> -> vector<16xf32>
        %add3A_328 = arith.addf %add3A_314, %gather3A_327 : vector<16xf32>
        %xor3A_329 = arith.constant 1 : i32
        %xor3A_330 = vector.broadcast %xor3A_329 : i32 to vector<16xi32>
        %xor3A_331 = arith.xori %iota3A, %xor3A_330 : vector<16xi32>
        %lt3A_332 = arith.constant 0 : i32
        %lt3A_333 = vector.broadcast %lt3A_332 : i32 to vector<16xi32>
        %lt3A_334 = arith.cmpi slt, %xor3A_331, %lt3A_333 : vector<16xi32>
        %add3A_335 = arith.constant 16 : i32
        %add3A_336 = vector.broadcast %add3A_335 : i32 to vector<16xi32>
        %add3A_337 = arith.addi %xor3A_331, %add3A_336 : vector<16xi32>
        %select_n3A_338 = arith.select %lt3A_334, %add3A_337, %xor3A_331 : vector<16xi1>, vector<16xi32>
        %broadcast_in_dim3A_339 = vector.shape_cast %select_n3A_338 : vector<16xi32> to vector<16x1xi32>
        %gather3A_340 = vector.shape_cast %broadcast_in_dim3A_339 : vector<16x1xi32> to vector<16xi32>
        %gather3A_341 = tpu.dynamic_gather %add3A_328[%gather3A_340] in [0] : vector<16xf32>, vector<16xi32> -> vector<16xf32>
        %add3A_342 = arith.addf %add3A_328, %gather3A_341 : vector<16xf32>
        %min3A = arith.constant 6.000000e+01 : f32
        %min3A_343 = vector.broadcast %min3A : f32 to vector<16xf32>
        %min3A_344 = arith.minimumf %add3A_342, %min3A_343 : vector<16xf32>
        %exp3A = math.exp %min3A_344 : vector<16xf32>
        %get3A_345 = arith.index_cast %scan3A_229 : i32 to index
        %get3A_346 = arith.constant 0 : index
        %get3A_347 = tpu.vector_load %arg17[%get3A_345, %get3A_346] {strides = array<i32>} : memref<128x64xf32, #tpu.memory_space<vmem>>, vector<1x16xf32>,
        %get3A_348 = vector.shape_cast %get3A_347 : vector<1x16xf32> to vector<16xf32>
        %mul3A_349 = arith.mulf %exp3A, %get3A_348 : vector<16xf32>
        %swap3A_350 = arith.index_cast %scan3A_229 : i32 to index
        %swap3A_351 = arith.constant 0 : index
        %swap3A_352 = tpu.vector_load %arg20[%swap3A_350, %swap3A_351] {strides = array<i32>} : memref<128x80xf32, #tpu.memory_space<vmem>>, vector<1x16xf32>,
        %swap3A_353 = vector.shape_cast %swap3A_352 : vector<1x16xf32> to vector<16xf32>
        %swap3A_354 = vector.shape_cast %mul3A_349 : vector<16xf32> to vector<1x16xf32>
        tpu.vector_store %arg20[%swap3A_350, %swap3A_351], %swap3A_354 {strides = array<i32>} : memref<128x80xf32, #tpu.memory_space<vmem>>, vector<1x16xf32>,
        %get3A_355 = arith.index_cast %scan3A_229 : i32 to index
        %get3A_356 = arith.constant 16 : index
        %get3A_357 = tpu.vector_load %arg17[%get3A_355, %get3A_356] {strides = array<i32>} : memref<128x64xf32, #tpu.memory_space<vmem>>, vector<1x16xf32>,
        %get3A_358 = vector.shape_cast %get3A_357 : vector<1x16xf32> to vector<16xf32>
        %mul3A_359 = arith.mulf %exp3A, %get3A_358 : vector<16xf32>
        %swap3A_360 = arith.index_cast %scan3A_229 : i32 to index
        %swap3A_361 = arith.constant 16 : index
        %swap3A_362 = tpu.vector_load %arg20[%swap3A_360, %swap3A_361] {strides = array<i32>} : memref<128x80xf32, #tpu.memory_space<vmem>>, vector<1x16xf32>,
        %swap3A_363 = vector.shape_cast %swap3A_362 : vector<1x16xf32> to vector<16xf32>
        %swap3A_364 = vector.shape_cast %mul3A_359 : vector<16xf32> to vector<1x16xf32>
        tpu.vector_store %arg20[%swap3A_360, %swap3A_361], %swap3A_364 {strides = array<i32>} : memref<128x80xf32, #tpu.memory_space<vmem>>, vector<1x16xf32>,
        %get3A_365 = arith.index_cast %scan3A_229 : i32 to index
        %get3A_366 = arith.constant 32 : index
        %get3A_367 = tpu.vector_load %arg17[%get3A_365, %get3A_366] {strides = array<i32>} : memref<128x64xf32, #tpu.memory_space<vmem>>, vector<1x16xf32>,
        %get3A_368 = vector.shape_cast %get3A_367 : vector<1x16xf32> to vector<16xf32>
        %mul3A_369 = arith.mulf %exp3A, %get3A_368 : vector<16xf32>
        %swap3A_370 = arith.index_cast %scan3A_229 : i32 to index
        %swap3A_371 = arith.constant 32 : index
        %swap3A_372 = tpu.vector_load %arg20[%swap3A_370, %swap3A_371] {strides = array<i32>} : memref<128x80xf32, #tpu.memory_space<vmem>>, vector<1x16xf32>,
        %swap3A_373 = vector.shape_cast %swap3A_372 : vector<1x16xf32> to vector<16xf32>
        %swap3A_374 = vector.shape_cast %mul3A_369 : vector<16xf32> to vector<1x16xf32>
        tpu.vector_store %arg20[%swap3A_370, %swap3A_371], %swap3A_374 {strides = array<i32>} : memref<128x80xf32, #tpu.memory_space<vmem>>, vector<1x16xf32>,
        %get3A_375 = arith.index_cast %scan3A_229 : i32 to index
        %get3A_376 = arith.constant 48 : index
        %get3A_377 = tpu.vector_load %arg17[%get3A_375, %get3A_376] {strides = array<i32>} : memref<128x64xf32, #tpu.memory_space<vmem>>, vector<1x16xf32>,
        %get3A_378 = vector.shape_cast %get3A_377 : vector<1x16xf32> to vector<16xf32>
        %mul3A_379 = arith.mulf %exp3A, %get3A_378 : vector<16xf32>
        %swap3A_380 = arith.index_cast %scan3A_229 : i32 to index
        %swap3A_381 = arith.constant 48 : index
        %swap3A_382 = tpu.vector_load %arg20[%swap3A_380, %swap3A_381] {strides = array<i32>} : memref<128x80xf32, #tpu.memory_space<vmem>>, vector<1x16xf32>,
        %swap3A_383 = vector.shape_cast %swap3A_382 : vector<1x16xf32> to vector<16xf32>
        %swap3A_384 = vector.shape_cast %mul3A_379 : vector<16xf32> to vector<1x16xf32>
        tpu.vector_store %arg20[%swap3A_380, %swap3A_381], %swap3A_384 {strides = array<i32>} : memref<128x80xf32, #tpu.memory_space<vmem>>, vector<1x16xf32>,
        %swap3A_385 = arith.index_cast %scan3A_229 : i32 to index
        %swap3A_386 = arith.constant 64 : index
        %swap3A_387 = tpu.vector_load %arg20[%swap3A_385, %swap3A_386] {strides = array<i32>} : memref<128x80xf32, #tpu.memory_space<vmem>>, vector<1x16xf32>,
        %swap3A_388 = vector.shape_cast %swap3A_387 : vector<1x16xf32> to vector<16xf32>
        %swap3A_389 = vector.shape_cast %exp3A : vector<16xf32> to vector<1x16xf32>
        tpu.vector_store %arg20[%swap3A_385, %swap3A_386], %swap3A_389 {strides = array<i32>} : memref<128x80xf32, #tpu.memory_space<vmem>>, vector<1x16xf32>,
        %scan3A_390 = arith.constant 1 : i32
        %scan3A_391 = arith.addi %scan3A_229, %scan3A_390 : i32
        %broadcast_in_dim3A_392 = arith.constant 0.000000e+00 : f32
        %broadcast_in_dim3A_393 = vector.broadcast %broadcast_in_dim3A_392 : f32 to vector<16xf32>
        %get3A_394 = arith.index_cast %scan3A_391 : i32 to index
        %get3A_395 = arith.constant 0 : index
        %get3A_396 = tpu.vector_load %arg17[%get3A_394, %get3A_395] {strides = array<i32>} : memref<128x64xf32, #tpu.memory_space<vmem>>, vector<1x16xf32>,
        %get3A_397 = vector.shape_cast %get3A_396 : vector<1x16xf32> to vector<16xf32>
        %get3A_398 = arith.index_cast %scan3A_391 : i32 to index
        %get3A_399 = arith.constant 0 : index
        %get3A_400 = tpu.vector_load %arg18[%get3A_398, %get3A_399] {strides = array<i32>} : memref<128x64xf32, #tpu.memory_space<vmem>>, vector<1x16xf32>,
        %get3A_401 = vector.shape_cast %get3A_400 : vector<1x16xf32> to vector<16xf32>
        %add3A_402 = arith.addf %get3A_397, %get3A_401 : vector<16xf32>
        %mul3A_403 = arith.constant 2.000000e-01 : f32
        %mul3A_404 = vector.broadcast %mul3A_403 : f32 to vector<16xf32>
        %mul3A_405 = arith.mulf %mul3A_404, %add3A_402 : vector<16xf32>
        %max3A_406 = arith.maximumf %add3A_402, %mul3A_405 : vector<16xf32>
        %mul3A_407 = arith.mulf %max3A_406, %get3A_209 : vector<16xf32>
        %add3A_408 = arith.addf %broadcast_in_dim3A_393, %mul3A_407 : vector<16xf32>
        %get3A_409 = arith.index_cast %scan3A_391 : i32 to index
        %get3A_410 = arith.constant 16 : index
        %get3A_411 = tpu.vector_load %arg17[%get3A_409, %get3A_410] {strides = array<i32>} : memref<128x64xf32, #tpu.memory_space<vmem>>, vector<1x16xf32>,
        %get3A_412 = vector.shape_cast %get3A_411 : vector<1x16xf32> to vector<16xf32>
        %get3A_413 = arith.index_cast %scan3A_391 : i32 to index
        %get3A_414 = arith.constant 16 : index
        %get3A_415 = tpu.vector_load %arg18[%get3A_413, %get3A_414] {strides = array<i32>} : memref<128x64xf32, #tpu.memory_space<vmem>>, vector<1x16xf32>,
        %get3A_416 = vector.shape_cast %get3A_415 : vector<1x16xf32> to vector<16xf32>
        %add3A_417 = arith.addf %get3A_412, %get3A_416 : vector<16xf32>
        %mul3A_418 = arith.constant 2.000000e-01 : f32
        %mul3A_419 = vector.broadcast %mul3A_418 : f32 to vector<16xf32>
        %mul3A_420 = arith.mulf %mul3A_419, %add3A_417 : vector<16xf32>
        %max3A_421 = arith.maximumf %add3A_417, %mul3A_420 : vector<16xf32>
        %mul3A_422 = arith.mulf %max3A_421, %get3A_212 : vector<16xf32>
        %add3A_423 = arith.addf %add3A_408, %mul3A_422 : vector<16xf32>
        %get3A_424 = arith.index_cast %scan3A_391 : i32 to index
        %get3A_425 = arith.constant 32 : index
        %get3A_426 = tpu.vector_load %arg17[%get3A_424, %get3A_425] {strides = array<i32>} : memref<128x64xf32, #tpu.memory_space<vmem>>, vector<1x16xf32>,
        %get3A_427 = vector.shape_cast %get3A_426 : vector<1x16xf32> to vector<16xf32>
        %get3A_428 = arith.index_cast %scan3A_391 : i32 to index
        %get3A_429 = arith.constant 32 : index
        %get3A_430 = tpu.vector_load %arg18[%get3A_428, %get3A_429] {strides = array<i32>} : memref<128x64xf32, #tpu.memory_space<vmem>>, vector<1x16xf32>,
        %get3A_431 = vector.shape_cast %get3A_430 : vector<1x16xf32> to vector<16xf32>
        %add3A_432 = arith.addf %get3A_427, %get3A_431 : vector<16xf32>
        %mul3A_433 = arith.constant 2.000000e-01 : f32
        %mul3A_434 = vector.broadcast %mul3A_433 : f32 to vector<16xf32>
        %mul3A_435 = arith.mulf %mul3A_434, %add3A_432 : vector<16xf32>
        %max3A_436 = arith.maximumf %add3A_432, %mul3A_435 : vector<16xf32>
        %mul3A_437 = arith.mulf %max3A_436, %get3A_215 : vector<16xf32>
        %add3A_438 = arith.addf %add3A_423, %mul3A_437 : vector<16xf32>
        %get3A_439 = arith.index_cast %scan3A_391 : i32 to index
        %get3A_440 = arith.constant 48 : index
        %get3A_441 = tpu.vector_load %arg17[%get3A_439, %get3A_440] {strides = array<i32>} : memref<128x64xf32, #tpu.memory_space<vmem>>, vector<1x16xf32>,
        %get3A_442 = vector.shape_cast %get3A_441 : vector<1x16xf32> to vector<16xf32>
        %get3A_443 = arith.index_cast %scan3A_391 : i32 to index
        %get3A_444 = arith.constant 48 : index
        %get3A_445 = tpu.vector_load %arg18[%get3A_443, %get3A_444] {strides = array<i32>} : memref<128x64xf32, #tpu.memory_space<vmem>>, vector<1x16xf32>,
        %get3A_446 = vector.shape_cast %get3A_445 : vector<1x16xf32> to vector<16xf32>
        %add3A_447 = arith.addf %get3A_442, %get3A_446 : vector<16xf32>
        %mul3A_448 = arith.constant 2.000000e-01 : f32
        %mul3A_449 = vector.broadcast %mul3A_448 : f32 to vector<16xf32>
        %mul3A_450 = arith.mulf %mul3A_449, %add3A_447 : vector<16xf32>
        %max3A_451 = arith.maximumf %add3A_447, %mul3A_450 : vector<16xf32>
        %mul3A_452 = arith.mulf %max3A_451, %get3A_218 : vector<16xf32>
        %add3A_453 = arith.addf %add3A_438, %mul3A_452 : vector<16xf32>
        %iota3A_454 = tpu.iota {dimensions = array<i32: 0>} : vector<16xi32>
        %xor3A_455 = arith.constant 8 : i32
        %xor3A_456 = vector.broadcast %xor3A_455 : i32 to vector<16xi32>
        %xor3A_457 = arith.xori %iota3A_454, %xor3A_456 : vector<16xi32>
        %lt3A_458 = arith.constant 0 : i32
        %lt3A_459 = vector.broadcast %lt3A_458 : i32 to vector<16xi32>
        %lt3A_460 = arith.cmpi slt, %xor3A_457, %lt3A_459 : vector<16xi32>
        %add3A_461 = arith.constant 16 : i32
        %add3A_462 = vector.broadcast %add3A_461 : i32 to vector<16xi32>
        %add3A_463 = arith.addi %xor3A_457, %add3A_462 : vector<16xi32>
        %select_n3A_464 = arith.select %lt3A_460, %add3A_463, %xor3A_457 : vector<16xi1>, vector<16xi32>
        %broadcast_in_dim3A_465 = vector.shape_cast %select_n3A_464 : vector<16xi32> to vector<16x1xi32>
        %gather3A_466 = vector.shape_cast %broadcast_in_dim3A_465 : vector<16x1xi32> to vector<16xi32>
        %gather3A_467 = tpu.dynamic_gather %add3A_453[%gather3A_466] in [0] : vector<16xf32>, vector<16xi32> -> vector<16xf32>
        %add3A_468 = arith.addf %add3A_453, %gather3A_467 : vector<16xf32>
        %xor3A_469 = arith.constant 4 : i32
        %xor3A_470 = vector.broadcast %xor3A_469 : i32 to vector<16xi32>
        %xor3A_471 = arith.xori %iota3A_454, %xor3A_470 : vector<16xi32>
        %lt3A_472 = arith.constant 0 : i32
        %lt3A_473 = vector.broadcast %lt3A_472 : i32 to vector<16xi32>
        %lt3A_474 = arith.cmpi slt, %xor3A_471, %lt3A_473 : vector<16xi32>
        %add3A_475 = arith.constant 16 : i32
        %add3A_476 = vector.broadcast %add3A_475 : i32 to vector<16xi32>
        %add3A_477 = arith.addi %xor3A_471, %add3A_476 : vector<16xi32>
        %select_n3A_478 = arith.select %lt3A_474, %add3A_477, %xor3A_471 : vector<16xi1>, vector<16xi32>
        %broadcast_in_dim3A_479 = vector.shape_cast %select_n3A_478 : vector<16xi32> to vector<16x1xi32>
        %gather3A_480 = vector.shape_cast %broadcast_in_dim3A_479 : vector<16x1xi32> to vector<16xi32>
        %gather3A_481 = tpu.dynamic_gather %add3A_468[%gather3A_480] in [0] : vector<16xf32>, vector<16xi32> -> vector<16xf32>
        %add3A_482 = arith.addf %add3A_468, %gather3A_481 : vector<16xf32>
        %xor3A_483 = arith.constant 2 : i32
        %xor3A_484 = vector.broadcast %xor3A_483 : i32 to vector<16xi32>
        %xor3A_485 = arith.xori %iota3A_454, %xor3A_484 : vector<16xi32>
        %lt3A_486 = arith.constant 0 : i32
        %lt3A_487 = vector.broadcast %lt3A_486 : i32 to vector<16xi32>
        %lt3A_488 = arith.cmpi slt, %xor3A_485, %lt3A_487 : vector<16xi32>
        %add3A_489 = arith.constant 16 : i32
        %add3A_490 = vector.broadcast %add3A_489 : i32 to vector<16xi32>
        %add3A_491 = arith.addi %xor3A_485, %add3A_490 : vector<16xi32>
        %select_n3A_492 = arith.select %lt3A_488, %add3A_491, %xor3A_485 : vector<16xi1>, vector<16xi32>
        %broadcast_in_dim3A_493 = vector.shape_cast %select_n3A_492 : vector<16xi32> to vector<16x1xi32>
        %gather3A_494 = vector.shape_cast %broadcast_in_dim3A_493 : vector<16x1xi32> to vector<16xi32>
        %gather3A_495 = tpu.dynamic_gather %add3A_482[%gather3A_494] in [0] : vector<16xf32>, vector<16xi32> -> vector<16xf32>
        %add3A_496 = arith.addf %add3A_482, %gather3A_495 : vector<16xf32>
        %xor3A_497 = arith.constant 1 : i32
        %xor3A_498 = vector.broadcast %xor3A_497 : i32 to vector<16xi32>
        %xor3A_499 = arith.xori %iota3A_454, %xor3A_498 : vector<16xi32>
        %lt3A_500 = arith.constant 0 : i32
        %lt3A_501 = vector.broadcast %lt3A_500 : i32 to vector<16xi32>
        %lt3A_502 = arith.cmpi slt, %xor3A_499, %lt3A_501 : vector<16xi32>
        %add3A_503 = arith.constant 16 : i32
        %add3A_504 = vector.broadcast %add3A_503 : i32 to vector<16xi32>
        %add3A_505 = arith.addi %xor3A_499, %add3A_504 : vector<16xi32>
        %select_n3A_506 = arith.select %lt3A_502, %add3A_505, %xor3A_499 : vector<16xi1>, vector<16xi32>
        %broadcast_in_dim3A_507 = vector.shape_cast %select_n3A_506 : vector<16xi32> to vector<16x1xi32>
        %gather3A_508 = vector.shape_cast %broadcast_in_dim3A_507 : vector<16x1xi32> to vector<16xi32>
        %gather3A_509 = tpu.dynamic_gather %add3A_496[%gather3A_508] in [0] : vector<16xf32>, vector<16xi32> -> vector<16xf32>
        %add3A_510 = arith.addf %add3A_496, %gather3A_509 : vector<16xf32>
        %min3A_511 = arith.constant 6.000000e+01 : f32
        %min3A_512 = vector.broadcast %min3A_511 : f32 to vector<16xf32>
        %min3A_513 = arith.minimumf %add3A_510, %min3A_512 : vector<16xf32>
        %exp3A_514 = math.exp %min3A_513 : vector<16xf32>
        %get3A_515 = arith.index_cast %scan3A_391 : i32 to index
        %get3A_516 = arith.constant 0 : index
        %get3A_517 = tpu.vector_load %arg17[%get3A_515, %get3A_516] {strides = array<i32>} : memref<128x64xf32, #tpu.memory_space<vmem>>, vector<1x16xf32>,
        %get3A_518 = vector.shape_cast %get3A_517 : vector<1x16xf32> to vector<16xf32>
        %mul3A_519 = arith.mulf %exp3A_514, %get3A_518 : vector<16xf32>
        %swap3A_520 = arith.index_cast %scan3A_391 : i32 to index
        %swap3A_521 = arith.constant 0 : index
        %swap3A_522 = tpu.vector_load %arg20[%swap3A_520, %swap3A_521] {strides = array<i32>} : memref<128x80xf32, #tpu.memory_space<vmem>>, vector<1x16xf32>,
        %swap3A_523 = vector.shape_cast %swap3A_522 : vector<1x16xf32> to vector<16xf32>
        %swap3A_524 = vector.shape_cast %mul3A_519 : vector<16xf32> to vector<1x16xf32>
        tpu.vector_store %arg20[%swap3A_520, %swap3A_521], %swap3A_524 {strides = array<i32>} : memref<128x80xf32, #tpu.memory_space<vmem>>, vector<1x16xf32>,
        %get3A_525 = arith.index_cast %scan3A_391 : i32 to index
        %get3A_526 = arith.constant 16 : index
        %get3A_527 = tpu.vector_load %arg17[%get3A_525, %get3A_526] {strides = array<i32>} : memref<128x64xf32, #tpu.memory_space<vmem>>, vector<1x16xf32>,
        %get3A_528 = vector.shape_cast %get3A_527 : vector<1x16xf32> to vector<16xf32>
        %mul3A_529 = arith.mulf %exp3A_514, %get3A_528 : vector<16xf32>
        %swap3A_530 = arith.index_cast %scan3A_391 : i32 to index
        %swap3A_531 = arith.constant 16 : index
        %swap3A_532 = tpu.vector_load %arg20[%swap3A_530, %swap3A_531] {strides = array<i32>} : memref<128x80xf32, #tpu.memory_space<vmem>>, vector<1x16xf32>,
        %swap3A_533 = vector.shape_cast %swap3A_532 : vector<1x16xf32> to vector<16xf32>
        %swap3A_534 = vector.shape_cast %mul3A_529 : vector<16xf32> to vector<1x16xf32>
        tpu.vector_store %arg20[%swap3A_530, %swap3A_531], %swap3A_534 {strides = array<i32>} : memref<128x80xf32, #tpu.memory_space<vmem>>, vector<1x16xf32>,
        %get3A_535 = arith.index_cast %scan3A_391 : i32 to index
        %get3A_536 = arith.constant 32 : index
        %get3A_537 = tpu.vector_load %arg17[%get3A_535, %get3A_536] {strides = array<i32>} : memref<128x64xf32, #tpu.memory_space<vmem>>, vector<1x16xf32>,
        %get3A_538 = vector.shape_cast %get3A_537 : vector<1x16xf32> to vector<16xf32>
        %mul3A_539 = arith.mulf %exp3A_514, %get3A_538 : vector<16xf32>
        %swap3A_540 = arith.index_cast %scan3A_391 : i32 to index
        %swap3A_541 = arith.constant 32 : index
        %swap3A_542 = tpu.vector_load %arg20[%swap3A_540, %swap3A_541] {strides = array<i32>} : memref<128x80xf32, #tpu.memory_space<vmem>>, vector<1x16xf32>,
        %swap3A_543 = vector.shape_cast %swap3A_542 : vector<1x16xf32> to vector<16xf32>
        %swap3A_544 = vector.shape_cast %mul3A_539 : vector<16xf32> to vector<1x16xf32>
        tpu.vector_store %arg20[%swap3A_540, %swap3A_541], %swap3A_544 {strides = array<i32>} : memref<128x80xf32, #tpu.memory_space<vmem>>, vector<1x16xf32>,
        %get3A_545 = arith.index_cast %scan3A_391 : i32 to index
        %get3A_546 = arith.constant 48 : index
        %get3A_547 = tpu.vector_load %arg17[%get3A_545, %get3A_546] {strides = array<i32>} : memref<128x64xf32, #tpu.memory_space<vmem>>, vector<1x16xf32>,
        %get3A_548 = vector.shape_cast %get3A_547 : vector<1x16xf32> to vector<16xf32>
        %mul3A_549 = arith.mulf %exp3A_514, %get3A_548 : vector<16xf32>
        %swap3A_550 = arith.index_cast %scan3A_391 : i32 to index
        %swap3A_551 = arith.constant 48 : index
        %swap3A_552 = tpu.vector_load %arg20[%swap3A_550, %swap3A_551] {strides = array<i32>} : memref<128x80xf32, #tpu.memory_space<vmem>>, vector<1x16xf32>,
        %swap3A_553 = vector.shape_cast %swap3A_552 : vector<1x16xf32> to vector<16xf32>
        %swap3A_554 = vector.shape_cast %mul3A_549 : vector<16xf32> to vector<1x16xf32>
        tpu.vector_store %arg20[%swap3A_550, %swap3A_551], %swap3A_554 {strides = array<i32>} : memref<128x80xf32, #tpu.memory_space<vmem>>, vector<1x16xf32>,
        %swap3A_555 = arith.index_cast %scan3A_391 : i32 to index
        %swap3A_556 = arith.constant 64 : index
        %swap3A_557 = tpu.vector_load %arg20[%swap3A_555, %swap3A_556] {strides = array<i32>} : memref<128x80xf32, #tpu.memory_space<vmem>>, vector<1x16xf32>,
        %swap3A_558 = vector.shape_cast %swap3A_557 : vector<1x16xf32> to vector<16xf32>
        %swap3A_559 = vector.shape_cast %exp3A_514 : vector<16xf32> to vector<1x16xf32>
        tpu.vector_store %arg20[%swap3A_555, %swap3A_556], %swap3A_559 {strides = array<i32>} : memref<128x80xf32, #tpu.memory_space<vmem>>, vector<1x16xf32>,
        %scan3A_560 = arith.constant 2 : i32
        %scan3A_561 = arith.addi %scan3A_229, %scan3A_560 : i32
        %broadcast_in_dim3A_562 = arith.constant 0.000000e+00 : f32
        %broadcast_in_dim3A_563 = vector.broadcast %broadcast_in_dim3A_562 : f32 to vector<16xf32>
        %get3A_564 = arith.index_cast %scan3A_561 : i32 to index
        %get3A_565 = arith.constant 0 : index
        %get3A_566 = tpu.vector_load %arg17[%get3A_564, %get3A_565] {strides = array<i32>} : memref<128x64xf32, #tpu.memory_space<vmem>>, vector<1x16xf32>,
        %get3A_567 = vector.shape_cast %get3A_566 : vector<1x16xf32> to vector<16xf32>
        %get3A_568 = arith.index_cast %scan3A_561 : i32 to index
        %get3A_569 = arith.constant 0 : index
        %get3A_570 = tpu.vector_load %arg18[%get3A_568, %get3A_569] {strides = array<i32>} : memref<128x64xf32, #tpu.memory_space<vmem>>, vector<1x16xf32>,
        %get3A_571 = vector.shape_cast %get3A_570 : vector<1x16xf32> to vector<16xf32>
        %add3A_572 = arith.addf %get3A_567, %get3A_571 : vector<16xf32>
        %mul3A_573 = arith.constant 2.000000e-01 : f32
        %mul3A_574 = vector.broadcast %mul3A_573 : f32 to vector<16xf32>
        %mul3A_575 = arith.mulf %mul3A_574, %add3A_572 : vector<16xf32>
        %max3A_576 = arith.maximumf %add3A_572, %mul3A_575 : vector<16xf32>
        %mul3A_577 = arith.mulf %max3A_576, %get3A_209 : vector<16xf32>
        %add3A_578 = arith.addf %broadcast_in_dim3A_563, %mul3A_577 : vector<16xf32>
        %get3A_579 = arith.index_cast %scan3A_561 : i32 to index
        %get3A_580 = arith.constant 16 : index
        %get3A_581 = tpu.vector_load %arg17[%get3A_579, %get3A_580] {strides = array<i32>} : memref<128x64xf32, #tpu.memory_space<vmem>>, vector<1x16xf32>,
        %get3A_582 = vector.shape_cast %get3A_581 : vector<1x16xf32> to vector<16xf32>
        %get3A_583 = arith.index_cast %scan3A_561 : i32 to index
        %get3A_584 = arith.constant 16 : index
        %get3A_585 = tpu.vector_load %arg18[%get3A_583, %get3A_584] {strides = array<i32>} : memref<128x64xf32, #tpu.memory_space<vmem>>, vector<1x16xf32>,
        %get3A_586 = vector.shape_cast %get3A_585 : vector<1x16xf32> to vector<16xf32>
        %add3A_587 = arith.addf %get3A_582, %get3A_586 : vector<16xf32>
        %mul3A_588 = arith.constant 2.000000e-01 : f32
        %mul3A_589 = vector.broadcast %mul3A_588 : f32 to vector<16xf32>
        %mul3A_590 = arith.mulf %mul3A_589, %add3A_587 : vector<16xf32>
        %max3A_591 = arith.maximumf %add3A_587, %mul3A_590 : vector<16xf32>
        %mul3A_592 = arith.mulf %max3A_591, %get3A_212 : vector<16xf32>
        %add3A_593 = arith.addf %add3A_578, %mul3A_592 : vector<16xf32>
        %get3A_594 = arith.index_cast %scan3A_561 : i32 to index
        %get3A_595 = arith.constant 32 : index
        %get3A_596 = tpu.vector_load %arg17[%get3A_594, %get3A_595] {strides = array<i32>} : memref<128x64xf32, #tpu.memory_space<vmem>>, vector<1x16xf32>,
        %get3A_597 = vector.shape_cast %get3A_596 : vector<1x16xf32> to vector<16xf32>
        %get3A_598 = arith.index_cast %scan3A_561 : i32 to index
        %get3A_599 = arith.constant 32 : index
        %get3A_600 = tpu.vector_load %arg18[%get3A_598, %get3A_599] {strides = array<i32>} : memref<128x64xf32, #tpu.memory_space<vmem>>, vector<1x16xf32>,
        %get3A_601 = vector.shape_cast %get3A_600 : vector<1x16xf32> to vector<16xf32>
        %add3A_602 = arith.addf %get3A_597, %get3A_601 : vector<16xf32>
        %mul3A_603 = arith.constant 2.000000e-01 : f32
        %mul3A_604 = vector.broadcast %mul3A_603 : f32 to vector<16xf32>
        %mul3A_605 = arith.mulf %mul3A_604, %add3A_602 : vector<16xf32>
        %max3A_606 = arith.maximumf %add3A_602, %mul3A_605 : vector<16xf32>
        %mul3A_607 = arith.mulf %max3A_606, %get3A_215 : vector<16xf32>
        %add3A_608 = arith.addf %add3A_593, %mul3A_607 : vector<16xf32>
        %get3A_609 = arith.index_cast %scan3A_561 : i32 to index
        %get3A_610 = arith.constant 48 : index
        %get3A_611 = tpu.vector_load %arg17[%get3A_609, %get3A_610] {strides = array<i32>} : memref<128x64xf32, #tpu.memory_space<vmem>>, vector<1x16xf32>,
        %get3A_612 = vector.shape_cast %get3A_611 : vector<1x16xf32> to vector<16xf32>
        %get3A_613 = arith.index_cast %scan3A_561 : i32 to index
        %get3A_614 = arith.constant 48 : index
        %get3A_615 = tpu.vector_load %arg18[%get3A_613, %get3A_614] {strides = array<i32>} : memref<128x64xf32, #tpu.memory_space<vmem>>, vector<1x16xf32>,
        %get3A_616 = vector.shape_cast %get3A_615 : vector<1x16xf32> to vector<16xf32>
        %add3A_617 = arith.addf %get3A_612, %get3A_616 : vector<16xf32>
        %mul3A_618 = arith.constant 2.000000e-01 : f32
        %mul3A_619 = vector.broadcast %mul3A_618 : f32 to vector<16xf32>
        %mul3A_620 = arith.mulf %mul3A_619, %add3A_617 : vector<16xf32>
        %max3A_621 = arith.maximumf %add3A_617, %mul3A_620 : vector<16xf32>
        %mul3A_622 = arith.mulf %max3A_621, %get3A_218 : vector<16xf32>
        %add3A_623 = arith.addf %add3A_608, %mul3A_622 : vector<16xf32>
        %iota3A_624 = tpu.iota {dimensions = array<i32: 0>} : vector<16xi32>
        %xor3A_625 = arith.constant 8 : i32
        %xor3A_626 = vector.broadcast %xor3A_625 : i32 to vector<16xi32>
        %xor3A_627 = arith.xori %iota3A_624, %xor3A_626 : vector<16xi32>
        %lt3A_628 = arith.constant 0 : i32
        %lt3A_629 = vector.broadcast %lt3A_628 : i32 to vector<16xi32>
        %lt3A_630 = arith.cmpi slt, %xor3A_627, %lt3A_629 : vector<16xi32>
        %add3A_631 = arith.constant 16 : i32
        %add3A_632 = vector.broadcast %add3A_631 : i32 to vector<16xi32>
        %add3A_633 = arith.addi %xor3A_627, %add3A_632 : vector<16xi32>
        %select_n3A_634 = arith.select %lt3A_630, %add3A_633, %xor3A_627 : vector<16xi1>, vector<16xi32>
        %broadcast_in_dim3A_635 = vector.shape_cast %select_n3A_634 : vector<16xi32> to vector<16x1xi32>
        %gather3A_636 = vector.shape_cast %broadcast_in_dim3A_635 : vector<16x1xi32> to vector<16xi32>
        %gather3A_637 = tpu.dynamic_gather %add3A_623[%gather3A_636] in [0] : vector<16xf32>, vector<16xi32> -> vector<16xf32>
        %add3A_638 = arith.addf %add3A_623, %gather3A_637 : vector<16xf32>
        %xor3A_639 = arith.constant 4 : i32
        %xor3A_640 = vector.broadcast %xor3A_639 : i32 to vector<16xi32>
        %xor3A_641 = arith.xori %iota3A_624, %xor3A_640 : vector<16xi32>
        %lt3A_642 = arith.constant 0 : i32
        %lt3A_643 = vector.broadcast %lt3A_642 : i32 to vector<16xi32>
        %lt3A_644 = arith.cmpi slt, %xor3A_641, %lt3A_643 : vector<16xi32>
        %add3A_645 = arith.constant 16 : i32
        %add3A_646 = vector.broadcast %add3A_645 : i32 to vector<16xi32>
        %add3A_647 = arith.addi %xor3A_641, %add3A_646 : vector<16xi32>
        %select_n3A_648 = arith.select %lt3A_644, %add3A_647, %xor3A_641 : vector<16xi1>, vector<16xi32>
        %broadcast_in_dim3A_649 = vector.shape_cast %select_n3A_648 : vector<16xi32> to vector<16x1xi32>
        %gather3A_650 = vector.shape_cast %broadcast_in_dim3A_649 : vector<16x1xi32> to vector<16xi32>
        %gather3A_651 = tpu.dynamic_gather %add3A_638[%gather3A_650] in [0] : vector<16xf32>, vector<16xi32> -> vector<16xf32>
        %add3A_652 = arith.addf %add3A_638, %gather3A_651 : vector<16xf32>
        %xor3A_653 = arith.constant 2 : i32
        %xor3A_654 = vector.broadcast %xor3A_653 : i32 to vector<16xi32>
        %xor3A_655 = arith.xori %iota3A_624, %xor3A_654 : vector<16xi32>
        %lt3A_656 = arith.constant 0 : i32
        %lt3A_657 = vector.broadcast %lt3A_656 : i32 to vector<16xi32>
        %lt3A_658 = arith.cmpi slt, %xor3A_655, %lt3A_657 : vector<16xi32>
        %add3A_659 = arith.constant 16 : i32
        %add3A_660 = vector.broadcast %add3A_659 : i32 to vector<16xi32>
        %add3A_661 = arith.addi %xor3A_655, %add3A_660 : vector<16xi32>
        %select_n3A_662 = arith.select %lt3A_658, %add3A_661, %xor3A_655 : vector<16xi1>, vector<16xi32>
        %broadcast_in_dim3A_663 = vector.shape_cast %select_n3A_662 : vector<16xi32> to vector<16x1xi32>
        %gather3A_664 = vector.shape_cast %broadcast_in_dim3A_663 : vector<16x1xi32> to vector<16xi32>
        %gather3A_665 = tpu.dynamic_gather %add3A_652[%gather3A_664] in [0] : vector<16xf32>, vector<16xi32> -> vector<16xf32>
        %add3A_666 = arith.addf %add3A_652, %gather3A_665 : vector<16xf32>
        %xor3A_667 = arith.constant 1 : i32
        %xor3A_668 = vector.broadcast %xor3A_667 : i32 to vector<16xi32>
        %xor3A_669 = arith.xori %iota3A_624, %xor3A_668 : vector<16xi32>
        %lt3A_670 = arith.constant 0 : i32
        %lt3A_671 = vector.broadcast %lt3A_670 : i32 to vector<16xi32>
        %lt3A_672 = arith.cmpi slt, %xor3A_669, %lt3A_671 : vector<16xi32>
        %add3A_673 = arith.constant 16 : i32
        %add3A_674 = vector.broadcast %add3A_673 : i32 to vector<16xi32>
        %add3A_675 = arith.addi %xor3A_669, %add3A_674 : vector<16xi32>
        %select_n3A_676 = arith.select %lt3A_672, %add3A_675, %xor3A_669 : vector<16xi1>, vector<16xi32>
        %broadcast_in_dim3A_677 = vector.shape_cast %select_n3A_676 : vector<16xi32> to vector<16x1xi32>
        %gather3A_678 = vector.shape_cast %broadcast_in_dim3A_677 : vector<16x1xi32> to vector<16xi32>
        %gather3A_679 = tpu.dynamic_gather %add3A_666[%gather3A_678] in [0] : vector<16xf32>, vector<16xi32> -> vector<16xf32>
        %add3A_680 = arith.addf %add3A_666, %gather3A_679 : vector<16xf32>
        %min3A_681 = arith.constant 6.000000e+01 : f32
        %min3A_682 = vector.broadcast %min3A_681 : f32 to vector<16xf32>
        %min3A_683 = arith.minimumf %add3A_680, %min3A_682 : vector<16xf32>
        %exp3A_684 = math.exp %min3A_683 : vector<16xf32>
        %get3A_685 = arith.index_cast %scan3A_561 : i32 to index
        %get3A_686 = arith.constant 0 : index
        %get3A_687 = tpu.vector_load %arg17[%get3A_685, %get3A_686] {strides = array<i32>} : memref<128x64xf32, #tpu.memory_space<vmem>>, vector<1x16xf32>,
        %get3A_688 = vector.shape_cast %get3A_687 : vector<1x16xf32> to vector<16xf32>
        %mul3A_689 = arith.mulf %exp3A_684, %get3A_688 : vector<16xf32>
        %swap3A_690 = arith.index_cast %scan3A_561 : i32 to index
        %swap3A_691 = arith.constant 0 : index
        %swap3A_692 = tpu.vector_load %arg20[%swap3A_690, %swap3A_691] {strides = array<i32>} : memref<128x80xf32, #tpu.memory_space<vmem>>, vector<1x16xf32>,
        %swap3A_693 = vector.shape_cast %swap3A_692 : vector<1x16xf32> to vector<16xf32>
        %swap3A_694 = vector.shape_cast %mul3A_689 : vector<16xf32> to vector<1x16xf32>
        tpu.vector_store %arg20[%swap3A_690, %swap3A_691], %swap3A_694 {strides = array<i32>} : memref<128x80xf32, #tpu.memory_space<vmem>>, vector<1x16xf32>,
        %get3A_695 = arith.index_cast %scan3A_561 : i32 to index
        %get3A_696 = arith.constant 16 : index
        %get3A_697 = tpu.vector_load %arg17[%get3A_695, %get3A_696] {strides = array<i32>} : memref<128x64xf32, #tpu.memory_space<vmem>>, vector<1x16xf32>,
        %get3A_698 = vector.shape_cast %get3A_697 : vector<1x16xf32> to vector<16xf32>
        %mul3A_699 = arith.mulf %exp3A_684, %get3A_698 : vector<16xf32>
        %swap3A_700 = arith.index_cast %scan3A_561 : i32 to index
        %swap3A_701 = arith.constant 16 : index
        %swap3A_702 = tpu.vector_load %arg20[%swap3A_700, %swap3A_701] {strides = array<i32>} : memref<128x80xf32, #tpu.memory_space<vmem>>, vector<1x16xf32>,
        %swap3A_703 = vector.shape_cast %swap3A_702 : vector<1x16xf32> to vector<16xf32>
        %swap3A_704 = vector.shape_cast %mul3A_699 : vector<16xf32> to vector<1x16xf32>
        tpu.vector_store %arg20[%swap3A_700, %swap3A_701], %swap3A_704 {strides = array<i32>} : memref<128x80xf32, #tpu.memory_space<vmem>>, vector<1x16xf32>,
        %get3A_705 = arith.index_cast %scan3A_561 : i32 to index
        %get3A_706 = arith.constant 32 : index
        %get3A_707 = tpu.vector_load %arg17[%get3A_705, %get3A_706] {strides = array<i32>} : memref<128x64xf32, #tpu.memory_space<vmem>>, vector<1x16xf32>,
        %get3A_708 = vector.shape_cast %get3A_707 : vector<1x16xf32> to vector<16xf32>
        %mul3A_709 = arith.mulf %exp3A_684, %get3A_708 : vector<16xf32>
        %swap3A_710 = arith.index_cast %scan3A_561 : i32 to index
        %swap3A_711 = arith.constant 32 : index
        %swap3A_712 = tpu.vector_load %arg20[%swap3A_710, %swap3A_711] {strides = array<i32>} : memref<128x80xf32, #tpu.memory_space<vmem>>, vector<1x16xf32>,
        %swap3A_713 = vector.shape_cast %swap3A_712 : vector<1x16xf32> to vector<16xf32>
        %swap3A_714 = vector.shape_cast %mul3A_709 : vector<16xf32> to vector<1x16xf32>
        tpu.vector_store %arg20[%swap3A_710, %swap3A_711], %swap3A_714 {strides = array<i32>} : memref<128x80xf32, #tpu.memory_space<vmem>>, vector<1x16xf32>,
        %get3A_715 = arith.index_cast %scan3A_561 : i32 to index
        %get3A_716 = arith.constant 48 : index
        %get3A_717 = tpu.vector_load %arg17[%get3A_715, %get3A_716] {strides = array<i32>} : memref<128x64xf32, #tpu.memory_space<vmem>>, vector<1x16xf32>,
        %get3A_718 = vector.shape_cast %get3A_717 : vector<1x16xf32> to vector<16xf32>
        %mul3A_719 = arith.mulf %exp3A_684, %get3A_718 : vector<16xf32>
        %swap3A_720 = arith.index_cast %scan3A_561 : i32 to index
        %swap3A_721 = arith.constant 48 : index
        %swap3A_722 = tpu.vector_load %arg20[%swap3A_720, %swap3A_721] {strides = array<i32>} : memref<128x80xf32, #tpu.memory_space<vmem>>, vector<1x16xf32>,
        %swap3A_723 = vector.shape_cast %swap3A_722 : vector<1x16xf32> to vector<16xf32>
        %swap3A_724 = vector.shape_cast %mul3A_719 : vector<16xf32> to vector<1x16xf32>
        tpu.vector_store %arg20[%swap3A_720, %swap3A_721], %swap3A_724 {strides = array<i32>} : memref<128x80xf32, #tpu.memory_space<vmem>>, vector<1x16xf32>,
        %swap3A_725 = arith.index_cast %scan3A_561 : i32 to index
        %swap3A_726 = arith.constant 64 : index
        %swap3A_727 = tpu.vector_load %arg20[%swap3A_725, %swap3A_726] {strides = array<i32>} : memref<128x80xf32, #tpu.memory_space<vmem>>, vector<1x16xf32>,
        %swap3A_728 = vector.shape_cast %swap3A_727 : vector<1x16xf32> to vector<16xf32>
        %swap3A_729 = vector.shape_cast %exp3A_684 : vector<16xf32> to vector<1x16xf32>
        tpu.vector_store %arg20[%swap3A_725, %swap3A_726], %swap3A_729 {strides = array<i32>} : memref<128x80xf32, #tpu.memory_space<vmem>>, vector<1x16xf32>,
        %scan3A_730 = arith.constant 3 : i32
        %scan3A_731 = arith.addi %scan3A_229, %scan3A_730 : i32
        %broadcast_in_dim3A_732 = arith.constant 0.000000e+00 : f32
        %broadcast_in_dim3A_733 = vector.broadcast %broadcast_in_dim3A_732 : f32 to vector<16xf32>
        %get3A_734 = arith.index_cast %scan3A_731 : i32 to index
        %get3A_735 = arith.constant 0 : index
        %get3A_736 = tpu.vector_load %arg17[%get3A_734, %get3A_735] {strides = array<i32>} : memref<128x64xf32, #tpu.memory_space<vmem>>, vector<1x16xf32>,
        %get3A_737 = vector.shape_cast %get3A_736 : vector<1x16xf32> to vector<16xf32>
        %get3A_738 = arith.index_cast %scan3A_731 : i32 to index
        %get3A_739 = arith.constant 0 : index
        %get3A_740 = tpu.vector_load %arg18[%get3A_738, %get3A_739] {strides = array<i32>} : memref<128x64xf32, #tpu.memory_space<vmem>>, vector<1x16xf32>,
        %get3A_741 = vector.shape_cast %get3A_740 : vector<1x16xf32> to vector<16xf32>
        %add3A_742 = arith.addf %get3A_737, %get3A_741 : vector<16xf32>
        %mul3A_743 = arith.constant 2.000000e-01 : f32
        %mul3A_744 = vector.broadcast %mul3A_743 : f32 to vector<16xf32>
        %mul3A_745 = arith.mulf %mul3A_744, %add3A_742 : vector<16xf32>
        %max3A_746 = arith.maximumf %add3A_742, %mul3A_745 : vector<16xf32>
        %mul3A_747 = arith.mulf %max3A_746, %get3A_209 : vector<16xf32>
        %add3A_748 = arith.addf %broadcast_in_dim3A_733, %mul3A_747 : vector<16xf32>
        %get3A_749 = arith.index_cast %scan3A_731 : i32 to index
        %get3A_750 = arith.constant 16 : index
        %get3A_751 = tpu.vector_load %arg17[%get3A_749, %get3A_750] {strides = array<i32>} : memref<128x64xf32, #tpu.memory_space<vmem>>, vector<1x16xf32>,
        %get3A_752 = vector.shape_cast %get3A_751 : vector<1x16xf32> to vector<16xf32>
        %get3A_753 = arith.index_cast %scan3A_731 : i32 to index
        %get3A_754 = arith.constant 16 : index
        %get3A_755 = tpu.vector_load %arg18[%get3A_753, %get3A_754] {strides = array<i32>} : memref<128x64xf32, #tpu.memory_space<vmem>>, vector<1x16xf32>,
        %get3A_756 = vector.shape_cast %get3A_755 : vector<1x16xf32> to vector<16xf32>
        %add3A_757 = arith.addf %get3A_752, %get3A_756 : vector<16xf32>
        %mul3A_758 = arith.constant 2.000000e-01 : f32
        %mul3A_759 = vector.broadcast %mul3A_758 : f32 to vector<16xf32>
        %mul3A_760 = arith.mulf %mul3A_759, %add3A_757 : vector<16xf32>
        %max3A_761 = arith.maximumf %add3A_757, %mul3A_760 : vector<16xf32>
        %mul3A_762 = arith.mulf %max3A_761, %get3A_212 : vector<16xf32>
        %add3A_763 = arith.addf %add3A_748, %mul3A_762 : vector<16xf32>
        %get3A_764 = arith.index_cast %scan3A_731 : i32 to index
        %get3A_765 = arith.constant 32 : index
        %get3A_766 = tpu.vector_load %arg17[%get3A_764, %get3A_765] {strides = array<i32>} : memref<128x64xf32, #tpu.memory_space<vmem>>, vector<1x16xf32>,
        %get3A_767 = vector.shape_cast %get3A_766 : vector<1x16xf32> to vector<16xf32>
        %get3A_768 = arith.index_cast %scan3A_731 : i32 to index
        %get3A_769 = arith.constant 32 : index
        %get3A_770 = tpu.vector_load %arg18[%get3A_768, %get3A_769] {strides = array<i32>} : memref<128x64xf32, #tpu.memory_space<vmem>>, vector<1x16xf32>,
        %get3A_771 = vector.shape_cast %get3A_770 : vector<1x16xf32> to vector<16xf32>
        %add3A_772 = arith.addf %get3A_767, %get3A_771 : vector<16xf32>
        %mul3A_773 = arith.constant 2.000000e-01 : f32
        %mul3A_774 = vector.broadcast %mul3A_773 : f32 to vector<16xf32>
        %mul3A_775 = arith.mulf %mul3A_774, %add3A_772 : vector<16xf32>
        %max3A_776 = arith.maximumf %add3A_772, %mul3A_775 : vector<16xf32>
        %mul3A_777 = arith.mulf %max3A_776, %get3A_215 : vector<16xf32>
        %add3A_778 = arith.addf %add3A_763, %mul3A_777 : vector<16xf32>
        %get3A_779 = arith.index_cast %scan3A_731 : i32 to index
        %get3A_780 = arith.constant 48 : index
        %get3A_781 = tpu.vector_load %arg17[%get3A_779, %get3A_780] {strides = array<i32>} : memref<128x64xf32, #tpu.memory_space<vmem>>, vector<1x16xf32>,
        %get3A_782 = vector.shape_cast %get3A_781 : vector<1x16xf32> to vector<16xf32>
        %get3A_783 = arith.index_cast %scan3A_731 : i32 to index
        %get3A_784 = arith.constant 48 : index
        %get3A_785 = tpu.vector_load %arg18[%get3A_783, %get3A_784] {strides = array<i32>} : memref<128x64xf32, #tpu.memory_space<vmem>>, vector<1x16xf32>,
        %get3A_786 = vector.shape_cast %get3A_785 : vector<1x16xf32> to vector<16xf32>
        %add3A_787 = arith.addf %get3A_782, %get3A_786 : vector<16xf32>
        %mul3A_788 = arith.constant 2.000000e-01 : f32
        %mul3A_789 = vector.broadcast %mul3A_788 : f32 to vector<16xf32>
        %mul3A_790 = arith.mulf %mul3A_789, %add3A_787 : vector<16xf32>
        %max3A_791 = arith.maximumf %add3A_787, %mul3A_790 : vector<16xf32>
        %mul3A_792 = arith.mulf %max3A_791, %get3A_218 : vector<16xf32>
        %add3A_793 = arith.addf %add3A_778, %mul3A_792 : vector<16xf32>
        %iota3A_794 = tpu.iota {dimensions = array<i32: 0>} : vector<16xi32>
        %xor3A_795 = arith.constant 8 : i32
        %xor3A_796 = vector.broadcast %xor3A_795 : i32 to vector<16xi32>
        %xor3A_797 = arith.xori %iota3A_794, %xor3A_796 : vector<16xi32>
        %lt3A_798 = arith.constant 0 : i32
        %lt3A_799 = vector.broadcast %lt3A_798 : i32 to vector<16xi32>
        %lt3A_800 = arith.cmpi slt, %xor3A_797, %lt3A_799 : vector<16xi32>
        %add3A_801 = arith.constant 16 : i32
        %add3A_802 = vector.broadcast %add3A_801 : i32 to vector<16xi32>
        %add3A_803 = arith.addi %xor3A_797, %add3A_802 : vector<16xi32>
        %select_n3A_804 = arith.select %lt3A_800, %add3A_803, %xor3A_797 : vector<16xi1>, vector<16xi32>
        %broadcast_in_dim3A_805 = vector.shape_cast %select_n3A_804 : vector<16xi32> to vector<16x1xi32>
        %gather3A_806 = vector.shape_cast %broadcast_in_dim3A_805 : vector<16x1xi32> to vector<16xi32>
        %gather3A_807 = tpu.dynamic_gather %add3A_793[%gather3A_806] in [0] : vector<16xf32>, vector<16xi32> -> vector<16xf32>
        %add3A_808 = arith.addf %add3A_793, %gather3A_807 : vector<16xf32>
        %xor3A_809 = arith.constant 4 : i32
        %xor3A_810 = vector.broadcast %xor3A_809 : i32 to vector<16xi32>
        %xor3A_811 = arith.xori %iota3A_794, %xor3A_810 : vector<16xi32>
        %lt3A_812 = arith.constant 0 : i32
        %lt3A_813 = vector.broadcast %lt3A_812 : i32 to vector<16xi32>
        %lt3A_814 = arith.cmpi slt, %xor3A_811, %lt3A_813 : vector<16xi32>
        %add3A_815 = arith.constant 16 : i32
        %add3A_816 = vector.broadcast %add3A_815 : i32 to vector<16xi32>
        %add3A_817 = arith.addi %xor3A_811, %add3A_816 : vector<16xi32>
        %select_n3A_818 = arith.select %lt3A_814, %add3A_817, %xor3A_811 : vector<16xi1>, vector<16xi32>
        %broadcast_in_dim3A_819 = vector.shape_cast %select_n3A_818 : vector<16xi32> to vector<16x1xi32>
        %gather3A_820 = vector.shape_cast %broadcast_in_dim3A_819 : vector<16x1xi32> to vector<16xi32>
        %gather3A_821 = tpu.dynamic_gather %add3A_808[%gather3A_820] in [0] : vector<16xf32>, vector<16xi32> -> vector<16xf32>
        %add3A_822 = arith.addf %add3A_808, %gather3A_821 : vector<16xf32>
        %xor3A_823 = arith.constant 2 : i32
        %xor3A_824 = vector.broadcast %xor3A_823 : i32 to vector<16xi32>
        %xor3A_825 = arith.xori %iota3A_794, %xor3A_824 : vector<16xi32>
        %lt3A_826 = arith.constant 0 : i32
        %lt3A_827 = vector.broadcast %lt3A_826 : i32 to vector<16xi32>
        %lt3A_828 = arith.cmpi slt, %xor3A_825, %lt3A_827 : vector<16xi32>
        %add3A_829 = arith.constant 16 : i32
        %add3A_830 = vector.broadcast %add3A_829 : i32 to vector<16xi32>
        %add3A_831 = arith.addi %xor3A_825, %add3A_830 : vector<16xi32>
        %select_n3A_832 = arith.select %lt3A_828, %add3A_831, %xor3A_825 : vector<16xi1>, vector<16xi32>
        %broadcast_in_dim3A_833 = vector.shape_cast %select_n3A_832 : vector<16xi32> to vector<16x1xi32>
        %gather3A_834 = vector.shape_cast %broadcast_in_dim3A_833 : vector<16x1xi32> to vector<16xi32>
        %gather3A_835 = tpu.dynamic_gather %add3A_822[%gather3A_834] in [0] : vector<16xf32>, vector<16xi32> -> vector<16xf32>
        %add3A_836 = arith.addf %add3A_822, %gather3A_835 : vector<16xf32>
        %xor3A_837 = arith.constant 1 : i32
        %xor3A_838 = vector.broadcast %xor3A_837 : i32 to vector<16xi32>
        %xor3A_839 = arith.xori %iota3A_794, %xor3A_838 : vector<16xi32>
        %lt3A_840 = arith.constant 0 : i32
        %lt3A_841 = vector.broadcast %lt3A_840 : i32 to vector<16xi32>
        %lt3A_842 = arith.cmpi slt, %xor3A_839, %lt3A_841 : vector<16xi32>
        %add3A_843 = arith.constant 16 : i32
        %add3A_844 = vector.broadcast %add3A_843 : i32 to vector<16xi32>
        %add3A_845 = arith.addi %xor3A_839, %add3A_844 : vector<16xi32>
        %select_n3A_846 = arith.select %lt3A_842, %add3A_845, %xor3A_839 : vector<16xi1>, vector<16xi32>
        %broadcast_in_dim3A_847 = vector.shape_cast %select_n3A_846 : vector<16xi32> to vector<16x1xi32>
        %gather3A_848 = vector.shape_cast %broadcast_in_dim3A_847 : vector<16x1xi32> to vector<16xi32>
        %gather3A_849 = tpu.dynamic_gather %add3A_836[%gather3A_848] in [0] : vector<16xf32>, vector<16xi32> -> vector<16xf32>
        %add3A_850 = arith.addf %add3A_836, %gather3A_849 : vector<16xf32>
        %min3A_851 = arith.constant 6.000000e+01 : f32
        %min3A_852 = vector.broadcast %min3A_851 : f32 to vector<16xf32>
        %min3A_853 = arith.minimumf %add3A_850, %min3A_852 : vector<16xf32>
        %exp3A_854 = math.exp %min3A_853 : vector<16xf32>
        %get3A_855 = arith.index_cast %scan3A_731 : i32 to index
        %get3A_856 = arith.constant 0 : index
        %get3A_857 = tpu.vector_load %arg17[%get3A_855, %get3A_856] {strides = array<i32>} : memref<128x64xf32, #tpu.memory_space<vmem>>, vector<1x16xf32>,
        %get3A_858 = vector.shape_cast %get3A_857 : vector<1x16xf32> to vector<16xf32>
        %mul3A_859 = arith.mulf %exp3A_854, %get3A_858 : vector<16xf32>
        %swap3A_860 = arith.index_cast %scan3A_731 : i32 to index
        %swap3A_861 = arith.constant 0 : index
        %swap3A_862 = tpu.vector_load %arg20[%swap3A_860, %swap3A_861] {strides = array<i32>} : memref<128x80xf32, #tpu.memory_space<vmem>>, vector<1x16xf32>,
        %swap3A_863 = vector.shape_cast %swap3A_862 : vector<1x16xf32> to vector<16xf32>
        %swap3A_864 = vector.shape_cast %mul3A_859 : vector<16xf32> to vector<1x16xf32>
        tpu.vector_store %arg20[%swap3A_860, %swap3A_861], %swap3A_864 {strides = array<i32>} : memref<128x80xf32, #tpu.memory_space<vmem>>, vector<1x16xf32>,
        %get3A_865 = arith.index_cast %scan3A_731 : i32 to index
        %get3A_866 = arith.constant 16 : index
        %get3A_867 = tpu.vector_load %arg17[%get3A_865, %get3A_866] {strides = array<i32>} : memref<128x64xf32, #tpu.memory_space<vmem>>, vector<1x16xf32>,
        %get3A_868 = vector.shape_cast %get3A_867 : vector<1x16xf32> to vector<16xf32>
        %mul3A_869 = arith.mulf %exp3A_854, %get3A_868 : vector<16xf32>
        %swap3A_870 = arith.index_cast %scan3A_731 : i32 to index
        %swap3A_871 = arith.constant 16 : index
        %swap3A_872 = tpu.vector_load %arg20[%swap3A_870, %swap3A_871] {strides = array<i32>} : memref<128x80xf32, #tpu.memory_space<vmem>>, vector<1x16xf32>,
        %swap3A_873 = vector.shape_cast %swap3A_872 : vector<1x16xf32> to vector<16xf32>
        %swap3A_874 = vector.shape_cast %mul3A_869 : vector<16xf32> to vector<1x16xf32>
        tpu.vector_store %arg20[%swap3A_870, %swap3A_871], %swap3A_874 {strides = array<i32>} : memref<128x80xf32, #tpu.memory_space<vmem>>, vector<1x16xf32>,
        %get3A_875 = arith.index_cast %scan3A_731 : i32 to index
        %get3A_876 = arith.constant 32 : index
        %get3A_877 = tpu.vector_load %arg17[%get3A_875, %get3A_876] {strides = array<i32>} : memref<128x64xf32, #tpu.memory_space<vmem>>, vector<1x16xf32>,
        %get3A_878 = vector.shape_cast %get3A_877 : vector<1x16xf32> to vector<16xf32>
        %mul3A_879 = arith.mulf %exp3A_854, %get3A_878 : vector<16xf32>
        %swap3A_880 = arith.index_cast %scan3A_731 : i32 to index
        %swap3A_881 = arith.constant 32 : index
        %swap3A_882 = tpu.vector_load %arg20[%swap3A_880, %swap3A_881] {strides = array<i32>} : memref<128x80xf32, #tpu.memory_space<vmem>>, vector<1x16xf32>,
        %swap3A_883 = vector.shape_cast %swap3A_882 : vector<1x16xf32> to vector<16xf32>
        %swap3A_884 = vector.shape_cast %mul3A_879 : vector<16xf32> to vector<1x16xf32>
        tpu.vector_store %arg20[%swap3A_880, %swap3A_881], %swap3A_884 {strides = array<i32>} : memref<128x80xf32, #tpu.memory_space<vmem>>, vector<1x16xf32>,
        %get3A_885 = arith.index_cast %scan3A_731 : i32 to index
        %get3A_886 = arith.constant 48 : index
        %get3A_887 = tpu.vector_load %arg17[%get3A_885, %get3A_886] {strides = array<i32>} : memref<128x64xf32, #tpu.memory_space<vmem>>, vector<1x16xf32>,
        %get3A_888 = vector.shape_cast %get3A_887 : vector<1x16xf32> to vector<16xf32>
        %mul3A_889 = arith.mulf %exp3A_854, %get3A_888 : vector<16xf32>
        %swap3A_890 = arith.index_cast %scan3A_731 : i32 to index
        %swap3A_891 = arith.constant 48 : index
        %swap3A_892 = tpu.vector_load %arg20[%swap3A_890, %swap3A_891] {strides = array<i32>} : memref<128x80xf32, #tpu.memory_space<vmem>>, vector<1x16xf32>,
        %swap3A_893 = vector.shape_cast %swap3A_892 : vector<1x16xf32> to vector<16xf32>
        %swap3A_894 = vector.shape_cast %mul3A_889 : vector<16xf32> to vector<1x16xf32>
        tpu.vector_store %arg20[%swap3A_890, %swap3A_891], %swap3A_894 {strides = array<i32>} : memref<128x80xf32, #tpu.memory_space<vmem>>, vector<1x16xf32>,
        %swap3A_895 = arith.index_cast %scan3A_731 : i32 to index
        %swap3A_896 = arith.constant 64 : index
        %swap3A_897 = tpu.vector_load %arg20[%swap3A_895, %swap3A_896] {strides = array<i32>} : memref<128x80xf32, #tpu.memory_space<vmem>>, vector<1x16xf32>,
        %swap3A_898 = vector.shape_cast %swap3A_897 : vector<1x16xf32> to vector<16xf32>
        %swap3A_899 = vector.shape_cast %exp3A_854 : vector<16xf32> to vector<1x16xf32>
        tpu.vector_store %arg20[%swap3A_895, %swap3A_896], %swap3A_899 {strides = array<i32>} : memref<128x80xf32, #tpu.memory_space<vmem>>, vector<1x16xf32>,
      }
      %scan3A_223 = arith.constant 128 : i32
      "tpu.region"() ({
        %run_scoped3A = tpu.sem_alloc : memref<!tpu.dma_semaphore, #tpu.memory_space<semaphore_mem>>
        %dma_start3A_229 = arith.constant 0 : i32
        %dma_start3A_230 = arith.constant 0 : i32
        %dma_start3A_231 = tpu.memref_slice %arg22[%dma_start3A_229, %dma_start3A_230] : memref<10112x80xf32, #tpu.memory_space<vmem_shared>> -> memref<10112x80xf32, #tpu.memory_space<vmem_shared>>
        tpu.enqueue_indirect_dma source(%arg20 : memref<128x80xf32, #tpu.memory_space<vmem>>) target(%dma_start3A_231 : memref<10112x80xf32, #tpu.memory_space<vmem_shared>>) offsets(%arg14 : memref<128xi32, #tpu.memory_space<vmem>>) semaphore(%run_scoped3A : memref<!tpu.dma_semaphore, #tpu.memory_space<semaphore_mem>>) {add = true}
        %dma_wait3A_232 = arith.constant 0 : i32
        %dma_wait3A_233 = arith.constant 0 : i32
        %dma_wait3A_234 = tpu.memref_slice %arg22[%dma_wait3A_232, %dma_wait3A_233] : memref<10112x80xf32, #tpu.memory_space<vmem_shared>> -> memref<10112x80xf32, #tpu.memory_space<vmem_shared>>
        tpu.wait_indirect_dma semaphore(%run_scoped3A : memref<!tpu.dma_semaphore, #tpu.memory_space<semaphore_mem>>) src(%arg20 : memref<128x80xf32, #tpu.memory_space<vmem>>) dst(%dma_wait3A_234 : memref<10112x80xf32, #tpu.memory_space<vmem_shared>>)
        tpu.yield
      }) : () -> ()
      %lt3A_224 = arith.constant 19 : i32
      %lt3A_225 = arith.cmpi slt, %scan3A_35, %lt3A_224 : i32
      %convert_element_type3A_226 = arith.extui %lt3A_225 : i1 to i32
      %cond3A_227 = arith.constant 0 : i32
      %cond3A_228 = arith.cmpi ne, %convert_element_type3A_226, %cond3A_227 : i32
      scf.if %cond3A_228 {
        %add3A_229 = arith.constant 3 : i32
        %add3A_230 = arith.addi %mul3A_37, %add3A_229 : i32
        %mul3A_231 = arith.constant 128 : i32
        %mul3A_232 = arith.muli %add3A_230, %mul3A_231 : i32
        %add3A_233 = arith.addi %mul3A_4, %mul3A_232 : i32
        %dma_start3A_234 = tpu.memref_slice %arg5[%add3A_233] : memref<163840xi32, #tpu.memory_space<hbm>> -> memref<128xi32, #tpu.memory_space<hbm>>
        %dma_start3A_235 = tpu.memref_slice %arg5[%add3A_233] : memref<163840xi32, #tpu.memory_space<hbm>> -> memref<128xi32, #tpu.memory_space<hbm>>
        tpu.enqueue_dma source(%dma_start3A_235 : memref<128xi32, #tpu.memory_space<hbm>>) target(%arg11 : memref<128xi32, #tpu.memory_space<vmem>>) target_semaphore(%arg24 : memref<!tpu.dma_semaphore, #tpu.memory_space<semaphore_mem>>)
        %dma_start3A_236 = tpu.memref_slice %arg6[%add3A_233] : memref<163840xi32, #tpu.memory_space<hbm>> -> memref<128xi32, #tpu.memory_space<hbm>>
        %dma_start3A_237 = tpu.memref_slice %arg6[%add3A_233] : memref<163840xi32, #tpu.memory_space<hbm>> -> memref<128xi32, #tpu.memory_space<hbm>>
        tpu.enqueue_dma source(%dma_start3A_237 : memref<128xi32, #tpu.memory_space<hbm>>) target(%arg12 : memref<128xi32, #tpu.memory_space<vmem>>) target_semaphore(%arg24 : memref<!tpu.dma_semaphore, #tpu.memory_space<semaphore_mem>>)
      } else {
      }
    }
    %scan3A_33 = arith.constant 20 : i32
    %barrier3A_34 = arith.constant 0 : index
    tpu.barrier barrier_id(%barrier3A_34)
    "tpu.region"() ({
      %run_scoped3A = tpu.sem_alloc : memref<!tpu.dma_semaphore, #tpu.memory_space<semaphore_mem>>
      %dma_start3A_35 = arith.constant 0 : i32
      %dma_start3A_36 = tpu.memref_slice %arg8[%arg0, %mul3A_2, %dma_start3A_35] : memref<2x10112x80xf32, #tpu.memory_space<hbm>> -> memref<1x632x80xf32, #tpu.memory_space<hbm>>
      %dma_start3A_37 = tpu.memref_squeeze %dma_start3A_36 : memref<1x632x80xf32, #tpu.memory_space<hbm>> -> memref<632x80xf32, #tpu.memory_space<hbm>>
      %dma_start3A_38 = arith.constant 0 : i32
      %dma_start3A_39 = tpu.memref_slice %arg22[%mul3A_2, %dma_start3A_38] : memref<10112x80xf32, #tpu.memory_space<vmem_shared>> -> memref<632x80xf32, #tpu.memory_space<vmem_shared>>
      tpu.enqueue_dma source(%dma_start3A_39 : memref<632x80xf32, #tpu.memory_space<vmem_shared>>) target(%dma_start3A_37 : memref<632x80xf32, #tpu.memory_space<hbm>>) target_semaphore(%run_scoped3A : memref<!tpu.dma_semaphore, #tpu.memory_space<semaphore_mem>>)
      %dma_wait3A_40 = arith.constant 0 : i32
      %dma_wait3A_41 = tpu.memref_slice %arg8[%arg0, %mul3A_2, %dma_wait3A_40] : memref<2x10112x80xf32, #tpu.memory_space<hbm>> -> memref<1x632x80xf32, #tpu.memory_space<hbm>>
      %dma_wait3A_42 = tpu.memref_squeeze %dma_wait3A_41 : memref<1x632x80xf32, #tpu.memory_space<hbm>> -> memref<632x80xf32, #tpu.memory_space<hbm>>
      %dma_wait3A_43 = arith.constant 0 : i32
      %dma_wait3A_44 = tpu.memref_slice %arg22[%mul3A_2, %dma_wait3A_43] : memref<10112x80xf32, #tpu.memory_space<vmem_shared>> -> memref<632x80xf32, #tpu.memory_space<vmem_shared>>
      tpu.wait_dma2 semaphore(%run_scoped3A : memref<!tpu.dma_semaphore, #tpu.memory_space<semaphore_mem>>) src(%dma_wait3A_44 : memref<632x80xf32, #tpu.memory_space<vmem_shared>>) dst(%dma_wait3A_42 : memref<632x80xf32, #tpu.memory_space<hbm>>)
      tpu.yield
    }) : () -> ()
    return
  }
}

module attributes {stable_mosaic.version = 14 : i64} {
  func.func @_stage1_body(%arg0: i32, %arg1: memref<200x128xf32, #tpu.memory_space<vmem>>, %arg2: memref<64x128xf32, #tpu.memory_space<vmem>>, %arg3: memref<1x64xf32, #tpu.memory_space<vmem>>, %arg4: memref<64x64xf32, #tpu.memory_space<vmem>>, %arg5: memref<1x64xf32, #tpu.memory_space<vmem>>, %arg6: memref<64x64xf32, #tpu.memory_space<vmem>>, %arg7: memref<1x64xf32, #tpu.memory_space<vmem>>, %arg8: memref<64x1xf32, #tpu.memory_space<vmem>>, %arg9: memref<200x64xf32, #tpu.memory_space<vmem>>, %arg10: memref<200x64xf32, #tpu.memory_space<vmem>>, %arg11: memref<200x80xf32, #tpu.memory_space<vmem>>) attributes {dimension_semantics = [#tpu.dimension_semantics<arbitrary>], iteration_bounds = array<i64: 50>, scalar_prefetch = 0 : i64, scratch_operands = 0 : i64, tpu.core_type = #tpu.core_type<tc>, window_params = [{transform_indices = @transform_0, window_bounds = array<i64: 200, 128>}, {pipeline_mode = #tpu.pipeline_mode<synchronous>, transform_indices = @transform_1, window_bounds = array<i64: 64, 128>}, {pipeline_mode = #tpu.pipeline_mode<synchronous>, transform_indices = @transform_2, window_bounds = array<i64: 1, 64>}, {pipeline_mode = #tpu.pipeline_mode<synchronous>, transform_indices = @transform_3, window_bounds = array<i64: 64, 64>}, {pipeline_mode = #tpu.pipeline_mode<synchronous>, transform_indices = @transform_4, window_bounds = array<i64: 1, 64>}, {pipeline_mode = #tpu.pipeline_mode<synchronous>, transform_indices = @transform_5, window_bounds = array<i64: 64, 64>}, {pipeline_mode = #tpu.pipeline_mode<synchronous>, transform_indices = @transform_6, window_bounds = array<i64: 1, 64>}, {pipeline_mode = #tpu.pipeline_mode<synchronous>, transform_indices = @transform_7, window_bounds = array<i64: 64, 1>}, {transform_indices = @transform_8, window_bounds = array<i64: 200, 64>}, {transform_indices = @transform_9, window_bounds = array<i64: 200, 64>}, {transform_indices = @transform_10, window_bounds = array<i64: 200, 80>}]} {
    %get3A = arith.constant 0 : index
    %get3A_0 = arith.constant 0 : index
    %get3A_1 = vector.load %arg1[%get3A, %get3A_0] : memref<200x128xf32, #tpu.memory_space<vmem>>, vector<200x128xf32>
    %get3A_2 = arith.constant 0 : index
    %get3A_3 = arith.constant 0 : index
    %get3A_4 = vector.load %arg2[%get3A_2, %get3A_3] : memref<64x128xf32, #tpu.memory_space<vmem>>, vector<64x128xf32>
    %convert_element_type3A = arith.truncf %get3A_1 : vector<200x128xf32> to vector<200x128xbf16>
    %convert_element_type3A_5 = arith.truncf %get3A_4 : vector<64x128xf32> to vector<64x128xbf16>
    %dot_general3A = arith.constant dense<0.000000e+00> : vector<200x64xf32>
    %dot_general3A_6 = tpu.matmul %convert_element_type3A, %convert_element_type3A_5, %dot_general3A {dimension_numbers = #tpu.dot_dimension_numbers<[1], [1], [0], [0], [0, 0, 1, 0], [], []>, transpose_lhs_hint = false} : vector<200x128xbf16>, vector<64x128xbf16>, vector<200x64xf32> -> vector<200x64xf32>
    %get3A_7 = arith.constant 0 : index
    %get3A_8 = arith.constant 0 : index
    %get3A_9 = vector.load %arg3[%get3A_7, %get3A_8] : memref<1x64xf32, #tpu.memory_space<vmem>>, vector<1x64xf32>
    %add3A = vector.broadcast %get3A_9 : vector<1x64xf32> to vector<200x64xf32>
    %add3A_10 = arith.addf %dot_general3A_6, %add3A : vector<200x64xf32>
    %max3A = arith.constant 0.000000e+00 : f32
    %max3A_11 = vector.broadcast %max3A : f32 to vector<200x64xf32>
    %max3A_12 = arith.maximumf %add3A_10, %max3A_11 : vector<200x64xf32>
    %get3A_13 = arith.constant 0 : index
    %get3A_14 = arith.constant 0 : index
    %get3A_15 = vector.load %arg4[%get3A_13, %get3A_14] : memref<64x64xf32, #tpu.memory_space<vmem>>, vector<64x64xf32>
    %convert_element_type3A_16 = arith.truncf %max3A_12 : vector<200x64xf32> to vector<200x64xbf16>
    %convert_element_type3A_17 = arith.truncf %get3A_15 : vector<64x64xf32> to vector<64x64xbf16>
    %dot_general3A_18 = arith.constant dense<0.000000e+00> : vector<200x64xf32>
    %dot_general3A_19 = tpu.matmul %convert_element_type3A_16, %convert_element_type3A_17, %dot_general3A_18 {dimension_numbers = #tpu.dot_dimension_numbers<[1], [1], [0], [0], [0, 0, 1, 0], [], []>, transpose_lhs_hint = false} : vector<200x64xbf16>, vector<64x64xbf16>, vector<200x64xf32> -> vector<200x64xf32>
    %get3A_20 = arith.constant 0 : index
    %get3A_21 = arith.constant 0 : index
    %get3A_22 = vector.load %arg5[%get3A_20, %get3A_21] : memref<1x64xf32, #tpu.memory_space<vmem>>, vector<1x64xf32>
    %add3A_23 = vector.broadcast %get3A_22 : vector<1x64xf32> to vector<200x64xf32>
    %add3A_24 = arith.addf %dot_general3A_19, %add3A_23 : vector<200x64xf32>
    %get3A_25 = arith.constant 0 : index
    %get3A_26 = arith.constant 0 : index
    %get3A_27 = vector.load %arg6[%get3A_25, %get3A_26] : memref<64x64xf32, #tpu.memory_space<vmem>>, vector<64x64xf32>
    %convert_element_type3A_28 = arith.truncf %max3A_12 : vector<200x64xf32> to vector<200x64xbf16>
    %convert_element_type3A_29 = arith.truncf %get3A_27 : vector<64x64xf32> to vector<64x64xbf16>
    %dot_general3A_30 = arith.constant dense<0.000000e+00> : vector<200x64xf32>
    %dot_general3A_31 = tpu.matmul %convert_element_type3A_28, %convert_element_type3A_29, %dot_general3A_30 {dimension_numbers = #tpu.dot_dimension_numbers<[1], [1], [0], [0], [0, 0, 1, 0], [], []>, transpose_lhs_hint = false} : vector<200x64xbf16>, vector<64x64xbf16>, vector<200x64xf32> -> vector<200x64xf32>
    %get3A_32 = arith.constant 0 : index
    %get3A_33 = arith.constant 0 : index
    %get3A_34 = vector.load %arg7[%get3A_32, %get3A_33] : memref<1x64xf32, #tpu.memory_space<vmem>>, vector<1x64xf32>
    %add3A_35 = vector.broadcast %get3A_34 : vector<1x64xf32> to vector<200x64xf32>
    %add3A_36 = arith.addf %dot_general3A_31, %add3A_35 : vector<200x64xf32>
    %swap3A = arith.constant 0 : index
    %swap3A_37 = arith.constant 0 : index
    %swap3A_38 = vector.load %arg9[%swap3A, %swap3A_37] : memref<200x64xf32, #tpu.memory_space<vmem>>, vector<200x64xf32>
    tpu.vector_store %arg9[%swap3A, %swap3A_37], %add3A_24 {strides = array<i32>} : memref<200x64xf32, #tpu.memory_space<vmem>>, vector<200x64xf32>,
    %swap3A_39 = arith.constant 0 : index
    %swap3A_40 = arith.constant 0 : index
    %swap3A_41 = vector.load %arg10[%swap3A_39, %swap3A_40] : memref<200x64xf32, #tpu.memory_space<vmem>>, vector<200x64xf32>
    tpu.vector_store %arg10[%swap3A_39, %swap3A_40], %add3A_36 {strides = array<i32>} : memref<200x64xf32, #tpu.memory_space<vmem>>, vector<200x64xf32>,
    %add3A_42 = arith.addf %add3A_24, %add3A_36 : vector<200x64xf32>
    %mul3A = arith.constant 2.000000e-01 : f32
    %mul3A_43 = vector.broadcast %mul3A : f32 to vector<200x64xf32>
    %mul3A_44 = arith.mulf %mul3A_43, %add3A_42 : vector<200x64xf32>
    %max3A_45 = arith.maximumf %add3A_42, %mul3A_44 : vector<200x64xf32>
    %get3A_46 = arith.constant 0 : index
    %get3A_47 = arith.constant 0 : index
    %get3A_48 = vector.load %arg8[%get3A_46, %get3A_47] : memref<64x1xf32, #tpu.memory_space<vmem>>, vector<64x1xf32>
    %dot_general3A_49 = arith.constant dense<0.000000e+00> : vector<200x1xf32>
    %dot_general3A_50 = tpu.matmul %max3A_45, %get3A_48, %dot_general3A_49 {dimension_numbers = #tpu.dot_dimension_numbers<[1], [0], [0], [1], [0, 0, 1, 1], [], []>, precision = #tpu.contract_precision<fp32>, transpose_lhs_hint = false} : vector<200x64xf32>, vector<64x1xf32>, vector<200x1xf32> -> vector<200x1xf32>
    %min3A = arith.constant 6.000000e+01 : f32
    %min3A_51 = vector.broadcast %min3A : f32 to vector<200x1xf32>
    %min3A_52 = arith.minimumf %dot_general3A_50, %min3A_51 : vector<200x1xf32>
    %exp3A = math.exp %min3A_52 : vector<200x1xf32>
    %mul3A_53 = vector.broadcast %exp3A : vector<200x1xf32> to vector<200x64xf32>
    %mul3A_54 = arith.mulf %mul3A_53, %add3A_24 : vector<200x64xf32>
    %broadcast_in_dim3A = vector.shape_cast %exp3A : vector<200x1xf32> to vector<200x1xf32>
    %broadcast_in_dim3A_55 = vector.broadcast %broadcast_in_dim3A : vector<200x1xf32> to vector<200x16xf32>
    %concatenate3A = tpu.concatenate %mul3A_54, %broadcast_in_dim3A_55 in 1 : vector<200x64xf32>, vector<200x16xf32> -> vector<200x80xf32>
    %swap3A_56 = arith.constant 0 : index
    %swap3A_57 = arith.constant 0 : index
    %swap3A_58 = vector.load %arg11[%swap3A_56, %swap3A_57] : memref<200x80xf32, #tpu.memory_space<vmem>>, vector<200x80xf32>
    tpu.vector_store %arg11[%swap3A_56, %swap3A_57], %concatenate3A {strides = array<i32>} : memref<200x80xf32, #tpu.memory_space<vmem>>, vector<200x80xf32>,
    return
  }
  func.func @transform_0(%arg0: i32) -> (i32, i32) {
    %c0_i32 = arith.constant 0 : i32
    %c0_i32_0 = arith.constant 0 : i32
    return %arg0, %c0_i32 : i32, i32
  }
  func.func @transform_1(%arg0: i32) -> (i32, i32) {
    %c0_i32 = arith.constant 0 : i32
    %c0_i32_0 = arith.constant 0 : i32
    %c0_i32_1 = arith.constant 0 : i32
    return %c0_i32, %c0_i32_0 : i32, i32
  }
  func.func @transform_2(%arg0: i32) -> (i32, i32) {
    %c0_i32 = arith.constant 0 : i32
    %c0_i32_0 = arith.constant 0 : i32
    %c0_i32_1 = arith.constant 0 : i32
    return %c0_i32, %c0_i32_0 : i32, i32
  }
  func.func @transform_3(%arg0: i32) -> (i32, i32) {
    %c0_i32 = arith.constant 0 : i32
    %c0_i32_0 = arith.constant 0 : i32
    %c0_i32_1 = arith.constant 0 : i32
    return %c0_i32, %c0_i32_0 : i32, i32
  }
  func.func @transform_4(%arg0: i32) -> (i32, i32) {
    %c0_i32 = arith.constant 0 : i32
    %c0_i32_0 = arith.constant 0 : i32
    %c0_i32_1 = arith.constant 0 : i32
    return %c0_i32, %c0_i32_0 : i32, i32
  }
  func.func @transform_5(%arg0: i32) -> (i32, i32) {
    %c0_i32 = arith.constant 0 : i32
    %c0_i32_0 = arith.constant 0 : i32
    %c0_i32_1 = arith.constant 0 : i32
    return %c0_i32, %c0_i32_0 : i32, i32
  }
  func.func @transform_6(%arg0: i32) -> (i32, i32) {
    %c0_i32 = arith.constant 0 : i32
    %c0_i32_0 = arith.constant 0 : i32
    %c0_i32_1 = arith.constant 0 : i32
    return %c0_i32, %c0_i32_0 : i32, i32
  }
  func.func @transform_7(%arg0: i32) -> (i32, i32) {
    %c0_i32 = arith.constant 0 : i32
    %c0_i32_0 = arith.constant 0 : i32
    %c0_i32_1 = arith.constant 0 : i32
    return %c0_i32, %c0_i32_0 : i32, i32
  }
  func.func @transform_8(%arg0: i32) -> (i32, i32) {
    %c0_i32 = arith.constant 0 : i32
    %c0_i32_0 = arith.constant 0 : i32
    return %arg0, %c0_i32 : i32, i32
  }
  func.func @transform_9(%arg0: i32) -> (i32, i32) {
    %c0_i32 = arith.constant 0 : i32
    %c0_i32_0 = arith.constant 0 : i32
    return %arg0, %c0_i32 : i32, i32
  }
  func.func @transform_10(%arg0: i32) -> (i32, i32) {
    %c0_i32 = arith.constant 0 : i32
    %c0_i32_0 = arith.constant 0 : i32
    return %arg0, %c0_i32 : i32, i32
  }
}

module attributes {stable_mosaic.version = 14 : i64} {
  func.func @_stage3a_body(%arg0: i32, %arg1: memref<2x200x80xf32, #tpu.memory_space<vmem>>, %arg2: memref<200x80xf32, #tpu.memory_space<vmem>>, %arg3: memref<1x64xf32, #tpu.memory_space<vmem>>, %arg4: memref<200x64xf32, #tpu.memory_space<vmem>>) attributes {dimension_semantics = [#tpu.dimension_semantics<arbitrary>], iteration_bounds = array<i64: 50>, scalar_prefetch = 0 : i64, scratch_operands = 0 : i64, tpu.core_type = #tpu.core_type<tc>, window_params = [{transform_indices = @transform_0, window_bounds = array<i64: 2, 200, 80>}, {transform_indices = @transform_1, window_bounds = array<i64: 200, 80>}, {pipeline_mode = #tpu.pipeline_mode<synchronous>, transform_indices = @transform_2, window_bounds = array<i64: 1, 64>}, {transform_indices = @transform_3, window_bounds = array<i64: 200, 64>}]} {
    %get3A = arith.constant 0 : index
    %get3A_0 = arith.constant 0 : index
    %get3A_1 = arith.constant 0 : index
    %get3A_2 = vector.load %arg1[%get3A, %get3A_0, %get3A_1] : memref<2x200x80xf32, #tpu.memory_space<vmem>>, vector<1x200x80xf32>
    %get3A_3 = vector.shape_cast %get3A_2 : vector<1x200x80xf32> to vector<200x80xf32>
    %get3A_4 = arith.constant 1 : index
    %get3A_5 = arith.constant 0 : index
    %get3A_6 = arith.constant 0 : index
    %get3A_7 = vector.load %arg1[%get3A_4, %get3A_5, %get3A_6] : memref<2x200x80xf32, #tpu.memory_space<vmem>>, vector<1x200x80xf32>
    %get3A_8 = vector.shape_cast %get3A_7 : vector<1x200x80xf32> to vector<200x80xf32>
    %add3A = arith.addf %get3A_3, %get3A_8 : vector<200x80xf32>
    %get3A_9 = arith.constant 0 : index
    %get3A_10 = arith.constant 0 : index
    %get3A_11 = vector.load %arg2[%get3A_9, %get3A_10] : memref<200x80xf32, #tpu.memory_space<vmem>>, vector<200x80xf32>
    %add3A_12 = arith.addf %add3A, %get3A_11 : vector<200x80xf32>
    %slice3A = vector.extract_strided_slice %add3A_12 {offsets = [0, 0], sizes = [200, 64], strides = [1, 1]} : vector<200x80xf32> to vector<200x64xf32>
    %slice3A_13 = vector.extract_strided_slice %add3A_12 {offsets = [0, 64], sizes = [200, 1], strides = [1, 1]} : vector<200x80xf32> to vector<200x1xf32>
    %add3A_14 = arith.constant 1.000000e-16 : f32
    %add3A_15 = vector.broadcast %add3A_14 : f32 to vector<200x1xf32>
    %add3A_16 = arith.addf %slice3A_13, %add3A_15 : vector<200x1xf32>
    %div3A = vector.broadcast %add3A_16 : vector<200x1xf32> to vector<200x64xf32>
    %div3A_17 = arith.divf %slice3A, %div3A : vector<200x64xf32>
    %get3A_18 = arith.constant 0 : index
    %get3A_19 = arith.constant 0 : index
    %get3A_20 = vector.load %arg3[%get3A_18, %get3A_19] : memref<1x64xf32, #tpu.memory_space<vmem>>, vector<1x64xf32>
    %add3A_21 = vector.broadcast %get3A_20 : vector<1x64xf32> to vector<200x64xf32>
    %add3A_22 = arith.addf %div3A_17, %add3A_21 : vector<200x64xf32>
    %mul3A = arith.constant 2.000000e-01 : f32
    %mul3A_23 = vector.broadcast %mul3A : f32 to vector<200x64xf32>
    %mul3A_24 = arith.mulf %mul3A_23, %add3A_22 : vector<200x64xf32>
    %max3A = arith.maximumf %add3A_22, %mul3A_24 : vector<200x64xf32>
    %swap3A = arith.constant 0 : index
    %swap3A_25 = arith.constant 0 : index
    %swap3A_26 = vector.load %arg4[%swap3A, %swap3A_25] : memref<200x64xf32, #tpu.memory_space<vmem>>, vector<200x64xf32>
    tpu.vector_store %arg4[%swap3A, %swap3A_25], %max3A {strides = array<i32>} : memref<200x64xf32, #tpu.memory_space<vmem>>, vector<200x64xf32>,
    return
  }
  func.func @transform_0(%arg0: i32) -> (i32, i32, i32) {
    %c0_i32 = arith.constant 0 : i32
    %c0_i32_0 = arith.constant 0 : i32
    %c0_i32_1 = arith.constant 0 : i32
    return %c0_i32, %arg0, %c0_i32_0 : i32, i32, i32
  }
  func.func @transform_1(%arg0: i32) -> (i32, i32) {
    %c0_i32 = arith.constant 0 : i32
    %c0_i32_0 = arith.constant 0 : i32
    return %arg0, %c0_i32 : i32, i32
  }
  func.func @transform_2(%arg0: i32) -> (i32, i32) {
    %c0_i32 = arith.constant 0 : i32
    %c0_i32_0 = arith.constant 0 : i32
    %c0_i32_1 = arith.constant 0 : i32
    return %c0_i32, %c0_i32_0 : i32, i32
  }
  func.func @transform_3(%arg0: i32) -> (i32, i32) {
    %c0_i32 = arith.constant 0 : i32
    %c0_i32_0 = arith.constant 0 : i32
    return %arg0, %c0_i32 : i32, i32
  }
}

module attributes {stable_mosaic.version = 14 : i64} {
  func.func @_stage3b_body(%arg0: i32, %arg1: memref<64x12800xf32, #tpu.memory_space<vmem>>, %arg2: memref<1x12800xf32, #tpu.memory_space<vmem>>, %arg3: memref<1x64xf32, #tpu.memory_space<vmem>>, %arg4: memref<1x64xf32, #tpu.memory_space<vmem>>, %arg5: memref<1xf32, #tpu.memory_space<smem>>, %arg6: memref<1x1xf32, #tpu.memory_space<smem>>, %arg7: memref<1x64xf32, #tpu.memory_space<vmem>>) attributes {dimension_semantics = [#tpu.dimension_semantics<arbitrary>], iteration_bounds = array<i64: 50>, scalar_prefetch = 0 : i64, scratch_operands = 1 : i64, tpu.core_type = #tpu.core_type<tc>, window_params = [{transform_indices = @transform_0, window_bounds = array<i64: 64, 12800>}, {transform_indices = @transform_1, window_bounds = array<i64: 1, 12800>}, {pipeline_mode = #tpu.pipeline_mode<synchronous>, transform_indices = @transform_2, window_bounds = array<i64: 1, 64>}, {pipeline_mode = #tpu.pipeline_mode<synchronous>, transform_indices = @transform_3, window_bounds = array<i64: 1, 64>}, {transform_indices = @transform_4, window_bounds = array<i64: 1>}, {transform_indices = @transform_5, window_bounds = array<i64: 1, 1>}]} {
    %eq3A = arith.constant 0 : i32
    %eq3A_0 = arith.cmpi eq, %arg0, %eq3A : i32
    %convert_element_type3A = arith.extui %eq3A_0 : i1 to i32
    %cond3A = arith.constant 0 : i32
    %cond3A_1 = arith.cmpi ne, %convert_element_type3A, %cond3A : i32
    scf.if %cond3A_1 {
      %broadcast_in_dim3A = arith.constant 0.000000e+00 : f32
      %broadcast_in_dim3A_31 = vector.broadcast %broadcast_in_dim3A : f32 to vector<1x64xf32>
      %swap3A_32 = arith.constant 0 : index
      %swap3A_33 = arith.constant 0 : index
      %swap3A_34 = vector.load %arg7[%swap3A_32, %swap3A_33] : memref<1x64xf32, #tpu.memory_space<vmem>>, vector<1x64xf32>
      tpu.vector_store %arg7[%swap3A_32, %swap3A_33], %broadcast_in_dim3A_31 {strides = array<i32>} : memref<1x64xf32, #tpu.memory_space<vmem>>, vector<1x64xf32>,
    } else {
    }
    %get3A = arith.constant 0 : index
    %get3A_2 = arith.constant 0 : index
    %get3A_3 = vector.load %arg2[%get3A, %get3A_2] : memref<1x12800xf32, #tpu.memory_space<vmem>>, vector<1x12800xf32>
    %get3A_4 = arith.constant 0 : index
    %get3A_5 = arith.constant 0 : index
    %get3A_6 = vector.load %arg1[%get3A_4, %get3A_5] : memref<64x12800xf32, #tpu.memory_space<vmem>>, vector<64x12800xf32>
    %convert_element_type3A_7 = arith.truncf %get3A_3 : vector<1x12800xf32> to vector<1x12800xbf16>
    %convert_element_type3A_8 = arith.extf %convert_element_type3A_7 : vector<1x12800xbf16> to vector<1x12800xf32>
    %sub3A = arith.subf %get3A_3, %convert_element_type3A_8 : vector<1x12800xf32>
    %convert_element_type3A_9 = arith.truncf %sub3A : vector<1x12800xf32> to vector<1x12800xbf16>
    %convert_element_type3A_10 = arith.truncf %get3A_6 : vector<64x12800xf32> to vector<64x12800xbf16>
    %convert_element_type3A_11 = arith.extf %convert_element_type3A_10 : vector<64x12800xbf16> to vector<64x12800xf32>
    %sub3A_12 = arith.subf %get3A_6, %convert_element_type3A_11 : vector<64x12800xf32>
    %convert_element_type3A_13 = arith.truncf %sub3A_12 : vector<64x12800xf32> to vector<64x12800xbf16>
    %get3A_14 = arith.constant 0 : index
    %get3A_15 = arith.constant 0 : index
    %get3A_16 = vector.load %arg7[%get3A_14, %get3A_15] : memref<1x64xf32, #tpu.memory_space<vmem>>, vector<1x64xf32>
    %dot_general3A = arith.constant dense<0.000000e+00> : vector<1x64xf32>
    %dot_general3A_17 = tpu.matmul %convert_element_type3A_7, %convert_element_type3A_10, %dot_general3A {dimension_numbers = #tpu.dot_dimension_numbers<[1], [1], [0], [0], [0, 0, 1, 0], [], []>, transpose_lhs_hint = false} : vector<1x12800xbf16>, vector<64x12800xbf16>, vector<1x64xf32> -> vector<1x64xf32>
    %dot_general3A_18 = arith.constant dense<0.000000e+00> : vector<1x64xf32>
    %dot_general3A_19 = tpu.matmul %convert_element_type3A_7, %convert_element_type3A_13, %dot_general3A_18 {dimension_numbers = #tpu.dot_dimension_numbers<[1], [1], [0], [0], [0, 0, 1, 0], [], []>, transpose_lhs_hint = false} : vector<1x12800xbf16>, vector<64x12800xbf16>, vector<1x64xf32> -> vector<1x64xf32>
    %add3A = arith.addf %dot_general3A_17, %dot_general3A_19 : vector<1x64xf32>
    %dot_general3A_20 = arith.constant dense<0.000000e+00> : vector<1x64xf32>
    %dot_general3A_21 = tpu.matmul %convert_element_type3A_9, %convert_element_type3A_10, %dot_general3A_20 {dimension_numbers = #tpu.dot_dimension_numbers<[1], [1], [0], [0], [0, 0, 1, 0], [], []>, transpose_lhs_hint = false} : vector<1x12800xbf16>, vector<64x12800xbf16>, vector<1x64xf32> -> vector<1x64xf32>
    %add3A_22 = arith.addf %add3A, %dot_general3A_21 : vector<1x64xf32>
    %add3A_23 = arith.addf %get3A_16, %add3A_22 : vector<1x64xf32>
    %swap3A = arith.constant 0 : index
    %swap3A_24 = arith.constant 0 : index
    %swap3A_25 = vector.load %arg7[%swap3A, %swap3A_24] : memref<1x64xf32, #tpu.memory_space<vmem>>, vector<1x64xf32>
    tpu.vector_store %arg7[%swap3A, %swap3A_24], %add3A_23 {strides = array<i32>} : memref<1x64xf32, #tpu.memory_space<vmem>>, vector<1x64xf32>,
    %eq3A_26 = arith.constant 49 : i32
    %eq3A_27 = arith.cmpi eq, %arg0, %eq3A_26 : i32
    %convert_element_type3A_28 = arith.extui %eq3A_27 : i1 to i32
    %cond3A_29 = arith.constant 0 : i32
    %cond3A_30 = arith.cmpi ne, %convert_element_type3A_28, %cond3A_29 : i32
    scf.if %cond3A_30 {
      %get3A_31 = arith.constant 0 : index
      %get3A_32 = arith.constant 0 : index
      %get3A_33 = vector.load %arg7[%get3A_31, %get3A_32] : memref<1x64xf32, #tpu.memory_space<vmem>>, vector<1x64xf32>
      %get3A_34 = arith.constant 0 : index
      %get3A_35 = arith.constant 0 : index
      %get3A_36 = vector.load %arg3[%get3A_34, %get3A_35] : memref<1x64xf32, #tpu.memory_space<vmem>>, vector<1x64xf32>
      %add3A_37 = arith.addf %get3A_33, %get3A_36 : vector<1x64xf32>
      %max3A = arith.constant 0.000000e+00 : f32
      %max3A_38 = vector.broadcast %max3A : f32 to vector<1x64xf32>
      %max3A_39 = arith.maximumf %add3A_37, %max3A_38 : vector<1x64xf32>
      %get3A_40 = arith.constant 0 : index
      %get3A_41 = arith.constant 0 : index
      %get3A_42 = vector.load %arg4[%get3A_40, %get3A_41] : memref<1x64xf32, #tpu.memory_space<vmem>>, vector<1x64xf32>
      %mul3A = arith.mulf %max3A_39, %get3A_42 : vector<1x64xf32>
      %reduce_sum3A = vector.shape_cast %mul3A : vector<1x64xf32> to vector<1x1x64xf32>
      %reduce_sum3A_43 = arith.constant dense<0.000000e+00> : vector<1xf32>
      %reduce_sum3A_44 = vector.multi_reduction <add>, %reduce_sum3A, %reduce_sum3A_43 [1, 2] : vector<1x1x64xf32> to vector<1xf32>
      %reduce_sum3A_45 = vector.shape_cast %reduce_sum3A_44 : vector<1xf32> to vector<1x1x1xf32>
      %reduce_sum3A_46 = vector.extract %reduce_sum3A_45[0, 0, 0] : f32 from vector<1x1x1xf32>
      %get3A_47 = arith.constant 0 : index
      %get3A_48 = memref.load %arg5[%get3A_47] : memref<1xf32, #tpu.memory_space<smem>>
      %add3A_49 = arith.addf %reduce_sum3A_46, %get3A_48 : f32
      %swap3A_50 = arith.constant 0 : index
      %swap3A_51 = arith.constant 0 : index
      %swap3A_52 = memref.load %arg6[%swap3A_50, %swap3A_51] : memref<1x1xf32, #tpu.memory_space<smem>>
      memref.store %add3A_49, %arg6[%swap3A_50, %swap3A_51] : memref<1x1xf32, #tpu.memory_space<smem>>
    } else {
    }
    return
  }
  func.func @transform_0(%arg0: i32) -> (i32, i32) {
    %c0_i32 = arith.constant 0 : i32
    %c0_i32_0 = arith.constant 0 : i32
    return %c0_i32, %arg0 : i32, i32
  }
  func.func @transform_1(%arg0: i32) -> (i32, i32) {
    %c0_i32 = arith.constant 0 : i32
    %c0_i32_0 = arith.constant 0 : i32
    return %c0_i32, %arg0 : i32, i32
  }
  func.func @transform_2(%arg0: i32) -> (i32, i32) {
    %c0_i32 = arith.constant 0 : i32
    %c0_i32_0 = arith.constant 0 : i32
    %c0_i32_1 = arith.constant 0 : i32
    return %c0_i32, %c0_i32_0 : i32, i32
  }
  func.func @transform_3(%arg0: i32) -> (i32, i32) {
    %c0_i32 = arith.constant 0 : i32
    %c0_i32_0 = arith.constant 0 : i32
    %c0_i32_1 = arith.constant 0 : i32
    return %c0_i32, %c0_i32_0 : i32, i32
  }
  func.func @transform_4(%arg0: i32) -> i32 {
    %c0_i32 = arith.constant 0 : i32
    %c0_i32_0 = arith.constant 0 : i32
    return %c0_i32 : i32
  }
  func.func @transform_5(%arg0: i32) -> (i32, i32) {
    %c0_i32 = arith.constant 0 : i32
    %c0_i32_0 = arith.constant 0 : i32
    %c0_i32_1 = arith.constant 0 : i32
    return %c0_i32, %c0_i32_0 : i32, i32
  }
}

</mosaic_0001>

<sc_bundles>
// kernel: kernel.6.cloned.1.call-start
scs
__scs_entry_jumppad:
0x0: {  	(pc) =	sbr.rel $0x88, $3  }
0x1: {  	(tag) =	ssettag $0x0;
	lr =	simm.s32 $0x1  }
0x2: {  	[smem:$0x3F93] =	sst lr;
	_ =	strace $0xD0000000  }
0x3: {  	_ = 	snop  }
0x4: {  	_ = 	snop  }
0x5: {  	_ = 	snop  }
0x6: {  	_ = 	snop  }
0x7: {  	_ = 	snop  }
__scs_overlays_trampoline_lowered:
0x8: {  	[smem:$0x3FA2] =	sst s0  }
0x9: {  	[smem:$0x3FA3] =	sst s1  }
0xa: {  	[smem:$0x3FA4] =	sst s2  }
0xb: {  	[smem:$0x3FA5] =	sst s3  }
0xc: {  	[smem:$0x3FA6] =	sst s4  }
0xd: {  	[smem:$0x3FA7] =	sst s5  }
0xe: {  	[smem:$0x3FA8] =	sst s6  }
0xf: {  	[smem:$0x3FA9] =	sst s7  }
0x10: {  	[smem:$0x3FAA] =	sst s8  }
0x11: {  	[smem:$0x3FAB] =	sst s9;
	s0 =	simm.s32 @!p0 $0x0  }
0x12: {  	s1 =	sld [smem:$0x3F91];
	s0 =	simm.s32 @p0 $0x1  }
0x13: {  	[smem:$0x3FAC] =	sst s0;
	s0 =	simm.s32 @!p1 $0x0  }
0x14: {  	s2 =	sld [smem:$0x3F90];
	s0 =	simm.s32 @p1 $0x1  }
0x15: {  	[smem:$0x3FAD] =	sst s0;
	s0 =	simm.s32 @!p2 $0x0  }
0x16: {  	s3 =	sld [smem:$0x3FDB];
	s0 =	simm.s32 @p2 $0x1  }
0x17: {  	s4 =	simm.s32 $0x1BF5;
	[smem:$0x3FAF] =	sst s0  }
0x18: {  	s0 =	sld [smem:$0x3F92];
	_ =	swait.ge [sflag:s4], $0x0  }
0x19: {  	s7 =	sld [smem:$0x3F93]  }
0x1a: {  	s8 =	sadd.s32 $0xFFFFE003, lr  }
0x1b: {  	s9 =	sadd.s32 $0xFFFFFEF7, lr;
	s5 =	simm.s32 $0xFFFFFFFF;
	p2 =	slt.u32 s8, $0xFFFFF086  }
0x1c: {  	p1 =	slt.u32 s9, $0xF7A;
	s5 =	simm.s32 @!p2 $0x0  }
0x1d: {  	s5 =	simm.s32 @p1 $0x1;
	p0 =	seq.s32 s7, s2  }
0x1e: {  	s7 =	smul.u32 @!p0 $0xF7A, s2;
	p2 =	seq.s32 @!p0 s5, $0x0  }
0x1f: {  	s9 =	smul.u32 $0xF7A, s1;
	s8 =	simm.s32 @!p0 $0x1BF5;
	p2 =	por !p2, p0  }
0x20: {  	[sflag:s8] =	ssyncset.s32 @!p0 $0xFFFFF086;
	s6 =	sadd.s32 @!p0 s3, s7;
	s7 =	simm.s32 @!p0 $0x108  }
0x21: {  	s3 =	sadd.s32 s3, s9;
	s6 =	sadd.s32 @!p0 $0x88, s6;
	s7 =	simm.s32 @p2 $0x1082  }
0x22: {  	[simem:s7], [sflag:s8] =	dma.local @!p0 [hbm:s6], $0xF7A  }
0x23: {  	s9 =	sor.u32 $0xD0000000, s2;
	s6 =	simm.s32 $0x108;
	_ =	swait.ge @!p0 [sflag:s8], $0x0  }
0x24: {  	s3 =	sadd.s32 $0x88, s3;
	s6 =	simm.s32 @!p1 $0x1082;
	[sflag:s4] =	ssyncset.s32 $0xFFFFF086  }
0x25: {  	[simem:s6], [sflag:s4] =	dma.local [hbm:s3], $0xF7A  }
0x26: {  	[smem:$0x3F93] =	sst s1;
	(tag) =	ssettag s2;
	_ =	strace s9  }
0x27: {  	s1 =	sld [smem:$0x3FA3]  }
0x28: {  	s2 =	sld [smem:$0x3FA4]  }
0x29: {  	s4 =	sld [smem:$0x3FA6]  }
0x2a: {  	p0 =	seq.s32 s5, $0x0;
	s5 =	sld [smem:$0x3FA7]  }
0x2b: {  	s6 =	sld [smem:$0x3FA8]  }
0x2c: {  	s7 =	sld [smem:$0x3FA9]  }
0x2d: {  	s3 =	simm.s32 $0x108;
	s8 =	sld [smem:$0x3FAA]  }
0x2e: {  	s3 =	simm.s32 @!p0 $0x1082;
	s9 =	sld [smem:$0x3FAB]  }
0x2f: {  	lr =	sadd.s32 s0, s3;
	s0 =	sld [smem:$0x3FA2]  }
0x30: {  	s3 =	sld [smem:$0x3FA5]  }
0x31: {  	[smem:$0x3FAE] =	sst s10  }
0x32: {  	s10 =	sld [smem:$0x3FAC];
	_ =	sdelay $0x3  }
0x33: {  	p0 =	seq.s32 s10, $0x1;
	s10 =	sld [smem:$0x3FAE];
	_ =	sdelay $0x3  }
0x34: {  	[smem:$0x3FAE] =	sst s10  }
0x35: {  	s10 =	sld [smem:$0x3FAD];
	_ =	sdelay $0x3  }
0x36: {  	p1 =	seq.s32 s10, $0x1;
	s10 =	sld [smem:$0x3FAE];
	_ =	sdelay $0x3  }
0x37: {  	[smem:$0x3FAE] =	sst s10  }
0x38: {  	s10 =	sld [smem:$0x3FAF]  }
0x39: {  	_ = 	snop;
	(pc) =	sbr.ind lr, $3  }
0x3a: {  	_ = 	snop  }
0x3b: {  	_ = 	snop  }
0x3c: {  	p2 =	seq.s32 s10, $0x1;
	s10 =	sld [smem:$0x3FAE]  }
0x3d: {  	_ =	shalt  }
0x3e: {  	_ =	shalt  }
0x3f: {  	_ =	shalt  }
0x40: {  	_ =	shalt  }
0x41: {  	_ =	shalt  }
0x42: {  	_ =	shalt  }
0x43: {  	_ =	shalt  }
0x44: {  	_ =	shalt  }
0x45: {  	_ =	shalt  }
0x46: {  	_ =	shalt  }
0x47: {  	_ =	shalt  }
0x48: {  	_ =	shalt  }
0x49: {  	_ =	shalt  }
0x4a: {  	_ =	shalt  }
0x4b: {  	_ =	shalt  }
0x4c: {  	_ =	shalt  }
0x4d: {  	_ =	shalt  }
0x4e: {  	_ =	shalt  }
0x4f: {  	_ =	shalt  }
0x50: {  	_ =	shalt  }
0x51: {  	_ =	shalt  }
0x52: {  	_ =	shalt  }
0x53: {  	_ =	shalt  }
0x54: {  	_ =	shalt  }
0x55: {  	_ =	shalt  }
0x56: {  	_ =	shalt  }
0x57: {  	_ =	shalt  }
0x58: {  	_ =	shalt  }
0x59: {  	_ =	shalt  }
0x5a: {  	_ =	shalt  }
0x5b: {  	_ =	shalt  }
0x5c: {  	_ =	shalt  }
0x5d: {  	_ =	shalt  }
0x5e: {  	_ =	shalt  }
0x5f: {  	_ =	shalt  }
0x60: {  	_ =	shalt  }
0x61: {  	_ =	shalt  }
0x62: {  	_ =	shalt  }
0x63: {  	_ =	shalt  }
0x64: {  	_ =	shalt  }
0x65: {  	_ =	shalt  }
0x66: {  	_ =	shalt  }
0x67: {  	_ =	shalt  }
0x68: {  	_ =	shalt  }
0x69: {  	_ =	shalt  }
0x6a: {  	_ =	shalt  }
0x6b: {  	_ =	shalt  }
0x6c: {  	_ =	shalt  }
0x6d: {  	_ =	shalt  }
0x6e: {  	_ =	shalt  }
0x6f: {  	_ =	shalt  }
0x70: {  	_ =	shalt  }
0x71: {  	_ =	shalt  }
0x72: {  	_ =	shalt  }
0x73: {  	_ =	shalt  }
0x74: {  	_ =	shalt  }
0x75: {  	_ =	shalt  }
0x76: {  	_ =	shalt  }
0x77: {  	_ =	shalt  }
0x78: {  	_ =	shalt  }
0x79: {  	_ =	shalt  }
0x7a: {  	_ =	shalt  }
0x7b: {  	_ =	shalt  }
0x7c: {  	_ =	shalt  }
0x7d: {  	_ =	shalt  }
0x7e: {  	_ =	shalt  }
0x7f: {  	_ =	shalt  }
0x80: {  	_ =	shalt  }
0x81: {  	_ =	shalt  }
0x82: {  	_ =	shalt  }
0x83: {  	_ =	shalt  }
0x84: {  	_ =	shalt  }
0x85: {  	_ =	shalt  }
0x86: {  	_ =	shalt  }
0x87: {  	_ =	shalt  }
.Lfunc_end0:
.L_simem_size_0:
called_computation_lowered:
.L_overlay_start_0:
0x88: {  	s2 =	sld [smem:$0x3FD9]  }
0x89: {  	s3 =	sld [smem:$0x3FFE];
	_ =	sdelay $0x1  }
0x8a: {  	s1 =	srdreg.scid  }
0x8b: {  	s0 =	sand.u32 $0x1, s1  }
0x8c: {  	s17 =	sshll.u32 s0, $0xA;
	s2 =	sadd.s32 s3, s2  }
0x8d: {  	s2 =	sadd.s32 s2, s17  }
0x8e: {  	[smem:$0x3FBA] =	sst s2  }
0x8f: {  	_ = 	snop  }
0x90: {  	s2 =	sld [smem:$0x3FC1];
	(tm) =	ssettm $0x1  }
0x91: {  	s18 =	sld [smem:$0x3FFB];
	_ =	sdelay $0x3  }
0x92: {  	_ =	strace s18  }
0x93: {  	s3 =	sld [smem:$0x3FFC];
	_ =	sdelay $0x3  }
0x94: {  	_ =	strace s3  }
0x95: {  	s3 =	sld [smem:$0x3FFD];
	_ =	sdelay $0x3  }
0x96: {  	_ =	strace s3  }
0x97: {  	_ =	strace $0x8FFFFFFF  }
0x98: {  	s19 =	sld [smem:$0x3FDB];
	_ =	sdelay $0x1  }
0x99: {  	s4 =	simm.s32 $_scs_section_size  }
0x9a: {  	s5 =	simm.s32 $_size__tile_overlayer_lowered;
	s6 =	simm.s32 $_tile_overlayer_lowered  }
0x9b: {  	s22 =	simm.s32 $0x1BFF;
	s21 =	sshll.u32 s6, $0x1;
	s3 =	sadd.s32 s4, s19  }
0x9c: {  	s7 =	simm.s32 $0x0;
	s20 =	sshll.u32 s5, $0x1;
	s5 =	sadd.s32 s21, s3  }
0x9d: {  	[timem:s7], [sflag:s22] =	dma.local [hbm:s5], s20  }
0x9e: {  	_ =	swait.ge [sflag:s22], s20  }
0x9f: {  	s4 =	ssub.s32 $0x0, s20;
	[sflag:s22] =	ssyncset.done $0x0  }
0xa0: {  	[sflag:s22] =	ssyncadd.s32 s4;
	_ =	sdelay $0x1  }
0xa1: {  	s23 =	simm.s32 $0x1B8B  }
0xa2: {  	_ =	swait.ge [sflag:s23], $0x1  }
0xa3: {  	[sflag:s23] =	ssyncset.done $0x0  }
0xa4: {  	s25 =	simm.s32 $0x1B8E;
	s24 =	sld [smem:$0x3FFE];
	[sflag:s23] =	ssyncadd.s32 $0xFFFFFFFF  }
0xa5: {  	s26 =	simm.s32 $execute0_lowered;
	[smem:$0x3FD2] =	sst s25  }
0xa6: {  	s5 =	sshll.u32 s26, $0x1;
	_ =	strace $0x80000046;
	[dreg:$0x1] =	wrdreg $0xFFFFFFFF  }
0xa7: {  	s28 =	simm.s32 $_size_execute0_lowered;
	s3 =	sadd.s32 s3, s5;
	[dreg:$0x0] =	wrdreg $0x0  }
0xa8: {  	s5 =	sshll.u32 s28, $0x1;
	[dreg:$0x2] =	wrdreg s3  }
0xa9: {  	[dreg:$0x3] =	wrdreg s5  }
0xaa: {  	[dreg:$0x4] =	wrdreg $0xC0  }
0xab: {  	_ =	task [dreg:s7], $0x5FFFF  }
0xac: {  	[dreg:$0x1] =	wrdreg $0xFFFFFFFF  }
0xad: {  	[dreg:$0x0] =	wrdreg $0x60  }
0xae: {  	[dreg:$0x2] =	wrdreg s24  }
0xaf: {  	[dreg:$0x3] =	wrdreg s2  }
0xb0: {  	[dreg:$0x4] =	wrdreg $0xD3400  }
0xb1: {  	[dreg:$0x5] =	wrdreg $0x9  }
0xb2: {  	_ =	task.clear_ibuf [dreg:s7], $0x6FFFF;
	_ =	strace $0x90000046  }
0xb3: {  	s29 =	simm.s32 $0x9;
	_ =	strace $0x80000048  }
0xb4: {  	_ =	swait.ge [sflag:s29], $0x1  }
0xb5: {  	[sflag:s29] =	ssyncadd.s32 $0xFFFFFFFF  }
0xb6: {  	_ =	strace $0x90000048  }
0xb7: {  	_ =	sfence  }
0xb8: {  	s30 =	sld [smem:$0x0];
	_ =	sdelay $0x2  }
0xb9: {  	s31 =	sshll.u32 s1, $0xD;
	s1 =	sshrl.u32 s1, $0x2  }
0xba: {  	s3 =	sand.u32 $0x4000, s31;
	s1 =	sadd.s32 s1, s30  }
0xbb: {  	s0 =	sor.u32 s3, s0;
	s1 =	sshll.u32 s1, $0x11  }
0xbc: {  	s0 =	sor.u32 s1, s0  }
0xbd: {  	s0 =	sadd.s32 $0x8F2B, s0  }
0xbe: {  	[sflag:s0] =	ssyncadd.remote.s32 $0x1  }
0xbf: {  	_ =	sfence.sel $0xFFFF  }
0xc0: {  	[dreg:$0x0] =	wrdreg $0xFFFFFFFF;
	(pc) =	sbr.abs _section_cstart, $3  }
0xc1: {  	[dreg:$0x1] =	wrdreg $0xFFFFFFFF  }
0xc2: {  	_ =	task.clear_ibuf [dreg:s7], $0x2FFFF;
	_ =	strace $0x9FFFFFFF  }
0xc3: {  	(tm) =	ssettm $0x7FFFFFFF  }
tec
execute0_lowered:
.L_overlay_start_1:
0x0: {  	(tag) =	ssettag $0x1  }
0x1: {  	s0 =	rddreg [dreg:$0x0]  }
0x2: {  	s3 =	rddreg [dreg:$0x2];
	s4 =	simm.s32 $0x0;
	s12 =	stileid.u32  }
0x3: {  	s1 =	srdreg.scid;
	s29 =	simm.s32 $0x2;
	s30 =	simm.s32 $0x4300  }
0x4: {  	s31 =	simm.s32 $0x6300;
	s16 =	simm.s32 $0x8300;
	s28 =	simm.s32 $0x6  }
0x5: {  	[smem:$0x7FF] =	sst s4;
	s2 =	smul.u32 $0xC580, s12;
	s1 =	sand.u32 $0x1, s1  }
0x6: {  	s5 =	sadd.s32 $0x15000, s0;
	s6 =	sadd.s32 $0x1400, s0;
	s7 =	sadd.s32 $0x2DC00, s0  }
0x7: {  	s8 =	sadd.s32 $0x28C00, s0;
	s10 =	sshll.u32 s12, $0x1;
	s26 =	sshll.u32 s12, $0x6  }
0x8: {  	_ =	strace $0x80000047;
	s9 =	smul.u32 $0xC5800, s1;
	s10 =	sor.u32 s1, s10  }
0x9: {  	s1 =	ssub.s32 $0x2, s1;
	s15 =	sor.u32 $0x1C07, s26;
	s26 =	simm.s32 $0x5  }
0xa: {  	s11 =	sshrl.u32 s2, $0x3;
	s10 =	smul.u32 $0x1400, s10;
	s19 =	sshrl.u32 s1, $0x1  }
0xb: {  	v0 =	vimm.s32 $0xFEDCBA98;
	[dreg:$0xb] =	wrdreg s15;
	s9 =	sadd.s32 s2, s9;
	s11 =	sadd.s32 s11, s0  }
0xc: {  	v1 =	vimm.s32 $0x76543210;
	v2 =	vimm.s32 $0xBA98FEDC;
	v3 =	vimm.s32 $0x32107654;
	s1 =	ssub.s32 s1, s19;
	s2 =	sadd.s32 s2, s3;
	s19 =	simm.s32 $0x7  }
0xd: {  	v4 =	vimm.s32 $0xDCFE98BA;
	v5 =	vimm.s32 $0x54761032;
	s9 =	sshrl.u32 s9, $0x3;
	s20 =	sshrl.u32 s10, $0x3;
	s11 =	sadd.s32 $0x32C00, s11  }
0xe: {  	v6 =	vimm.s32 $0xEFCDAB89;
	v7 =	vimm.s32 $0x67452301;
	s14 =	sor.u32 $0x180, s10;
	s17 =	sor.u32 $0x100, s10;
	s25 =	smax.u32 s1, $0x1  }
0xf: {  	v0 =	vunpack.c.l.s4.s8 v0;
	v1 =	vunpack.c.l.s4.s8 v1;
	v2 =	vunpack.c.l.s4.s8 v2;
	s18 =	sshrl.u32 s2, $0x3;
	s2 =	simm.s32 $0x4;
	[dreg:$0x4] =	wrdreg s11  }
0x10: {  	v3 =	vunpack.c.l.s4.s8 v3;
	v4 =	vunpack.c.l.s4.s8 v4;
	v5 =	vunpack.c.l.s4.s8 v5;
	s1 =	simm.s32 $0x200;
	s10 =	simm.s32 $0xAB00;
	[dreg:$0xa] =	wrdreg s25  }
0x11: {  	v6 =	vunpack.c.l.s4.s8 v6;
	v7 =	vunpack.c.l.s4.s8 v7;
	v0 =	vunpack.c.0.s8.s32 v0;
	s0 =	sadd.s32 s9, s0;
	s21 =	sadd.s32 s7, s20;
	[dreg:$0xc] =	wrdreg s18  }
0x12: {  	v2 =	vunpack.c.0.s8.s32 v2;
	v3 =	vunpack.c.0.s8.s32 v3;
	v4 =	vunpack.c.0.s8.s32 v4;
	s22 =	sor.u32 $0x10, s20;
	s9 =	sadd.s32 s8, s20;
	[dreg:$0x5] =	wrdreg s21  }
.Ltmp0:
0x13: {  	v5 =	vunpack.c.0.s8.s32 v5;
	v6 =	vunpack.c.0.s8.s32 v6;
	v7 =	vunpack.c.0.s8.s32 v7;
	[dreg:$0x6] =	wrdreg s9;
	s23 =	sadd.s32 s7, s22;
	(pc) =	sbr.rel .LBB2_1-.Ltmp0, $4  }
0x14: {  	v1 =	vunpack.c.0.s8.s32 v1;
	v2 =	vcombine.low v3, v2;
	s25 =	simm.s32 $0x1;
	s24 =	sadd.s32 s8, s22;
	[dreg:$0x7] =	wrdreg s23  }
0x15: {  	v3 =	vcombine.low v5, v4;
	v4 =	vcombine.low v7, v6;
	v0 =	vand.u32 $0xF, v0;
	s11 =	simm.s32 $0x0;
	s0 =	sadd.s32 $0x4B800, s0;
	[dreg:$0x8] =	wrdreg s24  }
0x16: {  	v0 =	vcombine.low v0, v1;
	s22 =	simm.s32 $0x80;
	s9 =	simm.s32 $0x280;
	[dreg:$0x9] =	wrdreg s0  }
0x17: {  	v1 =	vand.u32 $0xF, v2;
	v2 =	vand.u32 $0xF, v3;
	v3 =	vand.u32 $0xF, v4;
	s23 =	simm.s32 $0x100;
	s24 =	simm.s32 $0x180;
	s0 =	simm.s32 $0x3  }
.LBB2_8:
0x18: {  	[bflag:$0x0] =	sbarrier.arrive $0xFFFF  }
0x19: {  	s12 =	rddreg [dreg:$0x9]  }
0x1a: {  	s15 =	rddreg [dreg:$0xb]  }
0x1b: {  	s18 =	rddreg [dreg:$0xc]  }
0x1c: {  	[hbm:s12], [sflag:s15] =	dma.local [spmem:s18], $0x18B0  }
0x1d: {  	_ =	swait.ge [sflag:s19], $0x18B0  }
0x1e: {  	s11 =	sadd.s32 $0x1, s11;
	s21 =	rddreg [dreg:$0xa]  }
0x1f: {  	p0 =	sne.s32 s11, s21  }
.Ltmp1:
0x20: {  	_ = 	snop;
	(pc) =	sbr.rel @!p0 .LBB2_9-.Ltmp1, $3  }
0x21: {  	_ =	sdelay $0x1  }
0x22: {  	[sflag:s19] =	ssyncset.done $0x0  }
0x23: {  	[sflag:s19] =	ssyncadd.s32 $0xFFFFE750  }
.LBB2_1:
0x24: {  	s12 =	rddreg [dreg:$0x1];
	s13 =	simm.s32 $0xD300  }
0x25: {  	[tilespmem:s13], [sflag:$0x7] =	stream.linear.gather [hbm4b:s12+s4], $0x40, $0x38;
	[tilespmem:$0x198C0] =	vst v63  }
0x26: {  	_ =	swait.ge [sflag:s19], $0x40  }
0x27: {  	[sflag:s19] =	ssyncset.done $0x0  }
0x28: {  	s20 =	rddreg [dreg:$0x4];
	[sflag:s19] =	ssyncadd.s32 $0xFFFFFFC0  }
0x29: {  	[spmem:s18], [sflag:s15] =	dma.local [hbm:s20], $0x18B0  }
0x2a: {  	_ =	swait.ge [sflag:s19], $0x18B0  }
0x2b: {  	[sflag:s19] =	ssyncset.done $0x0  }
0x2c: {  	[sflag:s19] =	ssyncadd.s32 $0xFFFFE750  }
0x2d: {  	[bflag:$0x0] =	sbarrier.arrive $0xFFFF  }
0x2e: {  	s21 =	rddreg [dreg:$0x5]  }
0x2f: {  	[tilespmem:s4], [sflag:$0x1] =	stream.linear.gather [hbm4b:s21+s4], $0x80, $0x38;
	[tilespmem:$0x198C0] =	vst v63  }
0x30: {  	s13 =	rddreg [dreg:$0x6]  }
0x31: {  	[tilespmem:s22], [sflag:$0x1] =	stream.linear.gather [hbm4b:s13+s4], $0x80, $0x38;
	[tilespmem:$0x198C0] =	vst v63  }
0x32: {  	s15 =	rddreg [dreg:$0x7]  }
0x33: {  	[tilespmem:s23], [sflag:$0x2] =	stream.linear.gather [hbm4b:s15+s4], $0x80, $0x38;
	[tilespmem:$0x198C0] =	vst v63  }
0x34: {  	s18 =	rddreg [dreg:$0x8]  }
0x35: {  	[tilespmem:s24], [sflag:$0x2] =	stream.linear.gather [hbm4b:s18+s4], $0x80, $0x38;
	[tilespmem:$0x198C0] =	vst v63  }
0x36: {  	_ =	swait.ge [sflag:s25], $0x80  }
0x37: {  	[sflag:s25] =	ssyncset.done $0x0  }
0x38: {  	[sflag:s25] =	ssyncadd.s32 $0xFFFFFF80  }
0x39: {  	_ =	swait.ge [sflag:s25], $0x80  }
0x3a: {  	[sflag:s25] =	ssyncset.done $0x0  }
0x3b: {  	s20 =	simm.s32 $0x300;
	[sflag:s25] =	ssyncadd.s32 $0xFFFFFF80  }
0x3c: {  	[tilespmem:s20], [sflag:$0x3] =	stream.indirect.gather [hbm4b:s5+s22], $0x40, s4, s22, $0xb8;
	[tilespmem:$0x198C0] =	vst v63  }
0x3d: {  	s12 =	simm.s32 $0x0;
	s21 =	simm.s32 $0x2300  }
0x3e: {  	[tilespmem:s21], [sflag:$0x4] =	stream.indirect.gather [hbm4b:s6+s22], $0x40, s22, s22, $0xb8;
	[tilespmem:$0x198C0] =	vst v63  }
.LBB2_2:
0x3f: {  	_ =	swait.ge [sflag:s29], $0x80  }
0x40: {  	[sflag:s29] =	ssyncset.done $0x0  }
0x41: {  	[sflag:s29] =	ssyncadd.s32 $0xFFFFFF80  }
0x42: {  	_ =	swait.ge [sflag:s29], $0x80  }
0x43: {  	[sflag:s29] =	ssyncset.done $0x0  }
0x44: {  	[sflag:s29] =	ssyncadd.s32 $0xFFFFFF80  }
0x45: {  	[tilespmem:s30], [sflag:$0x5] =	stream.indirect.gather [hbm4b:s5+s22], $0x40, s23, s22, $0xb8;
	[tilespmem:$0x198C0] =	vst v63  }
0x46: {  	_ = 	snop  }
0x47: {  	[tilespmem:s31], [sflag:$0x6] =	stream.indirect.gather [hbm4b:s6+s22], $0x40, s24, s22, $0xb8;
	[tilespmem:$0x198C0] =	vst v63  }
0x48: {  	_ =	swait.ge [sflag:s0], $0x2000  }
0x49: {  	[sflag:s0] =	ssyncset.done $0x0  }
0x4a: {  	[sflag:s0] =	ssyncadd.s32 $0xFFFFE000  }
0x4b: {  	_ =	swait.ge [sflag:s2], $0x2000  }
0x4c: {  	[sflag:s2] =	ssyncset.done $0x0  }
0x4d: {  	[sflag:s2] =	ssyncadd.s32 $0xFFFFE000  }
0x4e: {  	v4 =	vld [tilespmem:$0x80]  }
0x4f: {  	v5 =	vld [tilespmem:$0x90]  }
0x50: {  	v6 =	vld [tilespmem:$0xA0]  }
0x51: {  	v7 =	vld [tilespmem:$0xB0]  }
0x52: {  	v8 =	vld [tilespmem:$0xC0]  }
0x53: {  	v9 =	vld [tilespmem:$0xD0];
	[tilespmem:$0x200] =	vst v4  }
0x54: {  	v10 =	vld [tilespmem:$0xE0];
	[tilespmem:$0x210] =	vst v5  }
0x55: {  	v11 =	vld [tilespmem:$0xF0];
	[tilespmem:$0x220] =	vst v6  }
0x56: {  	[tilespmem:$0x230] =	vst v7  }
0x57: {  	[tilespmem:$0x240] =	vst v8;
	v4 =	vld [tilespmem:$0xD300]  }
0x58: {  	[tilespmem:$0x250] =	vst v9;
	v5 =	vld [tilespmem:$0xD310]  }
0x59: {  	s13 =	simm.s32 $0xFFFFFFFC;
	[tilespmem:$0x260] =	vst v10;
	v6 =	vld [tilespmem:$0xD320]  }
0x5a: {  	s15 =	simm.s32 $0x2380;
	s18 =	simm.s32 $0x380;
	s20 =	simm.s32 $0x83A0;
	[tilespmem:$0x270] =	vst v11;
	v7 =	vld [tilespmem:$0xD330]  }
.LBB2_3:
0x5b: {  	v8 =	vld [tilespmem:s18+$0xFFFFFF80]  }
0x5c: {  	v9 =	vld [tilespmem:s15+$0xFFFFFF80]  }
0x5d: {  	v10 =	vld [tilespmem:s18+$0xFFFFFF90]  }
0x5e: {  	v11 =	vld [tilespmem:s15+$0xFFFFFF90]  }
0x5f: {  	v12 =	vld [tilespmem:s18+$0xFFFFFFA0]  }
0x60: {  	v13 =	vld [tilespmem:s15+$0xFFFFFFA0]  }
0x61: {  	v14 =	vld [tilespmem:s18+$0xFFFFFFB0];
	v9 =	vadd.f32 v9, v8  }
0x62: {  	v15 =	vld [tilespmem:s15+$0xFFFFFFB0]  }
0x63: {  	v10 =	vadd.f32 v11, v10;
	v62 =	vmul.f32 $2.000000030e-01, v9;
	_ =	sdelay $0x1  }
0x64: {  	v12 =	vadd.f32 v13, v12;
	v63 =	vmul.f32 $2.000000030e-01, v10;
	v9 =	vmax.f32 v9, v62  }
0x65: {  	v9 =	vmul.f32 v9, v4  }
0x66: {  	v17 =	vadd.f32 v15, v14;
	v16 =	vmul.f32 $2.000000030e-01, v12;
	v10 =	vmax.f32 v10, v63  }
0x67: {  	v10 =	vmul.f32 v10, v5;
	v9 =	vadd.f32 $0.0e+00, v9  }
0x68: {  	v18 =	vmul.f32 $2.000000030e-01, v17;
	v11 =	vmax.f32 v12, v16  }
0x69: {  	v19 =	vmul.f32 v11, v6;
	v9 =	vadd.f32 v10, v9  }
0x6a: {  	v20 =	vmax.f32 v17, v18  }
0x6b: {  	v21 =	vmul.f32 v20, v7;
	v9 =	vadd.f32 v19, v9;
	_ =	sdelay $0x1  }
0x6c: {  	v9 =	vadd.f32 v21, v9;
	_ =	sdelay $0x1  }
0x6d: {  	v10 =	vperm.xlane v9, v0;
	_ =	sdelay $0x1  }
0x6e: {  	v9 =	vadd.f32 v9, v10;
	_ =	sdelay $0x1  }
0x6f: {  	v10 =	vperm.xlane v9, v1;
	_ =	sdelay $0x1  }
0x70: {  	v9 =	vadd.f32 v9, v10;
	_ =	sdelay $0x1  }
0x71: {  	v10 =	vperm.xlane v9, v2;
	_ =	sdelay $0x1  }
0x72: {  	v9 =	vadd.f32 v9, v10;
	_ =	sdelay $0x1  }
0x73: {  	v10 =	vperm.xlane v9, v3;
	_ =	sdelay $0x1  }
0x74: {  	v9 =	vadd.f32 v9, v10;
	_ =	sdelay $0x1  }
0x75: {  	v9 =	vmin.f32 v9, $6.000000000e+01  }
0x76: {  	v9 =	vmul.f32 $1.442695020e+00, v9;
	_ =	sdelay $0x1  }
0x77: {  	(erf) = vpow2.f32 v9;
	_ =	sdelay $0x8  }
0x78: {  	v9 =	vpop (erf)  }
0x79: {  	v8 =	vmul.f32 v9, v8;
	_ =	sdelay $0x1  }
0x7a: {  	[tilespmem:s20+$0xFFFFFF60] =	vst v8  }
0x7b: {  	v8 =	vld [tilespmem:s18+$0xFFFFFF90];
	_ =	sdelay $0x4  }
0x7c: {  	v8 =	vmul.f32 v9, v8;
	_ =	sdelay $0x1  }
0x7d: {  	[tilespmem:s20+$0xFFFFFF70] =	vst v8  }
0x7e: {  	v8 =	vld [tilespmem:s18+$0xFFFFFFA0];
	_ =	sdelay $0x4  }
0x7f: {  	v8 =	vmul.f32 v9, v8;
	_ =	sdelay $0x1  }
0x80: {  	[tilespmem:s20+$0xFFFFFF80] =	vst v8  }
0x81: {  	v8 =	vld [tilespmem:s18+$0xFFFFFFB0];
	_ =	sdelay $0x4  }
0x82: {  	v8 =	vmul.f32 v9, v8  }
0x83: {  	[tilespmem:s20+$0xFFFFFFA0] =	vst v9  }
0x84: {  	[tilespmem:s20+$0xFFFFFF90] =	vst v8  }
0x85: {  	v8 =	vld [tilespmem:s18+$0xFFFFFFC0]  }
0x86: {  	v9 =	vld [tilespmem:s15+$0xFFFFFFC0]  }
0x87: {  	v22 =	vld [tilespmem:s18+$0xFFFFFFD0]  }
0x88: {  	v23 =	vld [tilespmem:s15+$0xFFFFFFD0]  }
0x89: {  	v24 =	vld [tilespmem:s18+$0xFFFFFFE0]  }
0x8a: {  	v25 =	vld [tilespmem:s15+$0xFFFFFFE0]  }
0x8b: {  	v26 =	vld [tilespmem:s18+$0xFFFFFFF0];
	v9 =	vadd.f32 v9, v8  }
0x8c: {  	v27 =	vld [tilespmem:s15+$0xFFFFFFF0]  }
0x8d: {  	v10 =	vadd.f32 v23, v22;
	v28 =	vmul.f32 $2.000000030e-01, v9;
	_ =	sdelay $0x1  }
0x8e: {  	v12 =	vadd.f32 v25, v24;
	v29 =	vmul.f32 $2.000000030e-01, v10;
	v9 =	vmax.f32 v9, v28  }
0x8f: {  	v9 =	vmul.f32 v9, v4  }
0x90: {  	v31 =	vadd.f32 v27, v26;
	v30 =	vmul.f32 $2.000000030e-01, v12;
	v10 =	vmax.f32 v10, v29  }
0x91: {  	v10 =	vmul.f32 v10, v5;
	v9 =	vadd.f32 $0.0e+00, v9  }
0x92: {  	v32 =	vmul.f32 $2.000000030e-01, v31;
	v11 =	vmax.f32 v12, v30  }
0x93: {  	v33 =	vmul.f32 v11, v6;
	v9 =	vadd.f32 v10, v9  }
0x94: {  	v34 =	vmax.f32 v31, v32  }
0x95: {  	v35 =	vmul.f32 v34, v7;
	v9 =	vadd.f32 v33, v9;
	_ =	sdelay $0x1  }
0x96: {  	v9 =	vadd.f32 v35, v9;
	_ =	sdelay $0x1  }
0x97: {  	v10 =	vperm.xlane v9, v0;
	_ =	sdelay $0x1  }
0x98: {  	v9 =	vadd.f32 v9, v10;
	_ =	sdelay $0x1  }
0x99: {  	v10 =	vperm.xlane v9, v1;
	_ =	sdelay $0x1  }
0x9a: {  	v9 =	vadd.f32 v9, v10;
	_ =	sdelay $0x1  }
0x9b: {  	v10 =	vperm.xlane v9, v2;
	_ =	sdelay $0x1  }
0x9c: {  	v9 =	vadd.f32 v9, v10;
	_ =	sdelay $0x1  }
0x9d: {  	v10 =	vperm.xlane v9, v3;
	_ =	sdelay $0x1  }
0x9e: {  	v9 =	vadd.f32 v9, v10;
	_ =	sdelay $0x1  }
0x9f: {  	v9 =	vmin.f32 v9, $6.000000000e+01  }
0xa0: {  	v9 =	vmul.f32 $1.442695020e+00, v9;
	_ =	sdelay $0x1  }
0xa1: {  	(erf) = vpow2.f32 v9;
	_ =	sdelay $0x8  }
0xa2: {  	v9 =	vpop (erf)  }
0xa3: {  	v8 =	vmul.f32 v9, v8;
	_ =	sdelay $0x1  }
0xa4: {  	[tilespmem:s20+$0xFFFFFFB0] =	vst v8  }
0xa5: {  	v8 =	vld [tilespmem:s18+$0xFFFFFFD0];
	_ =	sdelay $0x4  }
0xa6: {  	v8 =	vmul.f32 v9, v8;
	_ =	sdelay $0x1  }
0xa7: {  	[tilespmem:s20+$0xFFFFFFC0] =	vst v8  }
0xa8: {  	v8 =	vld [tilespmem:s18+$0xFFFFFFE0];
	_ =	sdelay $0x4  }
0xa9: {  	v8 =	vmul.f32 v9, v8;
	_ =	sdelay $0x1  }
0xaa: {  	[tilespmem:s20+$0xFFFFFFD0] =	vst v8  }
0xab: {  	v8 =	vld [tilespmem:s18+$0xFFFFFFF0];
	_ =	sdelay $0x4  }
0xac: {  	v8 =	vmul.f32 v9, v8  }
0xad: {  	[tilespmem:s20+$0xFFFFFFF0] =	vst v9  }
0xae: {  	[tilespmem:s20+$0xFFFFFFE0] =	vst v8  }
0xaf: {  	v8 =	vld [tilespmem:s18+$0x0]  }
0xb0: {  	v9 =	vld [tilespmem:s15+$0x0]  }
0xb1: {  	v36 =	vld [tilespmem:s18+$0x10]  }
0xb2: {  	v37 =	vld [tilespmem:s15+$0x10]  }
0xb3: {  	v38 =	vld [tilespmem:s18+$0x20]  }
0xb4: {  	v39 =	vld [tilespmem:s15+$0x20]  }
0xb5: {  	v40 =	vld [tilespmem:s18+$0x30];
	v9 =	vadd.f32 v9, v8  }
0xb6: {  	v41 =	vld [tilespmem:s15+$0x30]  }
0xb7: {  	v10 =	vadd.f32 v37, v36;
	v42 =	vmul.f32 $2.000000030e-01, v9;
	_ =	sdelay $0x1  }
0xb8: {  	v12 =	vadd.f32 v39, v38;
	v43 =	vmul.f32 $2.000000030e-01, v10;
	v9 =	vmax.f32 v9, v42  }
0xb9: {  	v9 =	vmul.f32 v9, v4  }
0xba: {  	v45 =	vadd.f32 v41, v40;
	v44 =	vmul.f32 $2.000000030e-01, v12;
	v10 =	vmax.f32 v10, v43  }
0xbb: {  	v10 =	vmul.f32 v10, v5;
	v9 =	vadd.f32 $0.0e+00, v9  }
0xbc: {  	v46 =	vmul.f32 $2.000000030e-01, v45;
	v11 =	vmax.f32 v12, v44  }
0xbd: {  	v47 =	vmul.f32 v11, v6;
	v9 =	vadd.f32 v10, v9  }
0xbe: {  	v48 =	vmax.f32 v45, v46  }
0xbf: {  	v49 =	vmul.f32 v48, v7;
	v9 =	vadd.f32 v47, v9;
	_ =	sdelay $0x1  }
0xc0: {  	v9 =	vadd.f32 v49, v9;
	_ =	sdelay $0x1  }
0xc1: {  	v10 =	vperm.xlane v9, v0;
	_ =	sdelay $0x1  }
0xc2: {  	v9 =	vadd.f32 v9, v10;
	_ =	sdelay $0x1  }
0xc3: {  	v10 =	vperm.xlane v9, v1;
	_ =	sdelay $0x1  }
0xc4: {  	v9 =	vadd.f32 v9, v10;
	_ =	sdelay $0x1  }
0xc5: {  	v10 =	vperm.xlane v9, v2;
	_ =	sdelay $0x1  }
0xc6: {  	v9 =	vadd.f32 v9, v10;
	_ =	sdelay $0x1  }
0xc7: {  	v10 =	vperm.xlane v9, v3;
	_ =	sdelay $0x1  }
0xc8: {  	v9 =	vadd.f32 v9, v10;
	_ =	sdelay $0x1  }
0xc9: {  	v9 =	vmin.f32 v9, $6.000000000e+01  }
0xca: {  	v9 =	vmul.f32 $1.442695020e+00, v9;
	_ =	sdelay $0x1  }
0xcb: {  	(erf) = vpow2.f32 v9;
	_ =	sdelay $0x8  }
0xcc: {  	v9 =	vpop (erf)  }
0xcd: {  	v8 =	vmul.f32 v9, v8;
	_ =	sdelay $0x1  }
0xce: {  	[tilespmem:s20+$0x0] =	vst v8  }
0xcf: {  	v8 =	vld [tilespmem:s18+$0x10];
	_ =	sdelay $0x4  }
0xd0: {  	v8 =	vmul.f32 v9, v8;
	_ =	sdelay $0x1  }
0xd1: {  	[tilespmem:s20+$0x10] =	vst v8  }
0xd2: {  	v8 =	vld [tilespmem:s18+$0x20];
	_ =	sdelay $0x4  }
0xd3: {  	v8 =	vmul.f32 v9, v8;
	_ =	sdelay $0x1  }
0xd4: {  	[tilespmem:s20+$0x20] =	vst v8  }
0xd5: {  	v8 =	vld [tilespmem:s18+$0x30];
	_ =	sdelay $0x4  }
0xd6: {  	v8 =	vmul.f32 v9, v8  }
0xd7: {  	[tilespmem:s20+$0x40] =	vst v9  }
0xd8: {  	[tilespmem:s20+$0x30] =	vst v8  }
0xd9: {  	v8 =	vld [tilespmem:s18+$0x40]  }
0xda: {  	v9 =	vld [tilespmem:s15+$0x40]  }
0xdb: {  	v50 =	vld [tilespmem:s18+$0x50]  }
0xdc: {  	v51 =	vld [tilespmem:s15+$0x50]  }
0xdd: {  	v52 =	vld [tilespmem:s18+$0x60]  }
0xde: {  	v53 =	vld [tilespmem:s15+$0x60]  }
0xdf: {  	v54 =	vld [tilespmem:s18+$0x70];
	v9 =	vadd.f32 v9, v8  }
0xe0: {  	v55 =	vld [tilespmem:s15+$0x70]  }
0xe1: {  	v10 =	vadd.f32 v51, v50;
	v56 =	vmul.f32 $2.000000030e-01, v9;
	_ =	sdelay $0x1  }
0xe2: {  	v57 =	vadd.f32 v53, v52;
	v58 =	vmul.f32 $2.000000030e-01, v10;
	v9 =	vmax.f32 v9, v56  }
0xe3: {  	v9 =	vmul.f32 v9, v4  }
0xe4: {  	v59 =	vadd.f32 v55, v54;
	v13 =	vmul.f32 $2.000000030e-01, v57;
	v10 =	vmax.f32 v10, v58  }
0xe5: {  	v10 =	vmul.f32 v10, v5;
	v9 =	vadd.f32 $0.0e+00, v9  }
0xe6: {  	v60 =	vmul.f32 $2.000000030e-01, v59;
	v11 =	vmax.f32 v57, v13  }
0xe7: {  	v61 =	vmul.f32 v11, v6;
	v9 =	vadd.f32 v10, v9  }
0xe8: {  	v62 =	vmax.f32 v59, v60  }
0xe9: {  	v63 =	vmul.f32 v62, v7;
	v9 =	vadd.f32 v61, v9;
	_ =	sdelay $0x1  }
0xea: {  	v9 =	vadd.f32 v63, v9;
	_ =	sdelay $0x1  }
0xeb: {  	v10 =	vperm.xlane v9, v0;
	_ =	sdelay $0x1  }
0xec: {  	v9 =	vadd.f32 v9, v10;
	_ =	sdelay $0x1  }
0xed: {  	v10 =	vperm.xlane v9, v1;
	_ =	sdelay $0x1  }
0xee: {  	v9 =	vadd.f32 v9, v10;
	_ =	sdelay $0x1  }
0xef: {  	v10 =	vperm.xlane v9, v2;
	_ =	sdelay $0x1  }
0xf0: {  	v9 =	vadd.f32 v9, v10;
	_ =	sdelay $0x1  }
0xf1: {  	v10 =	vperm.xlane v9, v3;
	_ =	sdelay $0x1  }
0xf2: {  	v9 =	vadd.f32 v9, v10;
	_ =	sdelay $0x1  }
0xf3: {  	v9 =	vmin.f32 v9, $6.000000000e+01  }
0xf4: {  	v9 =	vmul.f32 $1.442695020e+00, v9;
	_ =	sdelay $0x1  }
0xf5: {  	(erf) = vpow2.f32 v9;
	_ =	sdelay $0x8  }
0xf6: {  	v9 =	vpop (erf)  }
0xf7: {  	v8 =	vmul.f32 v9, v8;
	_ =	sdelay $0x1  }
0xf8: {  	[tilespmem:s20+$0x50] =	vst v8  }
0xf9: {  	v8 =	vld [tilespmem:s18+$0x50];
	_ =	sdelay $0x4  }
0xfa: {  	v8 =	vmul.f32 v9, v8;
	_ =	sdelay $0x1  }
0xfb: {  	[tilespmem:s20+$0x60] =	vst v8  }
0xfc: {  	v8 =	vld [tilespmem:s18+$0x60];
	_ =	sdelay $0x4  }
0xfd: {  	v8 =	vmul.f32 v9, v8;
	_ =	sdelay $0x1  }
0xfe: {  	[tilespmem:s20+$0x70] =	vst v8  }
0xff: {  	v8 =	vld [tilespmem:s18+$0x70]  }
0x100: {  	s13 =	sadd.s32 $0x4, s13  }
0x101: {  	p0 =	slt.u32 s13, $0x7C  }
.Ltmp2:
0x102: {  	_ = 	snop;
	(pc) =	sbr.rel @p0 .LBB2_3-.Ltmp2, $4  }
0x103: {  	_ = 	snop  }
0x104: {  	v8 =	vmul.f32 v9, v8  }
0x105: {  	[tilespmem:s20+$0x90] =	vst v9  }
0x106: {  	s15 =	sadd.s32 $0x100, s15;
	s18 =	sadd.s32 $0x100, s18;
	[tilespmem:s20+$0x80] =	vst v8;
	s20 =	sadd.s32 $0x140, s20  }
0x107: {  	[spmem:s3] =	stream.indirect.scatter.add.f32 [tilespmem:s16], [sflag:$0x7], $0x50, s1, s22, $0xb8;
	[tilespmem:$0x198C0] =	vst v63  }
0x108: {  	s13 =	sshll.u32 s12, $0x8;
	p0 =	seq.s32 s12, $0x13  }
0x109: {  	_ =	swait.ge [sflag:s19], $0x2800;
	s15 =	sadd.s32 @!p0 s13, s17  }
0x10a: {  	[sflag:s19] =	ssyncset.done $0x0;
	s15 =	sshrl.u32 @!p0 s15, $0x3  }
0x10b: {  	s20 =	simm.s32 @!p0 $0x0;
	[sflag:s19] =	ssyncadd.s32 $0xFFFFD800;
	s18 =	sadd.s32 @!p0 s7, s15  }
0x10c: {  	[tilespmem:s20], [sflag:$0x1] =	stream.linear.gather @!p0 [hbm4b:s18+s20], $0x80, $0x38;
	[tilespmem:$0x198C0] =	vst v63  }
0x10d: {  	s15 =	sadd.s32 @!p0 s8, s15;
	s18 =	simm.s32 @!p0 $0x80  }
0x10e: {  	[tilespmem:s18], [sflag:$0x1] =	stream.linear.gather @!p0 [hbm4b:s15+s20], $0x80, $0x38;
	[tilespmem:$0x198C0] =	vst v63  }
0x10f: {  	s15 =	simm.s32 @!p0 $0x1  }
0x110: {  	_ =	swait.ge @!p0 [sflag:s15], $0x80  }
0x111: {  	[sflag:s15] =	ssyncset.done @!p0 $0x0  }
0x112: {  	[sflag:s15] =	ssyncadd.s32 @!p0 $0xFFFFFF80  }
0x113: {  	_ =	swait.ge @!p0 [sflag:s15], $0x80  }
0x114: {  	[sflag:s15] =	ssyncset.done @!p0 $0x0  }
0x115: {  	[sflag:s15] =	ssyncadd.s32 @!p0 $0xFFFFFF80;
	s15 =	simm.s32 @!p0 $0x300  }
0x116: {  	[tilespmem:s15], [sflag:$0x3] =	stream.indirect.gather @!p0 [hbm4b:s5+s18], $0x40, s20, s18, $0xb8;
	[tilespmem:$0x198C0] =	vst v63  }
0x117: {  	s15 =	simm.s32 @!p0 $0x2300  }
0x118: {  	[tilespmem:s15], [sflag:$0x4] =	stream.indirect.gather @!p0 [hbm4b:s6+s18], $0x40, s18, s18, $0xb8;
	[tilespmem:$0x198C0] =	vst v63  }
0x119: {  	_ =	swait.ge [sflag:s26], $0x2000  }
0x11a: {  	[sflag:s26] =	ssyncset.done $0x0  }
0x11b: {  	[sflag:s26] =	ssyncadd.s32 $0xFFFFE000  }
0x11c: {  	_ =	swait.ge [sflag:s28], $0x2000  }
0x11d: {  	[sflag:s28] =	ssyncset.done $0x0  }
0x11e: {  	[sflag:s28] =	ssyncadd.s32 $0xFFFFE000  }
0x11f: {  	v4 =	vld [tilespmem:$0x180]  }
0x120: {  	v5 =	vld [tilespmem:$0x190]  }
0x121: {  	v6 =	vld [tilespmem:$0x1A0]  }
0x122: {  	v7 =	vld [tilespmem:$0x1B0]  }
0x123: {  	v8 =	vld [tilespmem:$0x1C0]  }
0x124: {  	v9 =	vld [tilespmem:$0x1D0];
	[tilespmem:$0x280] =	vst v4  }
0x125: {  	v10 =	vld [tilespmem:$0x1E0];
	[tilespmem:$0x290] =	vst v5  }
0x126: {  	v11 =	vld [tilespmem:$0x1F0];
	[tilespmem:$0x2A0] =	vst v6  }
0x127: {  	[tilespmem:$0x2B0] =	vst v7  }
0x128: {  	[tilespmem:$0x2C0] =	vst v8;
	v4 =	vld [tilespmem:$0xD300]  }
0x129: {  	[tilespmem:$0x2D0] =	vst v9;
	v5 =	vld [tilespmem:$0xD310]  }
0x12a: {  	s21 =	simm.s32 $0xABA0;
	[tilespmem:$0x2E0] =	vst v10;
	v6 =	vld [tilespmem:$0xD320]  }
0x12b: {  	s20 =	simm.s32 $0x4380;
	s15 =	simm.s32 $0xFFFFFFFC;
	s18 =	simm.s32 $0x6380;
	[tilespmem:$0x2F0] =	vst v11;
	v7 =	vld [tilespmem:$0xD330]  }
.LBB2_5:
0x12c: {  	v8 =	vld [tilespmem:s20+$0xFFFFFF80]  }
0x12d: {  	v9 =	vld [tilespmem:s18+$0xFFFFFF80]  }
0x12e: {  	v10 =	vld [tilespmem:s20+$0xFFFFFF90]  }
0x12f: {  	v11 =	vld [tilespmem:s18+$0xFFFFFF90]  }
0x130: {  	v12 =	vld [tilespmem:s20+$0xFFFFFFA0]  }
0x131: {  	v13 =	vld [tilespmem:s18+$0xFFFFFFA0]  }
0x132: {  	v14 =	vld [tilespmem:s20+$0xFFFFFFB0];
	v9 =	vadd.f32 v9, v8  }
0x133: {  	v15 =	vld [tilespmem:s18+$0xFFFFFFB0]  }
0x134: {  	v10 =	vadd.f32 v11, v10;
	v62 =	vmul.f32 $2.000000030e-01, v9;
	_ =	sdelay $0x1  }
0x135: {  	v12 =	vadd.f32 v13, v12;
	v63 =	vmul.f32 $2.000000030e-01, v10;
	v9 =	vmax.f32 v9, v62  }
0x136: {  	v9 =	vmul.f32 v9, v4  }
0x137: {  	v17 =	vadd.f32 v15, v14;
	v16 =	vmul.f32 $2.000000030e-01, v12;
	v10 =	vmax.f32 v10, v63  }
0x138: {  	v10 =	vmul.f32 v10, v5;
	v9 =	vadd.f32 $0.0e+00, v9  }
0x139: {  	v18 =	vmul.f32 $2.000000030e-01, v17;
	v11 =	vmax.f32 v12, v16  }
0x13a: {  	v19 =	vmul.f32 v11, v6;
	v9 =	vadd.f32 v10, v9  }
0x13b: {  	v20 =	vmax.f32 v17, v18  }
0x13c: {  	v21 =	vmul.f32 v20, v7;
	v9 =	vadd.f32 v19, v9;
	_ =	sdelay $0x1  }
0x13d: {  	v9 =	vadd.f32 v21, v9;
	_ =	sdelay $0x1  }
0x13e: {  	v10 =	vperm.xlane v9, v0;
	_ =	sdelay $0x1  }
0x13f: {  	v9 =	vadd.f32 v9, v10;
	_ =	sdelay $0x1  }
0x140: {  	v10 =	vperm.xlane v9, v1;
	_ =	sdelay $0x1  }
0x141: {  	v9 =	vadd.f32 v9, v10;
	_ =	sdelay $0x1  }
0x142: {  	v10 =	vperm.xlane v9, v2;
	_ =	sdelay $0x1  }
0x143: {  	v9 =	vadd.f32 v9, v10;
	_ =	sdelay $0x1  }
0x144: {  	v10 =	vperm.xlane v9, v3;
	_ =	sdelay $0x1  }
0x145: {  	v9 =	vadd.f32 v9, v10;
	_ =	sdelay $0x1  }
0x146: {  	v9 =	vmin.f32 v9, $6.000000000e+01  }
0x147: {  	v9 =	vmul.f32 $1.442695020e+00, v9;
	_ =	sdelay $0x1  }
0x148: {  	(erf) = vpow2.f32 v9;
	_ =	sdelay $0x8  }
0x149: {  	v9 =	vpop (erf)  }
0x14a: {  	v8 =	vmul.f32 v9, v8;
	_ =	sdelay $0x1  }
0x14b: {  	[tilespmem:s21+$0xFFFFFF60] =	vst v8  }
0x14c: {  	v8 =	vld [tilespmem:s20+$0xFFFFFF90];
	_ =	sdelay $0x4  }
0x14d: {  	v8 =	vmul.f32 v9, v8;
	_ =	sdelay $0x1  }
0x14e: {  	[tilespmem:s21+$0xFFFFFF70] =	vst v8  }
0x14f: {  	v8 =	vld [tilespmem:s20+$0xFFFFFFA0];
	_ =	sdelay $0x4  }
0x150: {  	v8 =	vmul.f32 v9, v8;
	_ =	sdelay $0x1  }
0x151: {  	[tilespmem:s21+$0xFFFFFF80] =	vst v8  }
0x152: {  	v8 =	vld [tilespmem:s20+$0xFFFFFFB0];
	_ =	sdelay $0x4  }
0x153: {  	v8 =	vmul.f32 v9, v8  }
0x154: {  	[tilespmem:s21+$0xFFFFFFA0] =	vst v9  }
0x155: {  	[tilespmem:s21+$0xFFFFFF90] =	vst v8  }
0x156: {  	v8 =	vld [tilespmem:s20+$0xFFFFFFC0]  }
0x157: {  	v9 =	vld [tilespmem:s18+$0xFFFFFFC0]  }
0x158: {  	v22 =	vld [tilespmem:s20+$0xFFFFFFD0]  }
0x159: {  	v23 =	vld [tilespmem:s18+$0xFFFFFFD0]  }
0x15a: {  	v24 =	vld [tilespmem:s20+$0xFFFFFFE0]  }
0x15b: {  	v25 =	vld [tilespmem:s18+$0xFFFFFFE0]  }
0x15c: {  	v26 =	vld [tilespmem:s20+$0xFFFFFFF0];
	v9 =	vadd.f32 v9, v8  }
0x15d: {  	v27 =	vld [tilespmem:s18+$0xFFFFFFF0]  }
0x15e: {  	v10 =	vadd.f32 v23, v22;
	v28 =	vmul.f32 $2.000000030e-01, v9;
	_ =	sdelay $0x1  }
0x15f: {  	v12 =	vadd.f32 v25, v24;
	v29 =	vmul.f32 $2.000000030e-01, v10;
	v9 =	vmax.f32 v9, v28  }
0x160: {  	v9 =	vmul.f32 v9, v4  }
0x161: {  	v31 =	vadd.f32 v27, v26;
	v30 =	vmul.f32 $2.000000030e-01, v12;
	v10 =	vmax.f32 v10, v29  }
0x162: {  	v10 =	vmul.f32 v10, v5;
	v9 =	vadd.f32 $0.0e+00, v9  }
0x163: {  	v32 =	vmul.f32 $2.000000030e-01, v31;
	v11 =	vmax.f32 v12, v30  }
0x164: {  	v33 =	vmul.f32 v11, v6;
	v9 =	vadd.f32 v10, v9  }
0x165: {  	v34 =	vmax.f32 v31, v32  }
0x166: {  	v35 =	vmul.f32 v34, v7;
	v9 =	vadd.f32 v33, v9;
	_ =	sdelay $0x1  }
0x167: {  	v9 =	vadd.f32 v35, v9;
	_ =	sdelay $0x1  }
0x168: {  	v10 =	vperm.xlane v9, v0;
	_ =	sdelay $0x1  }
0x169: {  	v9 =	vadd.f32 v9, v10;
	_ =	sdelay $0x1  }
0x16a: {  	v10 =	vperm.xlane v9, v1;
	_ =	sdelay $0x1  }
0x16b: {  	v9 =	vadd.f32 v9, v10;
	_ =	sdelay $0x1  }
0x16c: {  	v10 =	vperm.xlane v9, v2;
	_ =	sdelay $0x1  }
0x16d: {  	v9 =	vadd.f32 v9, v10;
	_ =	sdelay $0x1  }
0x16e: {  	v10 =	vperm.xlane v9, v3;
	_ =	sdelay $0x1  }
0x16f: {  	v9 =	vadd.f32 v9, v10;
	_ =	sdelay $0x1  }
0x170: {  	v9 =	vmin.f32 v9, $6.000000000e+01  }
0x171: {  	v9 =	vmul.f32 $1.442695020e+00, v9;
	_ =	sdelay $0x1  }
0x172: {  	(erf) = vpow2.f32 v9;
	_ =	sdelay $0x8  }
0x173: {  	v9 =	vpop (erf)  }
0x174: {  	v8 =	vmul.f32 v9, v8;
	_ =	sdelay $0x1  }
0x175: {  	[tilespmem:s21+$0xFFFFFFB0] =	vst v8  }
0x176: {  	v8 =	vld [tilespmem:s20+$0xFFFFFFD0];
	_ =	sdelay $0x4  }
0x177: {  	v8 =	vmul.f32 v9, v8;
	_ =	sdelay $0x1  }
0x178: {  	[tilespmem:s21+$0xFFFFFFC0] =	vst v8  }
0x179: {  	v8 =	vld [tilespmem:s20+$0xFFFFFFE0];
	_ =	sdelay $0x4  }
0x17a: {  	v8 =	vmul.f32 v9, v8;
	_ =	sdelay $0x1  }
0x17b: {  	[tilespmem:s21+$0xFFFFFFD0] =	vst v8  }
0x17c: {  	v8 =	vld [tilespmem:s20+$0xFFFFFFF0];
	_ =	sdelay $0x4  }
0x17d: {  	v8 =	vmul.f32 v9, v8  }
0x17e: {  	[tilespmem:s21+$0xFFFFFFF0] =	vst v9  }
0x17f: {  	[tilespmem:s21+$0xFFFFFFE0] =	vst v8  }
0x180: {  	v8 =	vld [tilespmem:s20+$0x0]  }
0x181: {  	v9 =	vld [tilespmem:s18+$0x0]  }
0x182: {  	v36 =	vld [tilespmem:s20+$0x10]  }
0x183: {  	v37 =	vld [tilespmem:s18+$0x10]  }
0x184: {  	v38 =	vld [tilespmem:s20+$0x20]  }
0x185: {  	v39 =	vld [tilespmem:s18+$0x20]  }
0x186: {  	v40 =	vld [tilespmem:s20+$0x30];
	v9 =	vadd.f32 v9, v8  }
0x187: {  	v41 =	vld [tilespmem:s18+$0x30]  }
0x188: {  	v10 =	vadd.f32 v37, v36;
	v42 =	vmul.f32 $2.000000030e-01, v9;
	_ =	sdelay $0x1  }
0x189: {  	v12 =	vadd.f32 v39, v38;
	v43 =	vmul.f32 $2.000000030e-01, v10;
	v9 =	vmax.f32 v9, v42  }
0x18a: {  	v9 =	vmul.f32 v9, v4  }
0x18b: {  	v45 =	vadd.f32 v41, v40;
	v44 =	vmul.f32 $2.000000030e-01, v12;
	v10 =	vmax.f32 v10, v43  }
0x18c: {  	v10 =	vmul.f32 v10, v5;
	v9 =	vadd.f32 $0.0e+00, v9  }
0x18d: {  	v46 =	vmul.f32 $2.000000030e-01, v45;
	v11 =	vmax.f32 v12, v44  }
0x18e: {  	v47 =	vmul.f32 v11, v6;
	v9 =	vadd.f32 v10, v9  }
0x18f: {  	v48 =	vmax.f32 v45, v46  }
0x190: {  	v49 =	vmul.f32 v48, v7;
	v9 =	vadd.f32 v47, v9;
	_ =	sdelay $0x1  }
0x191: {  	v9 =	vadd.f32 v49, v9;
	_ =	sdelay $0x1  }
0x192: {  	v10 =	vperm.xlane v9, v0;
	_ =	sdelay $0x1  }
0x193: {  	v9 =	vadd.f32 v9, v10;
	_ =	sdelay $0x1  }
0x194: {  	v10 =	vperm.xlane v9, v1;
	_ =	sdelay $0x1  }
0x195: {  	v9 =	vadd.f32 v9, v10;
	_ =	sdelay $0x1  }
0x196: {  	v10 =	vperm.xlane v9, v2;
	_ =	sdelay $0x1  }
0x197: {  	v9 =	vadd.f32 v9, v10;
	_ =	sdelay $0x1  }
0x198: {  	v10 =	vperm.xlane v9, v3;
	_ =	sdelay $0x1  }
0x199: {  	v9 =	vadd.f32 v9, v10;
	_ =	sdelay $0x1  }
0x19a: {  	v9 =	vmin.f32 v9, $6.000000000e+01  }
0x19b: {  	v9 =	vmul.f32 $1.442695020e+00, v9;
	_ =	sdelay $0x1  }
0x19c: {  	(erf) = vpow2.f32 v9;
	_ =	sdelay $0x8  }
0x19d: {  	v9 =	vpop (erf)  }
0x19e: {  	v8 =	vmul.f32 v9, v8;
	_ =	sdelay $0x1  }
0x19f: {  	[tilespmem:s21+$0x0] =	vst v8  }
0x1a0: {  	v8 =	vld [tilespmem:s20+$0x10];
	_ =	sdelay $0x4  }
0x1a1: {  	v8 =	vmul.f32 v9, v8;
	_ =	sdelay $0x1  }
0x1a2: {  	[tilespmem:s21+$0x10] =	vst v8  }
0x1a3: {  	v8 =	vld [tilespmem:s20+$0x20];
	_ =	sdelay $0x4  }
0x1a4: {  	v8 =	vmul.f32 v9, v8;
	_ =	sdelay $0x1  }
0x1a5: {  	[tilespmem:s21+$0x20] =	vst v8  }
0x1a6: {  	v8 =	vld [tilespmem:s20+$0x30];
	_ =	sdelay $0x4  }
0x1a7: {  	v8 =	vmul.f32 v9, v8  }
0x1a8: {  	[tilespmem:s21+$0x40] =	vst v9  }
0x1a9: {  	[tilespmem:s21+$0x30] =	vst v8  }
0x1aa: {  	v8 =	vld [tilespmem:s20+$0x40]  }
0x1ab: {  	v9 =	vld [tilespmem:s18+$0x40]  }
0x1ac: {  	v50 =	vld [tilespmem:s20+$0x50]  }
0x1ad: {  	v51 =	vld [tilespmem:s18+$0x50]  }
0x1ae: {  	v52 =	vld [tilespmem:s20+$0x60]  }
0x1af: {  	v53 =	vld [tilespmem:s18+$0x60]  }
0x1b0: {  	v54 =	vld [tilespmem:s20+$0x70];
	v9 =	vadd.f32 v9, v8  }
0x1b1: {  	v55 =	vld [tilespmem:s18+$0x70]  }
0x1b2: {  	v10 =	vadd.f32 v51, v50;
	v56 =	vmul.f32 $2.000000030e-01, v9;
	_ =	sdelay $0x1  }
0x1b3: {  	v57 =	vadd.f32 v53, v52;
	v58 =	vmul.f32 $2.000000030e-01, v10;
	v9 =	vmax.f32 v9, v56  }
0x1b4: {  	v9 =	vmul.f32 v9, v4  }
0x1b5: {  	v59 =	vadd.f32 v55, v54;
	v13 =	vmul.f32 $2.000000030e-01, v57;
	v10 =	vmax.f32 v10, v58  }
0x1b6: {  	v10 =	vmul.f32 v10, v5;
	v9 =	vadd.f32 $0.0e+00, v9  }
0x1b7: {  	v60 =	vmul.f32 $2.000000030e-01, v59;
	v11 =	vmax.f32 v57, v13  }
0x1b8: {  	v61 =	vmul.f32 v11, v6;
	v9 =	vadd.f32 v10, v9  }
0x1b9: {  	v62 =	vmax.f32 v59, v60  }
0x1ba: {  	v63 =	vmul.f32 v62, v7;
	v9 =	vadd.f32 v61, v9;
	_ =	sdelay $0x1  }
0x1bb: {  	v9 =	vadd.f32 v63, v9;
	_ =	sdelay $0x1  }
0x1bc: {  	v10 =	vperm.xlane v9, v0;
	_ =	sdelay $0x1  }
0x1bd: {  	v9 =	vadd.f32 v9, v10;
	_ =	sdelay $0x1  }
0x1be: {  	v10 =	vperm.xlane v9, v1;
	_ =	sdelay $0x1  }
0x1bf: {  	v9 =	vadd.f32 v9, v10;
	_ =	sdelay $0x1  }
0x1c0: {  	v10 =	vperm.xlane v9, v2;
	_ =	sdelay $0x1  }
0x1c1: {  	v9 =	vadd.f32 v9, v10;
	_ =	sdelay $0x1  }
0x1c2: {  	v10 =	vperm.xlane v9, v3;
	_ =	sdelay $0x1  }
0x1c3: {  	v9 =	vadd.f32 v9, v10;
	_ =	sdelay $0x1  }
0x1c4: {  	v9 =	vmin.f32 v9, $6.000000000e+01  }
0x1c5: {  	v9 =	vmul.f32 $1.442695020e+00, v9;
	_ =	sdelay $0x1  }
0x1c6: {  	(erf) = vpow2.f32 v9;
	_ =	sdelay $0x8  }
0x1c7: {  	v9 =	vpop (erf)  }
0x1c8: {  	v8 =	vmul.f32 v9, v8;
	_ =	sdelay $0x1  }
0x1c9: {  	[tilespmem:s21+$0x50] =	vst v8  }
0x1ca: {  	v8 =	vld [tilespmem:s20+$0x50];
	_ =	sdelay $0x4  }
0x1cb: {  	v8 =	vmul.f32 v9, v8;
	_ =	sdelay $0x1  }
0x1cc: {  	[tilespmem:s21+$0x60] =	vst v8  }
0x1cd: {  	v8 =	vld [tilespmem:s20+$0x60];
	_ =	sdelay $0x4  }
0x1ce: {  	v8 =	vmul.f32 v9, v8;
	_ =	sdelay $0x1  }
0x1cf: {  	[tilespmem:s21+$0x70] =	vst v8  }
0x1d0: {  	v8 =	vld [tilespmem:s20+$0x70]  }
0x1d1: {  	s15 =	sadd.s32 $0x4, s15  }
0x1d2: {  	p1 =	slt.u32 s15, $0x7C  }
.Ltmp3:
0x1d3: {  	_ = 	snop;
	(pc) =	sbr.rel @p1 .LBB2_5-.Ltmp3, $4  }
0x1d4: {  	_ = 	snop  }
0x1d5: {  	v8 =	vmul.f32 v9, v8  }
0x1d6: {  	[tilespmem:s21+$0x90] =	vst v9  }
0x1d7: {  	s18 =	sadd.s32 $0x100, s18;
	s20 =	sadd.s32 $0x100, s20;
	[tilespmem:s21+$0x80] =	vst v8;
	s21 =	sadd.s32 $0x140, s21  }
.Ltmp4:
0x1d8: {  	(pc) =	sbr.rel @p0 .LBB2_8-.Ltmp4, $4  }
0x1d9: {  	[spmem:s3] =	stream.indirect.scatter.add.f32 [tilespmem:s10], [sflag:$0x7], $0x50, s9, s22, $0xb8;
	[tilespmem:$0x198C0] =	vst v63  }
0x1da: {  	_ =	swait.ge [sflag:s19], $0x2800  }
0x1db: {  	[sflag:s19] =	ssyncset.done $0x0  }
0x1dc: {  	[sflag:s19] =	ssyncadd.s32 $0xFFFFD800  }
0x1dd: {  	s13 =	sadd.s32 s13, s14  }
.Ltmp5:
0x1de: {  	s13 =	sshrl.u32 s13, $0x3;
	(pc) =	sbr.rel .LBB2_2-.Ltmp5, $4  }
0x1df: {  	s15 =	sadd.s32 s7, s13  }
0x1e0: {  	[tilespmem:s23], [sflag:$0x2] =	stream.linear.gather [hbm4b:s15+s4], $0x80, $0x38;
	[tilespmem:$0x198C0] =	vst v63  }
0x1e1: {  	s12 =	sadd.s32 $0x1, s12;
	s13 =	sadd.s32 s8, s13  }
0x1e2: {  	[tilespmem:s24], [sflag:$0x2] =	stream.linear.gather [hbm4b:s13+s4], $0x80, $0x38;
	[tilespmem:$0x198C0] =	vst v63  }
.LBB2_9:
0x1e3: {  	_ =	sfence.sel $0x180000  }
0x1e4: {  	[bflag:$0x0] =	sbarrier.arrive $0xFFFF  }
0x1e5: {  	_ =	strace $0x90000047  }
0x1e6: {  	s0 =	stileid.u32;
	[bflag:$0x2] =	sbarrier.arrive $0xFFFF  }
0x1e7: {  	p0 =	sne.s32 s0, $0x0;
	s0 =	rddreg [dreg:$0x3]  }
0x1e8: {  	s0 =	sadd.s32 @!p0 $0x100000, s0  }
0x1e9: {  	[sflag:s0] =	ssyncadd.tile.s32 @!p0 $0x1;
	_ =	shalt  }
.Lfunc_end2:
_tile_overlayer_lowered:
.L_overlay_start_2:
0x1ea: {  	(tag) =	ssettag $0x2  }
0x1eb: {  	s0 =	rddreg [dreg:$0x0];
	s2 =	stileid.u32  }
0x1ec: {  	s1 =	rddreg [dreg:$0x1];
	p0 =	sne.s32 s2, $0x0  }
0x1ed: {  	s3 =	rddreg [dreg:$0x2];
	[bflag:$0x3] =	sbarrier.arrive $0xFFFF;
	s2 =	simm.s32 @!p0 $0x1C07  }
0x1ee: {  	[timem:s3], [sflag:s2] =	dma.local @!p0 [hbm:s0], s1  }
0x1ef: {  	s0 =	simm.s32 @!p0 $0x7  }
0x1f0: {  	_ =	swait.ge @!p0 [sflag:s0], s1  }
0x1f1: {  	s1 =	ssub.s32 @!p0 $0x0, s1;
	[sflag:s0] =	ssyncset.done @!p0 $0x0  }
0x1f2: {  	[sflag:s0] =	ssyncadd.s32 @!p0 s1  }
0x1f3: {  	[bflag:$0x3] =	sbarrier.arrive $0xFFFF  }
0x1f4: {  	_ =	shalt  }

</sc_bundles>
